<compile_context>
chip_gen: v7x
topology: tpu7x:2x2x1
jax: 0.10.2.dev20260603
libtpu: 0.0.44.dev20260713+nightly
codegen_flags: <defaults>
</compile_context>

<pallas_src>
import functools

import jax
import jax.numpy as jnp
from jax import lax
from jax.experimental import pallas as pl
from jax.experimental.pallas import tpu as pltpu
from jax.experimental.pallas import tpu_sc as plsc

N = 10000
E = 320000
D = 128
H = 128

BLK = 512
NPAD = 10240
GB = 2048

NC = 2
NS = 16
NW = NC * NS
CH = 128
NB = 2
IG = 8
NCHUNK = 80
EPT = NCHUNK * CH
EPAD = NW * EPT
ROWS_PT = NPAD // NS


def _make_sc_scatter(width, with_gather):
    mesh = plsc.VectorSubcoreMesh(core_axis_name="c", subcore_axis_name="s",
                                  num_cores=NC, num_subcores=NS)

    if with_gather:
        scratch = ([pltpu.VMEM((IG, CH), jnp.int32)]
                   + [pltpu.VMEM((IG, CH), jnp.int32)]
                   + [pltpu.VMEM((CH, width), jnp.float32)] * NB
                   + [pltpu.VMEM_SHARED((NPAD, width), jnp.float32)]
                   + [pltpu.SemaphoreType.DMA]
                   + [pltpu.SemaphoreType.DMA] * NB)
    else:
        scratch = [
            pltpu.VMEM((NCHUNK, CH), jnp.int32),
            pltpu.VMEM((CH, width), jnp.float32),
            pltpu.VMEM_SHARED((NPAD, width), jnp.float32),
            pltpu.SemaphoreType.DMA,
        ]

    @functools.partial(
        pl.kernel,
        out_type=jax.ShapeDtypeStruct((NC, NPAD, width), jnp.float32),
        mesh=mesh,
        scratch_types=scratch,
    )
    def k(*refs):
        if with_gather:
            (rows_hbm, src_hbm, dst_hbm, zeros_hbm, out_hbm,
             srcb, dstb) = refs[:7]
            rowbufs = refs[7:7 + NB]
            acc, sem = refs[7 + NB:9 + NB]
            gsems = refs[9 + NB:]
        else:
            (ones_hbm, dst_hbm, zeros_hbm, out_hbm,
             dstb, rowb0, acc, sem) = refs
        c = lax.axis_index("c")
        s = lax.axis_index("s")
        wid = c * NS + s

        r0 = s * ROWS_PT
        pltpu.sync_copy(zeros_hbm.at[pl.ds(r0, ROWS_PT)],
                        acc.at[pl.ds(r0, ROWS_PT)])
        if not with_gather:
            pltpu.sync_copy(dst_hbm.at[pl.ds(wid * NCHUNK, NCHUNK)], dstb)
            pltpu.sync_copy(ones_hbm, rowb0)
        plsc.subcore_barrier()

        if with_gather:
            def group(g, _):
                grow = wid * NCHUNK + g * IG
                pltpu.sync_copy(src_hbm.at[pl.ds(grow, IG)], srcb)
                pltpu.sync_copy(dst_hbm.at[pl.ds(grow, IG)], dstb)
                for b in range(NB):
                    pltpu.async_copy(rows_hbm.at[srcb.at[b]], rowbufs[b],
                                     gsems[b])
                for j in range(IG):
                    b = j % NB
                    pltpu.make_async_copy(rows_hbm.at[srcb.at[j]],
                                          rowbufs[b], gsems[b]).wait()
                    pltpu.sync_copy(rowbufs[b], acc.at[dstb.at[j]], add=True)
                    if j + NB < IG:
                        pltpu.async_copy(rows_hbm.at[srcb.at[j + NB]],
                                         rowbufs[b], gsems[b])
                return 0

            lax.fori_loop(0, NCHUNK // IG, group, 0)
        else:
            def body(j, _):
                pltpu.sync_copy(rowb0, acc.at[dstb.at[j]], add=True)
                return 0

            lax.fori_loop(0, NCHUNK, body, 0)

        plsc.subcore_barrier()
        pltpu.sync_copy(acc.at[pl.ds(r0, ROWS_PT)],
                        out_hbm.at[c, pl.ds(r0, ROWS_PT)])

    return k


_sc_cache = {}


def _sc_deg(*args):
    if "deg" not in _sc_cache:
        _sc_cache["deg"] = _make_sc_scatter(H, with_gather=False)
    return _sc_cache["deg"](*args)


def _sc_rows(*args):
    if "rows" not in _sc_cache:
        _sc_cache["rows"] = _make_sc_scatter(H, with_gather=True)
    return _sc_cache["rows"](*args)


def _dinv(deg2_blk):
    deg = deg2_blk[0, :, 0:1] + deg2_blk[1, :, 0:1] + 1.0
    return lax.rsqrt(deg)


def _enc_pre1_body(x_ref, wencT_ref, benc_ref, wg1T_ref, deg2_ref, out_ref):
    h0 = jnp.dot(x_ref[...], wencT_ref[...],
                 preferred_element_type=jnp.float32) + benc_ref[...]
    dinv = _dinv(deg2_ref[...])
    out_ref[...] = jnp.dot(h0, wg1T_ref[...],
                           preferred_element_type=jnp.float32) * dinv


def _mid_body(s2_ref, hw_ref, deg2_ref, b_ref, wT_ref, out_ref):
    dinv = _dinv(deg2_ref[...])
    tot = s2_ref[0] + s2_ref[1] + hw_ref[...]
    h1 = jax.nn.relu(dinv * tot + b_ref[...])
    out_ref[...] = jnp.dot(h1, wT_ref[...],
                           preferred_element_type=jnp.float32) * dinv


def _post_body(s2_ref, hw_ref, deg2_ref, b_ref, wihT_ref, bih_ref, out_ref):
    dinv = _dinv(deg2_ref[...])
    tot = s2_ref[0] + s2_ref[1] + hw_ref[...]
    h2 = jax.nn.relu(dinv * tot + b_ref[...])
    out_ref[...] = jnp.dot(h2, wihT_ref[...],
                           preferred_element_type=jnp.float32) + bih_ref[...]


def _gru_body(gi_ref, whhT_ref, bhh_ref, wclsT_ref, bcls_ref,
              ys_ref, logits_ref, carry_ref):
    @pl.when(pl.program_id(0) == 0)
    def _():
        carry_ref[...] = jnp.zeros_like(carry_ref)

    def step(j, hprev):
        gh = jnp.dot(hprev, whhT_ref[...],
                     preferred_element_type=jnp.float32) + bhh_ref[...]
        gi = gi_ref[pl.ds(j, 1), :]
        r = jax.nn.sigmoid(gi[:, 0:H] + gh[:, 0:H])
        z = jax.nn.sigmoid(gi[:, H:2 * H] + gh[:, H:2 * H])
        n = jnp.tanh(gi[:, 2 * H:3 * H] + r * gh[:, 2 * H:3 * H])
        h = (1.0 - z) * n + z * hprev
        ys_ref[pl.ds(j, 1), :] = h
        return h

    def step8(i, hprev):
        h = hprev
        for u in range(8):
            h = step(8 * i + u, h)
        return h

    h_out = lax.fori_loop(0, GB // 8, step8, carry_ref[0:1, :])
    carry_ref[0:1, :] = h_out
    logits_ref[...] = jnp.dot(ys_ref[...], wclsT_ref[...],
                              preferred_element_type=jnp.float32) + bcls_ref[...]


def _row_spec(width):
    return pl.BlockSpec((BLK, width), lambda i: (i, 0))


def _full_spec(shape):
    return pl.BlockSpec(shape, lambda i: tuple(0 for _ in shape))


def _deg_spec():
    return pl.BlockSpec((2, BLK, H), lambda i: (0, i, 0))


def _tc_rowwise(body, in_specs, out_width, num_outs=1):
    out_shape = jax.ShapeDtypeStruct((NPAD, out_width), jnp.float32)
    return pl.pallas_call(
        body,
        grid=(NPAD // BLK,),
        in_specs=in_specs,
        out_specs=_row_spec(out_width),
        out_shape=out_shape,
    )


def kernel(x, edge_index, timestamps, W_enc, b_enc, W_g1, b_g1, W_g2, b_g2,
           W_ih, W_hh, b_ih, b_hh, W_cls, b_cls):
    del timestamps
    src = edge_index[0]
    dst = edge_index[1]

    xp = jnp.zeros((NPAD, D), jnp.float32).at[:N].set(x)

    npadding = EPAD - E
    pad_idx = jnp.arange(npadding, dtype=jnp.int32)
    srcp = jnp.concatenate(
        [src, pad_idx % N]).reshape(NW * NCHUNK, CH)
    dstp = jnp.concatenate(
        [dst, N + pad_idx % (NPAD - N)]).reshape(NW * NCHUNK, CH)
    z128 = jnp.zeros((NPAD, H), jnp.float32)
    ones128 = jnp.ones((CH, H), jnp.float32)

    deg2 = _sc_deg(ones128, dstp, z128)

    hw1 = _tc_rowwise(
        _enc_pre1_body,
        [_row_spec(D), _full_spec((D, H)), _full_spec((1, H)),
         _full_spec((H, H)), _deg_spec()],
        H,
    )(xp, W_enc.T, b_enc[None, :], W_g1.T, deg2)

    s1_2 = _sc_rows(hw1, srcp, dstp, z128)

    hw2 = _tc_rowwise(
        _mid_body,
        [pl.BlockSpec((2, BLK, H), lambda i: (0, i, 0)), _row_spec(H),
         _deg_spec(), _full_spec((1, H)), _full_spec((H, H))],
        H,
    )(s1_2, hw1, deg2, b_g1[None, :], W_g2.T)

    s2_2 = _sc_rows(hw2, srcp, dstp, z128)

    gi = _tc_rowwise(
        _post_body,
        [pl.BlockSpec((2, BLK, H), lambda i: (0, i, 0)), _row_spec(H),
         _deg_spec(), _full_spec((1, H)), _full_spec((H, 3 * H)),
         _full_spec((1, 3 * H))],
        3 * H,
    )(s2_2, hw2, deg2, b_g2[None, :], W_ih.T, b_ih[None, :])

    wcls_pad = jnp.zeros((H, 128), jnp.float32).at[:, :2].set(W_cls.T)
    bcls_pad = jnp.zeros((1, 128), jnp.float32).at[0, :2].set(b_cls)
    ys, logits_pad = pl.pallas_call(
        _gru_body,
        grid=(NPAD // GB,),
        in_specs=[pl.BlockSpec((GB, 3 * H), lambda i: (i, 0)),
                  _full_spec((H, 3 * H)), _full_spec((1, 3 * H)),
                  _full_spec((H, 128)), _full_spec((1, 128))],
        out_specs=[pl.BlockSpec((GB, H), lambda i: (i, 0)),
                   pl.BlockSpec((GB, 128), lambda i: (i, 0))],
        out_shape=[jax.ShapeDtypeStruct((NPAD, H), jnp.float32),
                   jax.ShapeDtypeStruct((NPAD, 128), jnp.float32)],
        scratch_shapes=[pltpu.VMEM((8, H), jnp.float32)],
    )(gi, W_hh.T, b_hh[None, :], wcls_pad, bcls_pad)

    return (logits_pad[:N, :2], ys[:N])

# --- scband reference (transcript-rebuilt; emitter-appended) ---
"""Pipeline reference for scband-str-gnn-53961969107353 (READ-ONLY COPY).

The authoritative reference and input builder live on the scoring server;
editing this copy changes nothing except your own understanding.
"""

import jax, jax.numpy as jnp
import numpy as np

N = 10000
E = 320000
D = 128
H = 128
C = 2


def setup_inputs(seed: int = 0) -> dict:
    key = jax.random.key(seed)
    ks = jax.random.split(key, 16)
    x = jax.random.normal(ks[0], (N, D), dtype=jnp.float32)
    edge_index = jax.random.randint(ks[1], (2, E), 0, N, dtype=jnp.int32)
    timestamps = jax.random.uniform(ks[2], (E,), dtype=jnp.float32)
    s = 0.05
    W_enc = jax.random.normal(ks[3], (H, D), jnp.float32) * s
    b_enc = jnp.zeros((H,), jnp.float32)
    W_g1 = jax.random.normal(ks[4], (H, H), jnp.float32) * s
    b_g1 = jnp.zeros((H,), jnp.float32)
    W_g2 = jax.random.normal(ks[5], (H, H), jnp.float32) * s
    b_g2 = jnp.zeros((H,), jnp.float32)
    W_ih = jax.random.normal(ks[6], (3 * H, H), jnp.float32) * s
    W_hh = jax.random.normal(ks[7], (3 * H, H), jnp.float32) * s
    b_ih = jnp.zeros((3 * H,), jnp.float32)
    b_hh = jnp.zeros((3 * H,), jnp.float32)
    W_cls = jax.random.normal(ks[8], (C, H), jnp.float32) * s
    b_cls = jnp.zeros((C,), jnp.float32)
    return {"x": x, "edge_index": edge_index, "timestamps": timestamps,
            "W_enc": W_enc, "b_enc": b_enc, "W_g1": W_g1, "b_g1": b_g1,
            "W_g2": W_g2, "b_g2": b_g2, "W_ih": W_ih, "W_hh": W_hh,
            "b_ih": b_ih, "b_hh": b_hh, "W_cls": W_cls, "b_cls": b_cls}


def _gcn_conv(h, src, dst, W, b):
    n = h.shape[0]
    loop = jnp.arange(n, dtype=src.dtype)
    row = jnp.concatenate([src, loop])
    col = jnp.concatenate([dst, loop])
    deg = jnp.zeros((n,), jnp.float32).at[col].add(1.0)
    dinv = jnp.where(deg > 0, jax.lax.rsqrt(deg), 0.0)
    norm = dinv[row] * dinv[col]
    hw = h @ W.T
    msg = jnp.take(hw, row, axis=0) * norm[:, None]
    out = jnp.zeros((n, W.shape[0]), jnp.float32).at[col].add(msg)
    return out + b


def _gru(xseq, W_ih, W_hh, b_ih, b_hh):
    h = W_hh.shape[1]

    def step(hprev, xt):
        gi = xt @ W_ih.T + b_ih
        gh = hprev @ W_hh.T + b_hh
        i_r, i_z, i_n = jnp.split(gi, 3)
        h_r, h_z, h_n = jnp.split(gh, 3)
        r = jax.nn.sigmoid(i_r + h_r)
        z = jax.nn.sigmoid(i_z + h_z)
        n = jnp.tanh(i_n + r * h_n)
        hnew = (1.0 - z) * n + z * hprev
        return hnew, hnew

    h0 = jnp.zeros((h,), jnp.float32)
    _, ys = jax.lax.scan(step, h0, xseq)
    return ys


def reference(x, edge_index, timestamps, W_enc, b_enc, W_g1, b_g1, W_g2, b_g2,
              W_ih, W_hh, b_ih, b_hh, W_cls, b_cls):
    src = edge_index[0]
    dst = edge_index[1]
    h = x @ W_enc.T + b_enc
    h = jax.nn.relu(_gcn_conv(h, src, dst, W_g1, b_g1))
    h = jax.nn.relu(_gcn_conv(h, src, dst, W_g2, b_g2))
    h = _gru(h, W_ih, W_hh, b_ih, b_hh)
    logits = h @ W_cls.T + b_cls
    return (logits, h)

if __name__ == "__main__":
    import jax
    _d = setup_inputs()
    print(jax.jit(kernel)(*tuple(_d.values())))

</pallas_src>

<mosaic_0001>
#map = affine_map<(d0, d1) -> (0, 0)>
#map1 = affine_map<(d0, d1) -> (0, 0, 0)>
module attributes {stable_mosaic.version = 14 : i64} {
  func.func @k(%arg0: i32, %arg1: i32, %arg2: memref<10240x128xf32, #tpu.memory_space<hbm>>, %arg3: memref<2560x128xi32, #tpu.memory_space<hbm>>, %arg4: memref<2560x128xi32, #tpu.memory_space<hbm>>, %arg5: memref<10240x128xf32, #tpu.memory_space<hbm>>, %arg6: memref<2x10240x128xf32, #tpu.memory_space<hbm>>, %arg7: memref<8x128xi32, #tpu.memory_space<vmem>>, %arg8: memref<8x128xi32, #tpu.memory_space<vmem>>, %arg9: memref<128x128xf32, #tpu.memory_space<vmem>>, %arg10: memref<128x128xf32, #tpu.memory_space<vmem>>, %arg11: memref<10240x128xf32, #tpu.memory_space<vmem_shared>>, %arg12: memref<!tpu.dma_semaphore, #tpu.memory_space<semaphore_mem>>, %arg13: memref<!tpu.dma_semaphore, #tpu.memory_space<semaphore_mem>>, %arg14: memref<!tpu.dma_semaphore, #tpu.memory_space<semaphore_mem>>) attributes {dimension_semantics = [#tpu.dimension_semantics<core_parallel>, #tpu.dimension_semantics<subcore_parallel>], iteration_bounds = array<i64: 2, 16>, scalar_prefetch = 0 : i64, scratch_operands = 8 : i64, tpu.core_type = #tpu.core_type<sc_vector_subcore>, window_params = [{transform_indices = #map}, {transform_indices = #map}, {transform_indices = #map}, {transform_indices = #map}, {transform_indices = #map1}]} {
    %mul3A = arith.constant 16 : i32
    %mul3A_0 = arith.muli %arg0, %mul3A : i32
    %add3A = arith.addi %mul3A_0, %arg1 : i32
    %mul3A_1 = arith.constant 640 : i32
    %mul3A_2 = arith.muli %arg1, %mul3A_1 : i32
    "tpu.region"() ({
      %run_scoped3A = tpu.sem_alloc : memref<!tpu.dma_semaphore, #tpu.memory_space<semaphore_mem>>
      %dma_start3A = arith.constant 0 : i32
      %dma_start3A_10 = tpu.memref_slice %arg11[%mul3A_2, %dma_start3A] : memref<10240x128xf32, #tpu.memory_space<vmem_shared>> -> memref<640x128xf32, #tpu.memory_space<vmem_shared>>
      %dma_start3A_11 = arith.constant 0 : i32
      %dma_start3A_12 = tpu.memref_slice %arg5[%mul3A_2, %dma_start3A_11] : memref<10240x128xf32, #tpu.memory_space<hbm>> -> memref<640x128xf32, #tpu.memory_space<hbm>>
      tpu.enqueue_dma source(%dma_start3A_12 : memref<640x128xf32, #tpu.memory_space<hbm>>) target(%dma_start3A_10 : memref<640x128xf32, #tpu.memory_space<vmem_shared>>) target_semaphore(%run_scoped3A : memref<!tpu.dma_semaphore, #tpu.memory_space<semaphore_mem>>)
      %dma_wait3A = arith.constant 0 : i32
      %dma_wait3A_13 = tpu.memref_slice %arg11[%mul3A_2, %dma_wait3A] : memref<10240x128xf32, #tpu.memory_space<vmem_shared>> -> memref<640x128xf32, #tpu.memory_space<vmem_shared>>
      %dma_wait3A_14 = arith.constant 0 : i32
      %dma_wait3A_15 = tpu.memref_slice %arg5[%mul3A_2, %dma_wait3A_14] : memref<10240x128xf32, #tpu.memory_space<hbm>> -> memref<640x128xf32, #tpu.memory_space<hbm>>
      tpu.wait_dma2 semaphore(%run_scoped3A : memref<!tpu.dma_semaphore, #tpu.memory_space<semaphore_mem>>) src(%dma_wait3A_15 : memref<640x128xf32, #tpu.memory_space<hbm>>) dst(%dma_wait3A_13 : memref<640x128xf32, #tpu.memory_space<vmem_shared>>)
      tpu.yield
    }) : () -> ()
    %barrier3A = arith.constant 0 : index
    tpu.barrier barrier_id(%barrier3A)
    %scan3A = arith.constant 0 : i32
    %scan3A_3 = arith.constant 0 : i32
    %scan3A_4 = arith.constant 10 : i32
    %scan3A_5 = arith.addi %scan3A_3, %scan3A_4 : i32
    %scan3A_6 = arith.constant 1 : i32
    %scan3A_7 = scf.for %scan3A_10 = %scan3A_3 to %scan3A_5 step %scan3A_6 iter_args(%scan3A_11 = %scan3A) -> (i32)  : i32 {
      %mul3A_12 = arith.constant 80 : i32
      %mul3A_13 = arith.muli %add3A, %mul3A_12 : i32
      %mul3A_14 = arith.constant 8 : i32
      %mul3A_15 = arith.muli %scan3A_10, %mul3A_14 : i32
      %add3A_16 = arith.addi %mul3A_13, %mul3A_15 : i32
      "tpu.region"() ({
        %run_scoped3A_135 = tpu.sem_alloc : memref<!tpu.dma_semaphore, #tpu.memory_space<semaphore_mem>>
        %dma_start3A_136 = arith.constant 0 : i32
        %dma_start3A_137 = tpu.memref_slice %arg3[%add3A_16, %dma_start3A_136] : memref<2560x128xi32, #tpu.memory_space<hbm>> -> memref<8x128xi32, #tpu.memory_space<hbm>>
        %dma_start3A_138 = arith.constant 0 : i32
        %dma_start3A_139 = tpu.memref_slice %arg3[%add3A_16, %dma_start3A_138] : memref<2560x128xi32, #tpu.memory_space<hbm>> -> memref<8x128xi32, #tpu.memory_space<hbm>>
        tpu.enqueue_dma source(%dma_start3A_139 : memref<8x128xi32, #tpu.memory_space<hbm>>) target(%arg7 : memref<8x128xi32, #tpu.memory_space<vmem>>) target_semaphore(%run_scoped3A_135 : memref<!tpu.dma_semaphore, #tpu.memory_space<semaphore_mem>>)
        %dma_wait3A_140 = arith.constant 0 : i32
        %dma_wait3A_141 = tpu.memref_slice %arg3[%add3A_16, %dma_wait3A_140] : memref<2560x128xi32, #tpu.memory_space<hbm>> -> memref<8x128xi32, #tpu.memory_space<hbm>>
        %dma_wait3A_142 = arith.constant 0 : i32
        %dma_wait3A_143 = tpu.memref_slice %arg3[%add3A_16, %dma_wait3A_142] : memref<2560x128xi32, #tpu.memory_space<hbm>> -> memref<8x128xi32, #tpu.memory_space<hbm>>
        tpu.wait_dma2 semaphore(%run_scoped3A_135 : memref<!tpu.dma_semaphore, #tpu.memory_space<semaphore_mem>>) src(%dma_wait3A_143 : memref<8x128xi32, #tpu.memory_space<hbm>>) dst(%arg7 : memref<8x128xi32, #tpu.memory_space<vmem>>)
        tpu.yield
      }) : () -> ()
      "tpu.region"() ({
        %run_scoped3A_135 = tpu.sem_alloc : memref<!tpu.dma_semaphore, #tpu.memory_space<semaphore_mem>>
        %dma_start3A_136 = arith.constant 0 : i32
        %dma_start3A_137 = tpu.memref_slice %arg4[%add3A_16, %dma_start3A_136] : memref<2560x128xi32, #tpu.memory_space<hbm>> -> memref<8x128xi32, #tpu.memory_space<hbm>>
        %dma_start3A_138 = arith.constant 0 : i32
        %dma_start3A_139 = tpu.memref_slice %arg4[%add3A_16, %dma_start3A_138] : memref<2560x128xi32, #tpu.memory_space<hbm>> -> memref<8x128xi32, #tpu.memory_space<hbm>>
        tpu.enqueue_dma source(%dma_start3A_139 : memref<8x128xi32, #tpu.memory_space<hbm>>) target(%arg8 : memref<8x128xi32, #tpu.memory_space<vmem>>) target_semaphore(%run_scoped3A_135 : memref<!tpu.dma_semaphore, #tpu.memory_space<semaphore_mem>>)
        %dma_wait3A_140 = arith.constant 0 : i32
        %dma_wait3A_141 = tpu.memref_slice %arg4[%add3A_16, %dma_wait3A_140] : memref<2560x128xi32, #tpu.memory_space<hbm>> -> memref<8x128xi32, #tpu.memory_space<hbm>>
        %dma_wait3A_142 = arith.constant 0 : i32
        %dma_wait3A_143 = tpu.memref_slice %arg4[%add3A_16, %dma_wait3A_142] : memref<2560x128xi32, #tpu.memory_space<hbm>> -> memref<8x128xi32, #tpu.memory_space<hbm>>
        tpu.wait_dma2 semaphore(%run_scoped3A_135 : memref<!tpu.dma_semaphore, #tpu.memory_space<semaphore_mem>>) src(%dma_wait3A_143 : memref<8x128xi32, #tpu.memory_space<hbm>>) dst(%arg8 : memref<8x128xi32, #tpu.memory_space<vmem>>)
        tpu.yield
      }) : () -> ()
      %dma_start3A = arith.constant 0 : i32
      %dma_start3A_17 = arith.constant 0 : i32
      %dma_start3A_18 = tpu.memref_slice %arg7[%dma_start3A, %dma_start3A_17] : memref<8x128xi32, #tpu.memory_space<vmem>> -> memref<1x128xi32, #tpu.memory_space<vmem>>
      %dma_start3A_19 = tpu.memref_squeeze %dma_start3A_18 : memref<1x128xi32, #tpu.memory_space<vmem>> -> memref<128xi32, #tpu.memory_space<vmem>>
      %dma_start3A_20 = arith.constant 0 : i32
      %dma_start3A_21 = arith.constant 0 : i32
      %dma_start3A_22 = tpu.memref_slice %arg2[%dma_start3A_20, %dma_start3A_21] : memref<10240x128xf32, #tpu.memory_space<hbm>> -> memref<10240x128xf32, #tpu.memory_space<hbm>>
      tpu.enqueue_indirect_dma source(%dma_start3A_22 : memref<10240x128xf32, #tpu.memory_space<hbm>>) target(%arg9 : memref<128x128xf32, #tpu.memory_space<vmem>>) offsets(%dma_start3A_19 : memref<128xi32, #tpu.memory_space<vmem>>) semaphore(%arg13 : memref<!tpu.dma_semaphore, #tpu.memory_space<semaphore_mem>>)
      %dma_start3A_23 = arith.constant 1 : i32
      %dma_start3A_24 = arith.constant 0 : i32
      %dma_start3A_25 = tpu.memref_slice %arg7[%dma_start3A_23, %dma_start3A_24] : memref<8x128xi32, #tpu.memory_space<vmem>> -> memref<1x128xi32, #tpu.memory_space<vmem>>
      %dma_start3A_26 = tpu.memref_squeeze %dma_start3A_25 : memref<1x128xi32, #tpu.memory_space<vmem>> -> memref<128xi32, #tpu.memory_space<vmem>>
      %dma_start3A_27 = arith.constant 0 : i32
      %dma_start3A_28 = arith.constant 0 : i32
      %dma_start3A_29 = tpu.memref_slice %arg2[%dma_start3A_27, %dma_start3A_28] : memref<10240x128xf32, #tpu.memory_space<hbm>> -> memref<10240x128xf32, #tpu.memory_space<hbm>>
      tpu.enqueue_indirect_dma source(%dma_start3A_29 : memref<10240x128xf32, #tpu.memory_space<hbm>>) target(%arg10 : memref<128x128xf32, #tpu.memory_space<vmem>>) offsets(%dma_start3A_26 : memref<128xi32, #tpu.memory_space<vmem>>) semaphore(%arg14 : memref<!tpu.dma_semaphore, #tpu.memory_space<semaphore_mem>>)
      %dma_wait3A = arith.constant 0 : i32
      %dma_wait3A_30 = arith.constant 0 : i32
      %dma_wait3A_31 = tpu.memref_slice %arg7[%dma_wait3A, %dma_wait3A_30] : memref<8x128xi32, #tpu.memory_space<vmem>> -> memref<1x128xi32, #tpu.memory_space<vmem>>
      %dma_wait3A_32 = tpu.memref_squeeze %dma_wait3A_31 : memref<1x128xi32, #tpu.memory_space<vmem>> -> memref<128xi32, #tpu.memory_space<vmem>>
      %dma_wait3A_33 = arith.constant 0 : i32
      %dma_wait3A_34 = arith.constant 0 : i32
      %dma_wait3A_35 = tpu.memref_slice %arg2[%dma_wait3A_33, %dma_wait3A_34] : memref<10240x128xf32, #tpu.memory_space<hbm>> -> memref<10240x128xf32, #tpu.memory_space<hbm>>
      tpu.wait_indirect_dma semaphore(%arg13 : memref<!tpu.dma_semaphore, #tpu.memory_space<semaphore_mem>>) src(%dma_wait3A_35 : memref<10240x128xf32, #tpu.memory_space<hbm>>) dst(%arg9 : memref<128x128xf32, #tpu.memory_space<vmem>>)
      %run_scoped3A = arith.constant 0 : i32
      "tpu.region"() ({
        %run_scoped3A_135 = tpu.sem_alloc : memref<!tpu.dma_semaphore, #tpu.memory_space<semaphore_mem>>
        %dma_start3A_136 = arith.constant 0 : i32
        %dma_start3A_137 = tpu.memref_slice %arg8[%run_scoped3A, %dma_start3A_136] : memref<8x128xi32, #tpu.memory_space<vmem>> -> memref<1x128xi32, #tpu.memory_space<vmem>>
        %dma_start3A_138 = tpu.memref_squeeze %dma_start3A_137 : memref<1x128xi32, #tpu.memory_space<vmem>> -> memref<128xi32, #tpu.memory_space<vmem>>
        %dma_start3A_139 = arith.constant 0 : i32
        %dma_start3A_140 = arith.constant 0 : i32
        %dma_start3A_141 = tpu.memref_slice %arg11[%dma_start3A_139, %dma_start3A_140] : memref<10240x128xf32, #tpu.memory_space<vmem_shared>> -> memref<10240x128xf32, #tpu.memory_space<vmem_shared>>
        tpu.enqueue_indirect_dma source(%arg9 : memref<128x128xf32, #tpu.memory_space<vmem>>) target(%dma_start3A_141 : memref<10240x128xf32, #tpu.memory_space<vmem_shared>>) offsets(%dma_start3A_138 : memref<128xi32, #tpu.memory_space<vmem>>) semaphore(%run_scoped3A_135 : memref<!tpu.dma_semaphore, #tpu.memory_space<semaphore_mem>>) {add = true}
        %dma_wait3A_142 = arith.constant 0 : i32
        %dma_wait3A_143 = tpu.memref_slice %arg8[%run_scoped3A, %dma_wait3A_142] : memref<8x128xi32, #tpu.memory_space<vmem>> -> memref<1x128xi32, #tpu.memory_space<vmem>>
        %dma_wait3A_144 = tpu.memref_squeeze %dma_wait3A_143 : memref<1x128xi32, #tpu.memory_space<vmem>> -> memref<128xi32, #tpu.memory_space<vmem>>
        %dma_wait3A_145 = arith.constant 0 : i32
        %dma_wait3A_146 = arith.constant 0 : i32
        %dma_wait3A_147 = tpu.memref_slice %arg11[%dma_wait3A_145, %dma_wait3A_146] : memref<10240x128xf32, #tpu.memory_space<vmem_shared>> -> memref<10240x128xf32, #tpu.memory_space<vmem_shared>>
        tpu.wait_indirect_dma semaphore(%run_scoped3A_135 : memref<!tpu.dma_semaphore, #tpu.memory_space<semaphore_mem>>) src(%arg9 : memref<128x128xf32, #tpu.memory_space<vmem>>) dst(%dma_wait3A_147 : memref<10240x128xf32, #tpu.memory_space<vmem_shared>>)
        tpu.yield
      }) : () -> ()
      %dma_start3A_36 = arith.constant 2 : i32
      %dma_start3A_37 = arith.constant 0 : i32
      %dma_start3A_38 = tpu.memref_slice %arg7[%dma_start3A_36, %dma_start3A_37] : memref<8x128xi32, #tpu.memory_space<vmem>> -> memref<1x128xi32, #tpu.memory_space<vmem>>
      %dma_start3A_39 = tpu.memref_squeeze %dma_start3A_38 : memref<1x128xi32, #tpu.memory_space<vmem>> -> memref<128xi32, #tpu.memory_space<vmem>>
      %dma_start3A_40 = arith.constant 0 : i32
      %dma_start3A_41 = arith.constant 0 : i32
      %dma_start3A_42 = tpu.memref_slice %arg2[%dma_start3A_40, %dma_start3A_41] : memref<10240x128xf32, #tpu.memory_space<hbm>> -> memref<10240x128xf32, #tpu.memory_space<hbm>>
      tpu.enqueue_indirect_dma source(%dma_start3A_42 : memref<10240x128xf32, #tpu.memory_space<hbm>>) target(%arg9 : memref<128x128xf32, #tpu.memory_space<vmem>>) offsets(%dma_start3A_39 : memref<128xi32, #tpu.memory_space<vmem>>) semaphore(%arg13 : memref<!tpu.dma_semaphore, #tpu.memory_space<semaphore_mem>>)
      %dma_wait3A_43 = arith.constant 1 : i32
      %dma_wait3A_44 = arith.constant 0 : i32
      %dma_wait3A_45 = tpu.memref_slice %arg7[%dma_wait3A_43, %dma_wait3A_44] : memref<8x128xi32, #tpu.memory_space<vmem>> -> memref<1x128xi32, #tpu.memory_space<vmem>>
      %dma_wait3A_46 = tpu.memref_squeeze %dma_wait3A_45 : memref<1x128xi32, #tpu.memory_space<vmem>> -> memref<128xi32, #tpu.memory_space<vmem>>
      %dma_wait3A_47 = arith.constant 0 : i32
      %dma_wait3A_48 = arith.constant 0 : i32
      %dma_wait3A_49 = tpu.memref_slice %arg2[%dma_wait3A_47, %dma_wait3A_48] : memref<10240x128xf32, #tpu.memory_space<hbm>> -> memref<10240x128xf32, #tpu.memory_space<hbm>>
      tpu.wait_indirect_dma semaphore(%arg14 : memref<!tpu.dma_semaphore, #tpu.memory_space<semaphore_mem>>) src(%dma_wait3A_49 : memref<10240x128xf32, #tpu.memory_space<hbm>>) dst(%arg10 : memref<128x128xf32, #tpu.memory_space<vmem>>)
      %run_scoped3A_50 = arith.constant 1 : i32
      "tpu.region"() ({
        %run_scoped3A_135 = tpu.sem_alloc : memref<!tpu.dma_semaphore, #tpu.memory_space<semaphore_mem>>
        %dma_start3A_136 = arith.constant 0 : i32
        %dma_start3A_137 = tpu.memref_slice %arg8[%run_scoped3A_50, %dma_start3A_136] : memref<8x128xi32, #tpu.memory_space<vmem>> -> memref<1x128xi32, #tpu.memory_space<vmem>>
        %dma_start3A_138 = tpu.memref_squeeze %dma_start3A_137 : memref<1x128xi32, #tpu.memory_space<vmem>> -> memref<128xi32, #tpu.memory_space<vmem>>
        %dma_start3A_139 = arith.constant 0 : i32
        %dma_start3A_140 = arith.constant 0 : i32
        %dma_start3A_141 = tpu.memref_slice %arg11[%dma_start3A_139, %dma_start3A_140] : memref<10240x128xf32, #tpu.memory_space<vmem_shared>> -> memref<10240x128xf32, #tpu.memory_space<vmem_shared>>
        tpu.enqueue_indirect_dma source(%arg10 : memref<128x128xf32, #tpu.memory_space<vmem>>) target(%dma_start3A_141 : memref<10240x128xf32, #tpu.memory_space<vmem_shared>>) offsets(%dma_start3A_138 : memref<128xi32, #tpu.memory_space<vmem>>) semaphore(%run_scoped3A_135 : memref<!tpu.dma_semaphore, #tpu.memory_space<semaphore_mem>>) {add = true}
        %dma_wait3A_142 = arith.constant 0 : i32
        %dma_wait3A_143 = tpu.memref_slice %arg8[%run_scoped3A_50, %dma_wait3A_142] : memref<8x128xi32, #tpu.memory_space<vmem>> -> memref<1x128xi32, #tpu.memory_space<vmem>>
        %dma_wait3A_144 = tpu.memref_squeeze %dma_wait3A_143 : memref<1x128xi32, #tpu.memory_space<vmem>> -> memref<128xi32, #tpu.memory_space<vmem>>
        %dma_wait3A_145 = arith.constant 0 : i32
        %dma_wait3A_146 = arith.constant 0 : i32
        %dma_wait3A_147 = tpu.memref_slice %arg11[%dma_wait3A_145, %dma_wait3A_146] : memref<10240x128xf32, #tpu.memory_space<vmem_shared>> -> memref<10240x128xf32, #tpu.memory_space<vmem_shared>>
        tpu.wait_indirect_dma semaphore(%run_scoped3A_135 : memref<!tpu.dma_semaphore, #tpu.memory_space<semaphore_mem>>) src(%arg10 : memref<128x128xf32, #tpu.memory_space<vmem>>) dst(%dma_wait3A_147 : memref<10240x128xf32, #tpu.memory_space<vmem_shared>>)
        tpu.yield
      }) : () -> ()
      %dma_start3A_51 = arith.constant 3 : i32
      %dma_start3A_52 = arith.constant 0 : i32
      %dma_start3A_53 = tpu.memref_slice %arg7[%dma_start3A_51, %dma_start3A_52] : memref<8x128xi32, #tpu.memory_space<vmem>> -> memref<1x128xi32, #tpu.memory_space<vmem>>
      %dma_start3A_54 = tpu.memref_squeeze %dma_start3A_53 : memref<1x128xi32, #tpu.memory_space<vmem>> -> memref<128xi32, #tpu.memory_space<vmem>>
      %dma_start3A_55 = arith.constant 0 : i32
      %dma_start3A_56 = arith.constant 0 : i32
      %dma_start3A_57 = tpu.memref_slice %arg2[%dma_start3A_55, %dma_start3A_56] : memref<10240x128xf32, #tpu.memory_space<hbm>> -> memref<10240x128xf32, #tpu.memory_space<hbm>>
      tpu.enqueue_indirect_dma source(%dma_start3A_57 : memref<10240x128xf32, #tpu.memory_space<hbm>>) target(%arg10 : memref<128x128xf32, #tpu.memory_space<vmem>>) offsets(%dma_start3A_54 : memref<128xi32, #tpu.memory_space<vmem>>) semaphore(%arg14 : memref<!tpu.dma_semaphore, #tpu.memory_space<semaphore_mem>>)
      %dma_wait3A_58 = arith.constant 2 : i32
      %dma_wait3A_59 = arith.constant 0 : i32
      %dma_wait3A_60 = tpu.memref_slice %arg7[%dma_wait3A_58, %dma_wait3A_59] : memref<8x128xi32, #tpu.memory_space<vmem>> -> memref<1x128xi32, #tpu.memory_space<vmem>>
      %dma_wait3A_61 = tpu.memref_squeeze %dma_wait3A_60 : memref<1x128xi32, #tpu.memory_space<vmem>> -> memref<128xi32, #tpu.memory_space<vmem>>
      %dma_wait3A_62 = arith.constant 0 : i32
      %dma_wait3A_63 = arith.constant 0 : i32
      %dma_wait3A_64 = tpu.memref_slice %arg2[%dma_wait3A_62, %dma_wait3A_63] : memref<10240x128xf32, #tpu.memory_space<hbm>> -> memref<10240x128xf32, #tpu.memory_space<hbm>>
      tpu.wait_indirect_dma semaphore(%arg13 : memref<!tpu.dma_semaphore, #tpu.memory_space<semaphore_mem>>) src(%dma_wait3A_64 : memref<10240x128xf32, #tpu.memory_space<hbm>>) dst(%arg9 : memref<128x128xf32, #tpu.memory_space<vmem>>)
      %run_scoped3A_65 = arith.constant 2 : i32
      "tpu.region"() ({
        %run_scoped3A_135 = tpu.sem_alloc : memref<!tpu.dma_semaphore, #tpu.memory_space<semaphore_mem>>
        %dma_start3A_136 = arith.constant 0 : i32
        %dma_start3A_137 = tpu.memref_slice %arg8[%run_scoped3A_65, %dma_start3A_136] : memref<8x128xi32, #tpu.memory_space<vmem>> -> memref<1x128xi32, #tpu.memory_space<vmem>>
        %dma_start3A_138 = tpu.memref_squeeze %dma_start3A_137 : memref<1x128xi32, #tpu.memory_space<vmem>> -> memref<128xi32, #tpu.memory_space<vmem>>
        %dma_start3A_139 = arith.constant 0 : i32
        %dma_start3A_140 = arith.constant 0 : i32
        %dma_start3A_141 = tpu.memref_slice %arg11[%dma_start3A_139, %dma_start3A_140] : memref<10240x128xf32, #tpu.memory_space<vmem_shared>> -> memref<10240x128xf32, #tpu.memory_space<vmem_shared>>
        tpu.enqueue_indirect_dma source(%arg9 : memref<128x128xf32, #tpu.memory_space<vmem>>) target(%dma_start3A_141 : memref<10240x128xf32, #tpu.memory_space<vmem_shared>>) offsets(%dma_start3A_138 : memref<128xi32, #tpu.memory_space<vmem>>) semaphore(%run_scoped3A_135 : memref<!tpu.dma_semaphore, #tpu.memory_space<semaphore_mem>>) {add = true}
        %dma_wait3A_142 = arith.constant 0 : i32
        %dma_wait3A_143 = tpu.memref_slice %arg8[%run_scoped3A_65, %dma_wait3A_142] : memref<8x128xi32, #tpu.memory_space<vmem>> -> memref<1x128xi32, #tpu.memory_space<vmem>>
        %dma_wait3A_144 = tpu.memref_squeeze %dma_wait3A_143 : memref<1x128xi32, #tpu.memory_space<vmem>> -> memref<128xi32, #tpu.memory_space<vmem>>
        %dma_wait3A_145 = arith.constant 0 : i32
        %dma_wait3A_146 = arith.constant 0 : i32
        %dma_wait3A_147 = tpu.memref_slice %arg11[%dma_wait3A_145, %dma_wait3A_146] : memref<10240x128xf32, #tpu.memory_space<vmem_shared>> -> memref<10240x128xf32, #tpu.memory_space<vmem_shared>>
        tpu.wait_indirect_dma semaphore(%run_scoped3A_135 : memref<!tpu.dma_semaphore, #tpu.memory_space<semaphore_mem>>) src(%arg9 : memref<128x128xf32, #tpu.memory_space<vmem>>) dst(%dma_wait3A_147 : memref<10240x128xf32, #tpu.memory_space<vmem_shared>>)
        tpu.yield
      }) : () -> ()
      %dma_start3A_66 = arith.constant 4 : i32
      %dma_start3A_67 = arith.constant 0 : i32
      %dma_start3A_68 = tpu.memref_slice %arg7[%dma_start3A_66, %dma_start3A_67] : memref<8x128xi32, #tpu.memory_space<vmem>> -> memref<1x128xi32, #tpu.memory_space<vmem>>
      %dma_start3A_69 = tpu.memref_squeeze %dma_start3A_68 : memref<1x128xi32, #tpu.memory_space<vmem>> -> memref<128xi32, #tpu.memory_space<vmem>>
      %dma_start3A_70 = arith.constant 0 : i32
      %dma_start3A_71 = arith.constant 0 : i32
      %dma_start3A_72 = tpu.memref_slice %arg2[%dma_start3A_70, %dma_start3A_71] : memref<10240x128xf32, #tpu.memory_space<hbm>> -> memref<10240x128xf32, #tpu.memory_space<hbm>>
      tpu.enqueue_indirect_dma source(%dma_start3A_72 : memref<10240x128xf32, #tpu.memory_space<hbm>>) target(%arg9 : memref<128x128xf32, #tpu.memory_space<vmem>>) offsets(%dma_start3A_69 : memref<128xi32, #tpu.memory_space<vmem>>) semaphore(%arg13 : memref<!tpu.dma_semaphore, #tpu.memory_space<semaphore_mem>>)
      %dma_wait3A_73 = arith.constant 3 : i32
      %dma_wait3A_74 = arith.constant 0 : i32
      %dma_wait3A_75 = tpu.memref_slice %arg7[%dma_wait3A_73, %dma_wait3A_74] : memref<8x128xi32, #tpu.memory_space<vmem>> -> memref<1x128xi32, #tpu.memory_space<vmem>>
      %dma_wait3A_76 = tpu.memref_squeeze %dma_wait3A_75 : memref<1x128xi32, #tpu.memory_space<vmem>> -> memref<128xi32, #tpu.memory_space<vmem>>
      %dma_wait3A_77 = arith.constant 0 : i32
      %dma_wait3A_78 = arith.constant 0 : i32
      %dma_wait3A_79 = tpu.memref_slice %arg2[%dma_wait3A_77, %dma_wait3A_78] : memref<10240x128xf32, #tpu.memory_space<hbm>> -> memref<10240x128xf32, #tpu.memory_space<hbm>>
      tpu.wait_indirect_dma semaphore(%arg14 : memref<!tpu.dma_semaphore, #tpu.memory_space<semaphore_mem>>) src(%dma_wait3A_79 : memref<10240x128xf32, #tpu.memory_space<hbm>>) dst(%arg10 : memref<128x128xf32, #tpu.memory_space<vmem>>)
      %run_scoped3A_80 = arith.constant 3 : i32
      "tpu.region"() ({
        %run_scoped3A_135 = tpu.sem_alloc : memref<!tpu.dma_semaphore, #tpu.memory_space<semaphore_mem>>
        %dma_start3A_136 = arith.constant 0 : i32
        %dma_start3A_137 = tpu.memref_slice %arg8[%run_scoped3A_80, %dma_start3A_136] : memref<8x128xi32, #tpu.memory_space<vmem>> -> memref<1x128xi32, #tpu.memory_space<vmem>>
        %dma_start3A_138 = tpu.memref_squeeze %dma_start3A_137 : memref<1x128xi32, #tpu.memory_space<vmem>> -> memref<128xi32, #tpu.memory_space<vmem>>
        %dma_start3A_139 = arith.constant 0 : i32
        %dma_start3A_140 = arith.constant 0 : i32
        %dma_start3A_141 = tpu.memref_slice %arg11[%dma_start3A_139, %dma_start3A_140] : memref<10240x128xf32, #tpu.memory_space<vmem_shared>> -> memref<10240x128xf32, #tpu.memory_space<vmem_shared>>
        tpu.enqueue_indirect_dma source(%arg10 : memref<128x128xf32, #tpu.memory_space<vmem>>) target(%dma_start3A_141 : memref<10240x128xf32, #tpu.memory_space<vmem_shared>>) offsets(%dma_start3A_138 : memref<128xi32, #tpu.memory_space<vmem>>) semaphore(%run_scoped3A_135 : memref<!tpu.dma_semaphore, #tpu.memory_space<semaphore_mem>>) {add = true}
        %dma_wait3A_142 = arith.constant 0 : i32
        %dma_wait3A_143 = tpu.memref_slice %arg8[%run_scoped3A_80, %dma_wait3A_142] : memref<8x128xi32, #tpu.memory_space<vmem>> -> memref<1x128xi32, #tpu.memory_space<vmem>>
        %dma_wait3A_144 = tpu.memref_squeeze %dma_wait3A_143 : memref<1x128xi32, #tpu.memory_space<vmem>> -> memref<128xi32, #tpu.memory_space<vmem>>
        %dma_wait3A_145 = arith.constant 0 : i32
        %dma_wait3A_146 = arith.constant 0 : i32
        %dma_wait3A_147 = tpu.memref_slice %arg11[%dma_wait3A_145, %dma_wait3A_146] : memref<10240x128xf32, #tpu.memory_space<vmem_shared>> -> memref<10240x128xf32, #tpu.memory_space<vmem_shared>>
        tpu.wait_indirect_dma semaphore(%run_scoped3A_135 : memref<!tpu.dma_semaphore, #tpu.memory_space<semaphore_mem>>) src(%arg10 : memref<128x128xf32, #tpu.memory_space<vmem>>) dst(%dma_wait3A_147 : memref<10240x128xf32, #tpu.memory_space<vmem_shared>>)
        tpu.yield
      }) : () -> ()
      %dma_start3A_81 = arith.constant 5 : i32
      %dma_start3A_82 = arith.constant 0 : i32
      %dma_start3A_83 = tpu.memref_slice %arg7[%dma_start3A_81, %dma_start3A_82] : memref<8x128xi32, #tpu.memory_space<vmem>> -> memref<1x128xi32, #tpu.memory_space<vmem>>
      %dma_start3A_84 = tpu.memref_squeeze %dma_start3A_83 : memref<1x128xi32, #tpu.memory_space<vmem>> -> memref<128xi32, #tpu.memory_space<vmem>>
      %dma_start3A_85 = arith.constant 0 : i32
      %dma_start3A_86 = arith.constant 0 : i32
      %dma_start3A_87 = tpu.memref_slice %arg2[%dma_start3A_85, %dma_start3A_86] : memref<10240x128xf32, #tpu.memory_space<hbm>> -> memref<10240x128xf32, #tpu.memory_space<hbm>>
      tpu.enqueue_indirect_dma source(%dma_start3A_87 : memref<10240x128xf32, #tpu.memory_space<hbm>>) target(%arg10 : memref<128x128xf32, #tpu.memory_space<vmem>>) offsets(%dma_start3A_84 : memref<128xi32, #tpu.memory_space<vmem>>) semaphore(%arg14 : memref<!tpu.dma_semaphore, #tpu.memory_space<semaphore_mem>>)
      %dma_wait3A_88 = arith.constant 4 : i32
      %dma_wait3A_89 = arith.constant 0 : i32
      %dma_wait3A_90 = tpu.memref_slice %arg7[%dma_wait3A_88, %dma_wait3A_89] : memref<8x128xi32, #tpu.memory_space<vmem>> -> memref<1x128xi32, #tpu.memory_space<vmem>>
      %dma_wait3A_91 = tpu.memref_squeeze %dma_wait3A_90 : memref<1x128xi32, #tpu.memory_space<vmem>> -> memref<128xi32, #tpu.memory_space<vmem>>
      %dma_wait3A_92 = arith.constant 0 : i32
      %dma_wait3A_93 = arith.constant 0 : i32
      %dma_wait3A_94 = tpu.memref_slice %arg2[%dma_wait3A_92, %dma_wait3A_93] : memref<10240x128xf32, #tpu.memory_space<hbm>> -> memref<10240x128xf32, #tpu.memory_space<hbm>>
      tpu.wait_indirect_dma semaphore(%arg13 : memref<!tpu.dma_semaphore, #tpu.memory_space<semaphore_mem>>) src(%dma_wait3A_94 : memref<10240x128xf32, #tpu.memory_space<hbm>>) dst(%arg9 : memref<128x128xf32, #tpu.memory_space<vmem>>)
      %run_scoped3A_95 = arith.constant 4 : i32
      "tpu.region"() ({
        %run_scoped3A_135 = tpu.sem_alloc : memref<!tpu.dma_semaphore, #tpu.memory_space<semaphore_mem>>
        %dma_start3A_136 = arith.constant 0 : i32
        %dma_start3A_137 = tpu.memref_slice %arg8[%run_scoped3A_95, %dma_start3A_136] : memref<8x128xi32, #tpu.memory_space<vmem>> -> memref<1x128xi32, #tpu.memory_space<vmem>>
        %dma_start3A_138 = tpu.memref_squeeze %dma_start3A_137 : memref<1x128xi32, #tpu.memory_space<vmem>> -> memref<128xi32, #tpu.memory_space<vmem>>
        %dma_start3A_139 = arith.constant 0 : i32
        %dma_start3A_140 = arith.constant 0 : i32
        %dma_start3A_141 = tpu.memref_slice %arg11[%dma_start3A_139, %dma_start3A_140] : memref<10240x128xf32, #tpu.memory_space<vmem_shared>> -> memref<10240x128xf32, #tpu.memory_space<vmem_shared>>
        tpu.enqueue_indirect_dma source(%arg9 : memref<128x128xf32, #tpu.memory_space<vmem>>) target(%dma_start3A_141 : memref<10240x128xf32, #tpu.memory_space<vmem_shared>>) offsets(%dma_start3A_138 : memref<128xi32, #tpu.memory_space<vmem>>) semaphore(%run_scoped3A_135 : memref<!tpu.dma_semaphore, #tpu.memory_space<semaphore_mem>>) {add = true}
        %dma_wait3A_142 = arith.constant 0 : i32
        %dma_wait3A_143 = tpu.memref_slice %arg8[%run_scoped3A_95, %dma_wait3A_142] : memref<8x128xi32, #tpu.memory_space<vmem>> -> memref<1x128xi32, #tpu.memory_space<vmem>>
        %dma_wait3A_144 = tpu.memref_squeeze %dma_wait3A_143 : memref<1x128xi32, #tpu.memory_space<vmem>> -> memref<128xi32, #tpu.memory_space<vmem>>
        %dma_wait3A_145 = arith.constant 0 : i32
        %dma_wait3A_146 = arith.constant 0 : i32
        %dma_wait3A_147 = tpu.memref_slice %arg11[%dma_wait3A_145, %dma_wait3A_146] : memref<10240x128xf32, #tpu.memory_space<vmem_shared>> -> memref<10240x128xf32, #tpu.memory_space<vmem_shared>>
        tpu.wait_indirect_dma semaphore(%run_scoped3A_135 : memref<!tpu.dma_semaphore, #tpu.memory_space<semaphore_mem>>) src(%arg9 : memref<128x128xf32, #tpu.memory_space<vmem>>) dst(%dma_wait3A_147 : memref<10240x128xf32, #tpu.memory_space<vmem_shared>>)
        tpu.yield
      }) : () -> ()
      %dma_start3A_96 = arith.constant 6 : i32
      %dma_start3A_97 = arith.constant 0 : i32
      %dma_start3A_98 = tpu.memref_slice %arg7[%dma_start3A_96, %dma_start3A_97] : memref<8x128xi32, #tpu.memory_space<vmem>> -> memref<1x128xi32, #tpu.memory_space<vmem>>
      %dma_start3A_99 = tpu.memref_squeeze %dma_start3A_98 : memref<1x128xi32, #tpu.memory_space<vmem>> -> memref<128xi32, #tpu.memory_space<vmem>>
      %dma_start3A_100 = arith.constant 0 : i32
      %dma_start3A_101 = arith.constant 0 : i32
      %dma_start3A_102 = tpu.memref_slice %arg2[%dma_start3A_100, %dma_start3A_101] : memref<10240x128xf32, #tpu.memory_space<hbm>> -> memref<10240x128xf32, #tpu.memory_space<hbm>>
      tpu.enqueue_indirect_dma source(%dma_start3A_102 : memref<10240x128xf32, #tpu.memory_space<hbm>>) target(%arg9 : memref<128x128xf32, #tpu.memory_space<vmem>>) offsets(%dma_start3A_99 : memref<128xi32, #tpu.memory_space<vmem>>) semaphore(%arg13 : memref<!tpu.dma_semaphore, #tpu.memory_space<semaphore_mem>>)
      %dma_wait3A_103 = arith.constant 5 : i32
      %dma_wait3A_104 = arith.constant 0 : i32
      %dma_wait3A_105 = tpu.memref_slice %arg7[%dma_wait3A_103, %dma_wait3A_104] : memref<8x128xi32, #tpu.memory_space<vmem>> -> memref<1x128xi32, #tpu.memory_space<vmem>>
      %dma_wait3A_106 = tpu.memref_squeeze %dma_wait3A_105 : memref<1x128xi32, #tpu.memory_space<vmem>> -> memref<128xi32, #tpu.memory_space<vmem>>
      %dma_wait3A_107 = arith.constant 0 : i32
      %dma_wait3A_108 = arith.constant 0 : i32
      %dma_wait3A_109 = tpu.memref_slice %arg2[%dma_wait3A_107, %dma_wait3A_108] : memref<10240x128xf32, #tpu.memory_space<hbm>> -> memref<10240x128xf32, #tpu.memory_space<hbm>>
      tpu.wait_indirect_dma semaphore(%arg14 : memref<!tpu.dma_semaphore, #tpu.memory_space<semaphore_mem>>) src(%dma_wait3A_109 : memref<10240x128xf32, #tpu.memory_space<hbm>>) dst(%arg10 : memref<128x128xf32, #tpu.memory_space<vmem>>)
      %run_scoped3A_110 = arith.constant 5 : i32
      "tpu.region"() ({
        %run_scoped3A_135 = tpu.sem_alloc : memref<!tpu.dma_semaphore, #tpu.memory_space<semaphore_mem>>
        %dma_start3A_136 = arith.constant 0 : i32
        %dma_start3A_137 = tpu.memref_slice %arg8[%run_scoped3A_110, %dma_start3A_136] : memref<8x128xi32, #tpu.memory_space<vmem>> -> memref<1x128xi32, #tpu.memory_space<vmem>>
        %dma_start3A_138 = tpu.memref_squeeze %dma_start3A_137 : memref<1x128xi32, #tpu.memory_space<vmem>> -> memref<128xi32, #tpu.memory_space<vmem>>
        %dma_start3A_139 = arith.constant 0 : i32
        %dma_start3A_140 = arith.constant 0 : i32
        %dma_start3A_141 = tpu.memref_slice %arg11[%dma_start3A_139, %dma_start3A_140] : memref<10240x128xf32, #tpu.memory_space<vmem_shared>> -> memref<10240x128xf32, #tpu.memory_space<vmem_shared>>
        tpu.enqueue_indirect_dma source(%arg10 : memref<128x128xf32, #tpu.memory_space<vmem>>) target(%dma_start3A_141 : memref<10240x128xf32, #tpu.memory_space<vmem_shared>>) offsets(%dma_start3A_138 : memref<128xi32, #tpu.memory_space<vmem>>) semaphore(%run_scoped3A_135 : memref<!tpu.dma_semaphore, #tpu.memory_space<semaphore_mem>>) {add = true}
        %dma_wait3A_142 = arith.constant 0 : i32
        %dma_wait3A_143 = tpu.memref_slice %arg8[%run_scoped3A_110, %dma_wait3A_142] : memref<8x128xi32, #tpu.memory_space<vmem>> -> memref<1x128xi32, #tpu.memory_space<vmem>>
        %dma_wait3A_144 = tpu.memref_squeeze %dma_wait3A_143 : memref<1x128xi32, #tpu.memory_space<vmem>> -> memref<128xi32, #tpu.memory_space<vmem>>
        %dma_wait3A_145 = arith.constant 0 : i32
        %dma_wait3A_146 = arith.constant 0 : i32
        %dma_wait3A_147 = tpu.memref_slice %arg11[%dma_wait3A_145, %dma_wait3A_146] : memref<10240x128xf32, #tpu.memory_space<vmem_shared>> -> memref<10240x128xf32, #tpu.memory_space<vmem_shared>>
        tpu.wait_indirect_dma semaphore(%run_scoped3A_135 : memref<!tpu.dma_semaphore, #tpu.memory_space<semaphore_mem>>) src(%arg10 : memref<128x128xf32, #tpu.memory_space<vmem>>) dst(%dma_wait3A_147 : memref<10240x128xf32, #tpu.memory_space<vmem_shared>>)
        tpu.yield
      }) : () -> ()
      %dma_start3A_111 = arith.constant 7 : i32
      %dma_start3A_112 = arith.constant 0 : i32
      %dma_start3A_113 = tpu.memref_slice %arg7[%dma_start3A_111, %dma_start3A_112] : memref<8x128xi32, #tpu.memory_space<vmem>> -> memref<1x128xi32, #tpu.memory_space<vmem>>
      %dma_start3A_114 = tpu.memref_squeeze %dma_start3A_113 : memref<1x128xi32, #tpu.memory_space<vmem>> -> memref<128xi32, #tpu.memory_space<vmem>>
      %dma_start3A_115 = arith.constant 0 : i32
      %dma_start3A_116 = arith.constant 0 : i32
      %dma_start3A_117 = tpu.memref_slice %arg2[%dma_start3A_115, %dma_start3A_116] : memref<10240x128xf32, #tpu.memory_space<hbm>> -> memref<10240x128xf32, #tpu.memory_space<hbm>>
      tpu.enqueue_indirect_dma source(%dma_start3A_117 : memref<10240x128xf32, #tpu.memory_space<hbm>>) target(%arg10 : memref<128x128xf32, #tpu.memory_space<vmem>>) offsets(%dma_start3A_114 : memref<128xi32, #tpu.memory_space<vmem>>) semaphore(%arg14 : memref<!tpu.dma_semaphore, #tpu.memory_space<semaphore_mem>>)
      %dma_wait3A_118 = arith.constant 6 : i32
      %dma_wait3A_119 = arith.constant 0 : i32
      %dma_wait3A_120 = tpu.memref_slice %arg7[%dma_wait3A_118, %dma_wait3A_119] : memref<8x128xi32, #tpu.memory_space<vmem>> -> memref<1x128xi32, #tpu.memory_space<vmem>>
      %dma_wait3A_121 = tpu.memref_squeeze %dma_wait3A_120 : memref<1x128xi32, #tpu.memory_space<vmem>> -> memref<128xi32, #tpu.memory_space<vmem>>
      %dma_wait3A_122 = arith.constant 0 : i32
      %dma_wait3A_123 = arith.constant 0 : i32
      %dma_wait3A_124 = tpu.memref_slice %arg2[%dma_wait3A_122, %dma_wait3A_123] : memref<10240x128xf32, #tpu.memory_space<hbm>> -> memref<10240x128xf32, #tpu.memory_space<hbm>>
      tpu.wait_indirect_dma semaphore(%arg13 : memref<!tpu.dma_semaphore, #tpu.memory_space<semaphore_mem>>) src(%dma_wait3A_124 : memref<10240x128xf32, #tpu.memory_space<hbm>>) dst(%arg9 : memref<128x128xf32, #tpu.memory_space<vmem>>)
      %run_scoped3A_125 = arith.constant 6 : i32
      "tpu.region"() ({
        %run_scoped3A_135 = tpu.sem_alloc : memref<!tpu.dma_semaphore, #tpu.memory_space<semaphore_mem>>
        %dma_start3A_136 = arith.constant 0 : i32
        %dma_start3A_137 = tpu.memref_slice %arg8[%run_scoped3A_125, %dma_start3A_136] : memref<8x128xi32, #tpu.memory_space<vmem>> -> memref<1x128xi32, #tpu.memory_space<vmem>>
        %dma_start3A_138 = tpu.memref_squeeze %dma_start3A_137 : memref<1x128xi32, #tpu.memory_space<vmem>> -> memref<128xi32, #tpu.memory_space<vmem>>
        %dma_start3A_139 = arith.constant 0 : i32
        %dma_start3A_140 = arith.constant 0 : i32
        %dma_start3A_141 = tpu.memref_slice %arg11[%dma_start3A_139, %dma_start3A_140] : memref<10240x128xf32, #tpu.memory_space<vmem_shared>> -> memref<10240x128xf32, #tpu.memory_space<vmem_shared>>
        tpu.enqueue_indirect_dma source(%arg9 : memref<128x128xf32, #tpu.memory_space<vmem>>) target(%dma_start3A_141 : memref<10240x128xf32, #tpu.memory_space<vmem_shared>>) offsets(%dma_start3A_138 : memref<128xi32, #tpu.memory_space<vmem>>) semaphore(%run_scoped3A_135 : memref<!tpu.dma_semaphore, #tpu.memory_space<semaphore_mem>>) {add = true}
        %dma_wait3A_142 = arith.constant 0 : i32
        %dma_wait3A_143 = tpu.memref_slice %arg8[%run_scoped3A_125, %dma_wait3A_142] : memref<8x128xi32, #tpu.memory_space<vmem>> -> memref<1x128xi32, #tpu.memory_space<vmem>>
        %dma_wait3A_144 = tpu.memref_squeeze %dma_wait3A_143 : memref<1x128xi32, #tpu.memory_space<vmem>> -> memref<128xi32, #tpu.memory_space<vmem>>
        %dma_wait3A_145 = arith.constant 0 : i32
        %dma_wait3A_146 = arith.constant 0 : i32
        %dma_wait3A_147 = tpu.memref_slice %arg11[%dma_wait3A_145, %dma_wait3A_146] : memref<10240x128xf32, #tpu.memory_space<vmem_shared>> -> memref<10240x128xf32, #tpu.memory_space<vmem_shared>>
        tpu.wait_indirect_dma semaphore(%run_scoped3A_135 : memref<!tpu.dma_semaphore, #tpu.memory_space<semaphore_mem>>) src(%arg9 : memref<128x128xf32, #tpu.memory_space<vmem>>) dst(%dma_wait3A_147 : memref<10240x128xf32, #tpu.memory_space<vmem_shared>>)
        tpu.yield
      }) : () -> ()
      %dma_wait3A_126 = arith.constant 7 : i32
      %dma_wait3A_127 = arith.constant 0 : i32
      %dma_wait3A_128 = tpu.memref_slice %arg7[%dma_wait3A_126, %dma_wait3A_127] : memref<8x128xi32, #tpu.memory_space<vmem>> -> memref<1x128xi32, #tpu.memory_space<vmem>>
      %dma_wait3A_129 = tpu.memref_squeeze %dma_wait3A_128 : memref<1x128xi32, #tpu.memory_space<vmem>> -> memref<128xi32, #tpu.memory_space<vmem>>
      %dma_wait3A_130 = arith.constant 0 : i32
      %dma_wait3A_131 = arith.constant 0 : i32
      %dma_wait3A_132 = tpu.memref_slice %arg2[%dma_wait3A_130, %dma_wait3A_131] : memref<10240x128xf32, #tpu.memory_space<hbm>> -> memref<10240x128xf32, #tpu.memory_space<hbm>>
      tpu.wait_indirect_dma semaphore(%arg14 : memref<!tpu.dma_semaphore, #tpu.memory_space<semaphore_mem>>) src(%dma_wait3A_132 : memref<10240x128xf32, #tpu.memory_space<hbm>>) dst(%arg10 : memref<128x128xf32, #tpu.memory_space<vmem>>)
      %run_scoped3A_133 = arith.constant 7 : i32
      "tpu.region"() ({
        %run_scoped3A_135 = tpu.sem_alloc : memref<!tpu.dma_semaphore, #tpu.memory_space<semaphore_mem>>
        %dma_start3A_136 = arith.constant 0 : i32
        %dma_start3A_137 = tpu.memref_slice %arg8[%run_scoped3A_133, %dma_start3A_136] : memref<8x128xi32, #tpu.memory_space<vmem>> -> memref<1x128xi32, #tpu.memory_space<vmem>>
        %dma_start3A_138 = tpu.memref_squeeze %dma_start3A_137 : memref<1x128xi32, #tpu.memory_space<vmem>> -> memref<128xi32, #tpu.memory_space<vmem>>
        %dma_start3A_139 = arith.constant 0 : i32
        %dma_start3A_140 = arith.constant 0 : i32
        %dma_start3A_141 = tpu.memref_slice %arg11[%dma_start3A_139, %dma_start3A_140] : memref<10240x128xf32, #tpu.memory_space<vmem_shared>> -> memref<10240x128xf32, #tpu.memory_space<vmem_shared>>
        tpu.enqueue_indirect_dma source(%arg10 : memref<128x128xf32, #tpu.memory_space<vmem>>) target(%dma_start3A_141 : memref<10240x128xf32, #tpu.memory_space<vmem_shared>>) offsets(%dma_start3A_138 : memref<128xi32, #tpu.memory_space<vmem>>) semaphore(%run_scoped3A_135 : memref<!tpu.dma_semaphore, #tpu.memory_space<semaphore_mem>>) {add = true}
        %dma_wait3A_142 = arith.constant 0 : i32
        %dma_wait3A_143 = tpu.memref_slice %arg8[%run_scoped3A_133, %dma_wait3A_142] : memref<8x128xi32, #tpu.memory_space<vmem>> -> memref<1x128xi32, #tpu.memory_space<vmem>>
        %dma_wait3A_144 = tpu.memref_squeeze %dma_wait3A_143 : memref<1x128xi32, #tpu.memory_space<vmem>> -> memref<128xi32, #tpu.memory_space<vmem>>
        %dma_wait3A_145 = arith.constant 0 : i32
        %dma_wait3A_146 = arith.constant 0 : i32
        %dma_wait3A_147 = tpu.memref_slice %arg11[%dma_wait3A_145, %dma_wait3A_146] : memref<10240x128xf32, #tpu.memory_space<vmem_shared>> -> memref<10240x128xf32, #tpu.memory_space<vmem_shared>>
        tpu.wait_indirect_dma semaphore(%run_scoped3A_135 : memref<!tpu.dma_semaphore, #tpu.memory_space<semaphore_mem>>) src(%arg10 : memref<128x128xf32, #tpu.memory_space<vmem>>) dst(%dma_wait3A_147 : memref<10240x128xf32, #tpu.memory_space<vmem_shared>>)
        tpu.yield
      }) : () -> ()
      %scan3A_134 = arith.constant 0 : i32
      scf.yield %scan3A_134 : i32
    }
    %scan3A_8 = arith.constant 10 : i32
    %barrier3A_9 = arith.constant 0 : index
    tpu.barrier barrier_id(%barrier3A_9)
    "tpu.region"() ({
      %run_scoped3A = tpu.sem_alloc : memref<!tpu.dma_semaphore, #tpu.memory_space<semaphore_mem>>
      %dma_start3A = arith.constant 0 : i32
      %dma_start3A_10 = tpu.memref_slice %arg6[%arg0, %mul3A_2, %dma_start3A] : memref<2x10240x128xf32, #tpu.memory_space<hbm>> -> memref<1x640x128xf32, #tpu.memory_space<hbm>>
      %dma_start3A_11 = tpu.memref_squeeze %dma_start3A_10 : memref<1x640x128xf32, #tpu.memory_space<hbm>> -> memref<640x128xf32, #tpu.memory_space<hbm>>
      %dma_start3A_12 = arith.constant 0 : i32
      %dma_start3A_13 = tpu.memref_slice %arg11[%mul3A_2, %dma_start3A_12] : memref<10240x128xf32, #tpu.memory_space<vmem_shared>> -> memref<640x128xf32, #tpu.memory_space<vmem_shared>>
      tpu.enqueue_dma source(%dma_start3A_13 : memref<640x128xf32, #tpu.memory_space<vmem_shared>>) target(%dma_start3A_11 : memref<640x128xf32, #tpu.memory_space<hbm>>) target_semaphore(%run_scoped3A : memref<!tpu.dma_semaphore, #tpu.memory_space<semaphore_mem>>)
      %dma_wait3A = arith.constant 0 : i32
      %dma_wait3A_14 = tpu.memref_slice %arg6[%arg0, %mul3A_2, %dma_wait3A] : memref<2x10240x128xf32, #tpu.memory_space<hbm>> -> memref<1x640x128xf32, #tpu.memory_space<hbm>>
      %dma_wait3A_15 = tpu.memref_squeeze %dma_wait3A_14 : memref<1x640x128xf32, #tpu.memory_space<hbm>> -> memref<640x128xf32, #tpu.memory_space<hbm>>
      %dma_wait3A_16 = arith.constant 0 : i32
      %dma_wait3A_17 = tpu.memref_slice %arg11[%mul3A_2, %dma_wait3A_16] : memref<10240x128xf32, #tpu.memory_space<vmem_shared>> -> memref<640x128xf32, #tpu.memory_space<vmem_shared>>
      tpu.wait_dma2 semaphore(%run_scoped3A : memref<!tpu.dma_semaphore, #tpu.memory_space<semaphore_mem>>) src(%dma_wait3A_17 : memref<640x128xf32, #tpu.memory_space<vmem_shared>>) dst(%dma_wait3A_15 : memref<640x128xf32, #tpu.memory_space<hbm>>)
      tpu.yield
    }) : () -> ()
    return
  }
}

#map = affine_map<(d0, d1) -> (0, 0)>
#map1 = affine_map<(d0, d1) -> (0, 0, 0)>
module attributes {stable_mosaic.version = 14 : i64} {
  func.func @k(%arg0: i32, %arg1: i32, %arg2: memref<10240x128xf32, #tpu.memory_space<hbm>>, %arg3: memref<2560x128xi32, #tpu.memory_space<hbm>>, %arg4: memref<2560x128xi32, #tpu.memory_space<hbm>>, %arg5: memref<10240x128xf32, #tpu.memory_space<hbm>>, %arg6: memref<2x10240x128xf32, #tpu.memory_space<hbm>>, %arg7: memref<8x128xi32, #tpu.memory_space<vmem>>, %arg8: memref<8x128xi32, #tpu.memory_space<vmem>>, %arg9: memref<128x128xf32, #tpu.memory_space<vmem>>, %arg10: memref<128x128xf32, #tpu.memory_space<vmem>>, %arg11: memref<10240x128xf32, #tpu.memory_space<vmem_shared>>, %arg12: memref<!tpu.dma_semaphore, #tpu.memory_space<semaphore_mem>>, %arg13: memref<!tpu.dma_semaphore, #tpu.memory_space<semaphore_mem>>, %arg14: memref<!tpu.dma_semaphore, #tpu.memory_space<semaphore_mem>>) attributes {dimension_semantics = [#tpu.dimension_semantics<core_parallel>, #tpu.dimension_semantics<subcore_parallel>], iteration_bounds = array<i64: 2, 16>, scalar_prefetch = 0 : i64, scratch_operands = 8 : i64, tpu.core_type = #tpu.core_type<sc_vector_subcore>, window_params = [{transform_indices = #map}, {transform_indices = #map}, {transform_indices = #map}, {transform_indices = #map}, {transform_indices = #map1}]} {
    %mul3A = arith.constant 16 : i32
    %mul3A_0 = arith.muli %arg0, %mul3A : i32
    %add3A = arith.addi %mul3A_0, %arg1 : i32
    %mul3A_1 = arith.constant 640 : i32
    %mul3A_2 = arith.muli %arg1, %mul3A_1 : i32
    "tpu.region"() ({
      %run_scoped3A = tpu.sem_alloc : memref<!tpu.dma_semaphore, #tpu.memory_space<semaphore_mem>>
      %dma_start3A = arith.constant 0 : i32
      %dma_start3A_10 = tpu.memref_slice %arg11[%mul3A_2, %dma_start3A] : memref<10240x128xf32, #tpu.memory_space<vmem_shared>> -> memref<640x128xf32, #tpu.memory_space<vmem_shared>>
      %dma_start3A_11 = arith.constant 0 : i32
      %dma_start3A_12 = tpu.memref_slice %arg5[%mul3A_2, %dma_start3A_11] : memref<10240x128xf32, #tpu.memory_space<hbm>> -> memref<640x128xf32, #tpu.memory_space<hbm>>
      tpu.enqueue_dma source(%dma_start3A_12 : memref<640x128xf32, #tpu.memory_space<hbm>>) target(%dma_start3A_10 : memref<640x128xf32, #tpu.memory_space<vmem_shared>>) target_semaphore(%run_scoped3A : memref<!tpu.dma_semaphore, #tpu.memory_space<semaphore_mem>>)
      %dma_wait3A = arith.constant 0 : i32
      %dma_wait3A_13 = tpu.memref_slice %arg11[%mul3A_2, %dma_wait3A] : memref<10240x128xf32, #tpu.memory_space<vmem_shared>> -> memref<640x128xf32, #tpu.memory_space<vmem_shared>>
      %dma_wait3A_14 = arith.constant 0 : i32
      %dma_wait3A_15 = tpu.memref_slice %arg5[%mul3A_2, %dma_wait3A_14] : memref<10240x128xf32, #tpu.memory_space<hbm>> -> memref<640x128xf32, #tpu.memory_space<hbm>>
      tpu.wait_dma2 semaphore(%run_scoped3A : memref<!tpu.dma_semaphore, #tpu.memory_space<semaphore_mem>>) src(%dma_wait3A_15 : memref<640x128xf32, #tpu.memory_space<hbm>>) dst(%dma_wait3A_13 : memref<640x128xf32, #tpu.memory_space<vmem_shared>>)
      tpu.yield
    }) : () -> ()
    %barrier3A = arith.constant 0 : index
    tpu.barrier barrier_id(%barrier3A)
    %scan3A = arith.constant 0 : i32
    %scan3A_3 = arith.constant 0 : i32
    %scan3A_4 = arith.constant 10 : i32
    %scan3A_5 = arith.addi %scan3A_3, %scan3A_4 : i32
    %scan3A_6 = arith.constant 1 : i32
    %scan3A_7 = scf.for %scan3A_10 = %scan3A_3 to %scan3A_5 step %scan3A_6 iter_args(%scan3A_11 = %scan3A) -> (i32)  : i32 {
      %mul3A_12 = arith.constant 80 : i32
      %mul3A_13 = arith.muli %add3A, %mul3A_12 : i32
      %mul3A_14 = arith.constant 8 : i32
      %mul3A_15 = arith.muli %scan3A_10, %mul3A_14 : i32
      %add3A_16 = arith.addi %mul3A_13, %mul3A_15 : i32
      "tpu.region"() ({
        %run_scoped3A_135 = tpu.sem_alloc : memref<!tpu.dma_semaphore, #tpu.memory_space<semaphore_mem>>
        %dma_start3A_136 = arith.constant 0 : i32
        %dma_start3A_137 = tpu.memref_slice %arg3[%add3A_16, %dma_start3A_136] : memref<2560x128xi32, #tpu.memory_space<hbm>> -> memref<8x128xi32, #tpu.memory_space<hbm>>
        %dma_start3A_138 = arith.constant 0 : i32
        %dma_start3A_139 = tpu.memref_slice %arg3[%add3A_16, %dma_start3A_138] : memref<2560x128xi32, #tpu.memory_space<hbm>> -> memref<8x128xi32, #tpu.memory_space<hbm>>
        tpu.enqueue_dma source(%dma_start3A_139 : memref<8x128xi32, #tpu.memory_space<hbm>>) target(%arg7 : memref<8x128xi32, #tpu.memory_space<vmem>>) target_semaphore(%run_scoped3A_135 : memref<!tpu.dma_semaphore, #tpu.memory_space<semaphore_mem>>)
        %dma_wait3A_140 = arith.constant 0 : i32
        %dma_wait3A_141 = tpu.memref_slice %arg3[%add3A_16, %dma_wait3A_140] : memref<2560x128xi32, #tpu.memory_space<hbm>> -> memref<8x128xi32, #tpu.memory_space<hbm>>
        %dma_wait3A_142 = arith.constant 0 : i32
        %dma_wait3A_143 = tpu.memref_slice %arg3[%add3A_16, %dma_wait3A_142] : memref<2560x128xi32, #tpu.memory_space<hbm>> -> memref<8x128xi32, #tpu.memory_space<hbm>>
        tpu.wait_dma2 semaphore(%run_scoped3A_135 : memref<!tpu.dma_semaphore, #tpu.memory_space<semaphore_mem>>) src(%dma_wait3A_143 : memref<8x128xi32, #tpu.memory_space<hbm>>) dst(%arg7 : memref<8x128xi32, #tpu.memory_space<vmem>>)
        tpu.yield
      }) : () -> ()
      "tpu.region"() ({
        %run_scoped3A_135 = tpu.sem_alloc : memref<!tpu.dma_semaphore, #tpu.memory_space<semaphore_mem>>
        %dma_start3A_136 = arith.constant 0 : i32
        %dma_start3A_137 = tpu.memref_slice %arg4[%add3A_16, %dma_start3A_136] : memref<2560x128xi32, #tpu.memory_space<hbm>> -> memref<8x128xi32, #tpu.memory_space<hbm>>
        %dma_start3A_138 = arith.constant 0 : i32
        %dma_start3A_139 = tpu.memref_slice %arg4[%add3A_16, %dma_start3A_138] : memref<2560x128xi32, #tpu.memory_space<hbm>> -> memref<8x128xi32, #tpu.memory_space<hbm>>
        tpu.enqueue_dma source(%dma_start3A_139 : memref<8x128xi32, #tpu.memory_space<hbm>>) target(%arg8 : memref<8x128xi32, #tpu.memory_space<vmem>>) target_semaphore(%run_scoped3A_135 : memref<!tpu.dma_semaphore, #tpu.memory_space<semaphore_mem>>)
        %dma_wait3A_140 = arith.constant 0 : i32
        %dma_wait3A_141 = tpu.memref_slice %arg4[%add3A_16, %dma_wait3A_140] : memref<2560x128xi32, #tpu.memory_space<hbm>> -> memref<8x128xi32, #tpu.memory_space<hbm>>
        %dma_wait3A_142 = arith.constant 0 : i32
        %dma_wait3A_143 = tpu.memref_slice %arg4[%add3A_16, %dma_wait3A_142] : memref<2560x128xi32, #tpu.memory_space<hbm>> -> memref<8x128xi32, #tpu.memory_space<hbm>>
        tpu.wait_dma2 semaphore(%run_scoped3A_135 : memref<!tpu.dma_semaphore, #tpu.memory_space<semaphore_mem>>) src(%dma_wait3A_143 : memref<8x128xi32, #tpu.memory_space<hbm>>) dst(%arg8 : memref<8x128xi32, #tpu.memory_space<vmem>>)
        tpu.yield
      }) : () -> ()
      %dma_start3A = arith.constant 0 : i32
      %dma_start3A_17 = arith.constant 0 : i32
      %dma_start3A_18 = tpu.memref_slice %arg7[%dma_start3A, %dma_start3A_17] : memref<8x128xi32, #tpu.memory_space<vmem>> -> memref<1x128xi32, #tpu.memory_space<vmem>>
      %dma_start3A_19 = tpu.memref_squeeze %dma_start3A_18 : memref<1x128xi32, #tpu.memory_space<vmem>> -> memref<128xi32, #tpu.memory_space<vmem>>
      %dma_start3A_20 = arith.constant 0 : i32
      %dma_start3A_21 = arith.constant 0 : i32
      %dma_start3A_22 = tpu.memref_slice %arg2[%dma_start3A_20, %dma_start3A_21] : memref<10240x128xf32, #tpu.memory_space<hbm>> -> memref<10240x128xf32, #tpu.memory_space<hbm>>
      tpu.enqueue_indirect_dma source(%dma_start3A_22 : memref<10240x128xf32, #tpu.memory_space<hbm>>) target(%arg9 : memref<128x128xf32, #tpu.memory_space<vmem>>) offsets(%dma_start3A_19 : memref<128xi32, #tpu.memory_space<vmem>>) semaphore(%arg13 : memref<!tpu.dma_semaphore, #tpu.memory_space<semaphore_mem>>)
      %dma_start3A_23 = arith.constant 1 : i32
      %dma_start3A_24 = arith.constant 0 : i32
      %dma_start3A_25 = tpu.memref_slice %arg7[%dma_start3A_23, %dma_start3A_24] : memref<8x128xi32, #tpu.memory_space<vmem>> -> memref<1x128xi32, #tpu.memory_space<vmem>>
      %dma_start3A_26 = tpu.memref_squeeze %dma_start3A_25 : memref<1x128xi32, #tpu.memory_space<vmem>> -> memref<128xi32, #tpu.memory_space<vmem>>
      %dma_start3A_27 = arith.constant 0 : i32
      %dma_start3A_28 = arith.constant 0 : i32
      %dma_start3A_29 = tpu.memref_slice %arg2[%dma_start3A_27, %dma_start3A_28] : memref<10240x128xf32, #tpu.memory_space<hbm>> -> memref<10240x128xf32, #tpu.memory_space<hbm>>
      tpu.enqueue_indirect_dma source(%dma_start3A_29 : memref<10240x128xf32, #tpu.memory_space<hbm>>) target(%arg10 : memref<128x128xf32, #tpu.memory_space<vmem>>) offsets(%dma_start3A_26 : memref<128xi32, #tpu.memory_space<vmem>>) semaphore(%arg14 : memref<!tpu.dma_semaphore, #tpu.memory_space<semaphore_mem>>)
      %dma_wait3A = arith.constant 0 : i32
      %dma_wait3A_30 = arith.constant 0 : i32
      %dma_wait3A_31 = tpu.memref_slice %arg7[%dma_wait3A, %dma_wait3A_30] : memref<8x128xi32, #tpu.memory_space<vmem>> -> memref<1x128xi32, #tpu.memory_space<vmem>>
      %dma_wait3A_32 = tpu.memref_squeeze %dma_wait3A_31 : memref<1x128xi32, #tpu.memory_space<vmem>> -> memref<128xi32, #tpu.memory_space<vmem>>
      %dma_wait3A_33 = arith.constant 0 : i32
      %dma_wait3A_34 = arith.constant 0 : i32
      %dma_wait3A_35 = tpu.memref_slice %arg2[%dma_wait3A_33, %dma_wait3A_34] : memref<10240x128xf32, #tpu.memory_space<hbm>> -> memref<10240x128xf32, #tpu.memory_space<hbm>>
      tpu.wait_indirect_dma semaphore(%arg13 : memref<!tpu.dma_semaphore, #tpu.memory_space<semaphore_mem>>) src(%dma_wait3A_35 : memref<10240x128xf32, #tpu.memory_space<hbm>>) dst(%arg9 : memref<128x128xf32, #tpu.memory_space<vmem>>)
      %run_scoped3A = arith.constant 0 : i32
      "tpu.region"() ({
        %run_scoped3A_135 = tpu.sem_alloc : memref<!tpu.dma_semaphore, #tpu.memory_space<semaphore_mem>>
        %dma_start3A_136 = arith.constant 0 : i32
        %dma_start3A_137 = tpu.memref_slice %arg8[%run_scoped3A, %dma_start3A_136] : memref<8x128xi32, #tpu.memory_space<vmem>> -> memref<1x128xi32, #tpu.memory_space<vmem>>
        %dma_start3A_138 = tpu.memref_squeeze %dma_start3A_137 : memref<1x128xi32, #tpu.memory_space<vmem>> -> memref<128xi32, #tpu.memory_space<vmem>>
        %dma_start3A_139 = arith.constant 0 : i32
        %dma_start3A_140 = arith.constant 0 : i32
        %dma_start3A_141 = tpu.memref_slice %arg11[%dma_start3A_139, %dma_start3A_140] : memref<10240x128xf32, #tpu.memory_space<vmem_shared>> -> memref<10240x128xf32, #tpu.memory_space<vmem_shared>>
        tpu.enqueue_indirect_dma source(%arg9 : memref<128x128xf32, #tpu.memory_space<vmem>>) target(%dma_start3A_141 : memref<10240x128xf32, #tpu.memory_space<vmem_shared>>) offsets(%dma_start3A_138 : memref<128xi32, #tpu.memory_space<vmem>>) semaphore(%run_scoped3A_135 : memref<!tpu.dma_semaphore, #tpu.memory_space<semaphore_mem>>) {add = true}
        %dma_wait3A_142 = arith.constant 0 : i32
        %dma_wait3A_143 = tpu.memref_slice %arg8[%run_scoped3A, %dma_wait3A_142] : memref<8x128xi32, #tpu.memory_space<vmem>> -> memref<1x128xi32, #tpu.memory_space<vmem>>
        %dma_wait3A_144 = tpu.memref_squeeze %dma_wait3A_143 : memref<1x128xi32, #tpu.memory_space<vmem>> -> memref<128xi32, #tpu.memory_space<vmem>>
        %dma_wait3A_145 = arith.constant 0 : i32
        %dma_wait3A_146 = arith.constant 0 : i32
        %dma_wait3A_147 = tpu.memref_slice %arg11[%dma_wait3A_145, %dma_wait3A_146] : memref<10240x128xf32, #tpu.memory_space<vmem_shared>> -> memref<10240x128xf32, #tpu.memory_space<vmem_shared>>
        tpu.wait_indirect_dma semaphore(%run_scoped3A_135 : memref<!tpu.dma_semaphore, #tpu.memory_space<semaphore_mem>>) src(%arg9 : memref<128x128xf32, #tpu.memory_space<vmem>>) dst(%dma_wait3A_147 : memref<10240x128xf32, #tpu.memory_space<vmem_shared>>)
        tpu.yield
      }) : () -> ()
      %dma_start3A_36 = arith.constant 2 : i32
      %dma_start3A_37 = arith.constant 0 : i32
      %dma_start3A_38 = tpu.memref_slice %arg7[%dma_start3A_36, %dma_start3A_37] : memref<8x128xi32, #tpu.memory_space<vmem>> -> memref<1x128xi32, #tpu.memory_space<vmem>>
      %dma_start3A_39 = tpu.memref_squeeze %dma_start3A_38 : memref<1x128xi32, #tpu.memory_space<vmem>> -> memref<128xi32, #tpu.memory_space<vmem>>
      %dma_start3A_40 = arith.constant 0 : i32
      %dma_start3A_41 = arith.constant 0 : i32
      %dma_start3A_42 = tpu.memref_slice %arg2[%dma_start3A_40, %dma_start3A_41] : memref<10240x128xf32, #tpu.memory_space<hbm>> -> memref<10240x128xf32, #tpu.memory_space<hbm>>
      tpu.enqueue_indirect_dma source(%dma_start3A_42 : memref<10240x128xf32, #tpu.memory_space<hbm>>) target(%arg9 : memref<128x128xf32, #tpu.memory_space<vmem>>) offsets(%dma_start3A_39 : memref<128xi32, #tpu.memory_space<vmem>>) semaphore(%arg13 : memref<!tpu.dma_semaphore, #tpu.memory_space<semaphore_mem>>)
      %dma_wait3A_43 = arith.constant 1 : i32
      %dma_wait3A_44 = arith.constant 0 : i32
      %dma_wait3A_45 = tpu.memref_slice %arg7[%dma_wait3A_43, %dma_wait3A_44] : memref<8x128xi32, #tpu.memory_space<vmem>> -> memref<1x128xi32, #tpu.memory_space<vmem>>
      %dma_wait3A_46 = tpu.memref_squeeze %dma_wait3A_45 : memref<1x128xi32, #tpu.memory_space<vmem>> -> memref<128xi32, #tpu.memory_space<vmem>>
      %dma_wait3A_47 = arith.constant 0 : i32
      %dma_wait3A_48 = arith.constant 0 : i32
      %dma_wait3A_49 = tpu.memref_slice %arg2[%dma_wait3A_47, %dma_wait3A_48] : memref<10240x128xf32, #tpu.memory_space<hbm>> -> memref<10240x128xf32, #tpu.memory_space<hbm>>
      tpu.wait_indirect_dma semaphore(%arg14 : memref<!tpu.dma_semaphore, #tpu.memory_space<semaphore_mem>>) src(%dma_wait3A_49 : memref<10240x128xf32, #tpu.memory_space<hbm>>) dst(%arg10 : memref<128x128xf32, #tpu.memory_space<vmem>>)
      %run_scoped3A_50 = arith.constant 1 : i32
      "tpu.region"() ({
        %run_scoped3A_135 = tpu.sem_alloc : memref<!tpu.dma_semaphore, #tpu.memory_space<semaphore_mem>>
        %dma_start3A_136 = arith.constant 0 : i32
        %dma_start3A_137 = tpu.memref_slice %arg8[%run_scoped3A_50, %dma_start3A_136] : memref<8x128xi32, #tpu.memory_space<vmem>> -> memref<1x128xi32, #tpu.memory_space<vmem>>
        %dma_start3A_138 = tpu.memref_squeeze %dma_start3A_137 : memref<1x128xi32, #tpu.memory_space<vmem>> -> memref<128xi32, #tpu.memory_space<vmem>>
        %dma_start3A_139 = arith.constant 0 : i32
        %dma_start3A_140 = arith.constant 0 : i32
        %dma_start3A_141 = tpu.memref_slice %arg11[%dma_start3A_139, %dma_start3A_140] : memref<10240x128xf32, #tpu.memory_space<vmem_shared>> -> memref<10240x128xf32, #tpu.memory_space<vmem_shared>>
        tpu.enqueue_indirect_dma source(%arg10 : memref<128x128xf32, #tpu.memory_space<vmem>>) target(%dma_start3A_141 : memref<10240x128xf32, #tpu.memory_space<vmem_shared>>) offsets(%dma_start3A_138 : memref<128xi32, #tpu.memory_space<vmem>>) semaphore(%run_scoped3A_135 : memref<!tpu.dma_semaphore, #tpu.memory_space<semaphore_mem>>) {add = true}
        %dma_wait3A_142 = arith.constant 0 : i32
        %dma_wait3A_143 = tpu.memref_slice %arg8[%run_scoped3A_50, %dma_wait3A_142] : memref<8x128xi32, #tpu.memory_space<vmem>> -> memref<1x128xi32, #tpu.memory_space<vmem>>
        %dma_wait3A_144 = tpu.memref_squeeze %dma_wait3A_143 : memref<1x128xi32, #tpu.memory_space<vmem>> -> memref<128xi32, #tpu.memory_space<vmem>>
        %dma_wait3A_145 = arith.constant 0 : i32
        %dma_wait3A_146 = arith.constant 0 : i32
        %dma_wait3A_147 = tpu.memref_slice %arg11[%dma_wait3A_145, %dma_wait3A_146] : memref<10240x128xf32, #tpu.memory_space<vmem_shared>> -> memref<10240x128xf32, #tpu.memory_space<vmem_shared>>
        tpu.wait_indirect_dma semaphore(%run_scoped3A_135 : memref<!tpu.dma_semaphore, #tpu.memory_space<semaphore_mem>>) src(%arg10 : memref<128x128xf32, #tpu.memory_space<vmem>>) dst(%dma_wait3A_147 : memref<10240x128xf32, #tpu.memory_space<vmem_shared>>)
        tpu.yield
      }) : () -> ()
      %dma_start3A_51 = arith.constant 3 : i32
      %dma_start3A_52 = arith.constant 0 : i32
      %dma_start3A_53 = tpu.memref_slice %arg7[%dma_start3A_51, %dma_start3A_52] : memref<8x128xi32, #tpu.memory_space<vmem>> -> memref<1x128xi32, #tpu.memory_space<vmem>>
      %dma_start3A_54 = tpu.memref_squeeze %dma_start3A_53 : memref<1x128xi32, #tpu.memory_space<vmem>> -> memref<128xi32, #tpu.memory_space<vmem>>
      %dma_start3A_55 = arith.constant 0 : i32
      %dma_start3A_56 = arith.constant 0 : i32
      %dma_start3A_57 = tpu.memref_slice %arg2[%dma_start3A_55, %dma_start3A_56] : memref<10240x128xf32, #tpu.memory_space<hbm>> -> memref<10240x128xf32, #tpu.memory_space<hbm>>
      tpu.enqueue_indirect_dma source(%dma_start3A_57 : memref<10240x128xf32, #tpu.memory_space<hbm>>) target(%arg10 : memref<128x128xf32, #tpu.memory_space<vmem>>) offsets(%dma_start3A_54 : memref<128xi32, #tpu.memory_space<vmem>>) semaphore(%arg14 : memref<!tpu.dma_semaphore, #tpu.memory_space<semaphore_mem>>)
      %dma_wait3A_58 = arith.constant 2 : i32
      %dma_wait3A_59 = arith.constant 0 : i32
      %dma_wait3A_60 = tpu.memref_slice %arg7[%dma_wait3A_58, %dma_wait3A_59] : memref<8x128xi32, #tpu.memory_space<vmem>> -> memref<1x128xi32, #tpu.memory_space<vmem>>
      %dma_wait3A_61 = tpu.memref_squeeze %dma_wait3A_60 : memref<1x128xi32, #tpu.memory_space<vmem>> -> memref<128xi32, #tpu.memory_space<vmem>>
      %dma_wait3A_62 = arith.constant 0 : i32
      %dma_wait3A_63 = arith.constant 0 : i32
      %dma_wait3A_64 = tpu.memref_slice %arg2[%dma_wait3A_62, %dma_wait3A_63] : memref<10240x128xf32, #tpu.memory_space<hbm>> -> memref<10240x128xf32, #tpu.memory_space<hbm>>
      tpu.wait_indirect_dma semaphore(%arg13 : memref<!tpu.dma_semaphore, #tpu.memory_space<semaphore_mem>>) src(%dma_wait3A_64 : memref<10240x128xf32, #tpu.memory_space<hbm>>) dst(%arg9 : memref<128x128xf32, #tpu.memory_space<vmem>>)
      %run_scoped3A_65 = arith.constant 2 : i32
      "tpu.region"() ({
        %run_scoped3A_135 = tpu.sem_alloc : memref<!tpu.dma_semaphore, #tpu.memory_space<semaphore_mem>>
        %dma_start3A_136 = arith.constant 0 : i32
        %dma_start3A_137 = tpu.memref_slice %arg8[%run_scoped3A_65, %dma_start3A_136] : memref<8x128xi32, #tpu.memory_space<vmem>> -> memref<1x128xi32, #tpu.memory_space<vmem>>
        %dma_start3A_138 = tpu.memref_squeeze %dma_start3A_137 : memref<1x128xi32, #tpu.memory_space<vmem>> -> memref<128xi32, #tpu.memory_space<vmem>>
        %dma_start3A_139 = arith.constant 0 : i32
        %dma_start3A_140 = arith.constant 0 : i32
        %dma_start3A_141 = tpu.memref_slice %arg11[%dma_start3A_139, %dma_start3A_140] : memref<10240x128xf32, #tpu.memory_space<vmem_shared>> -> memref<10240x128xf32, #tpu.memory_space<vmem_shared>>
        tpu.enqueue_indirect_dma source(%arg9 : memref<128x128xf32, #tpu.memory_space<vmem>>) target(%dma_start3A_141 : memref<10240x128xf32, #tpu.memory_space<vmem_shared>>) offsets(%dma_start3A_138 : memref<128xi32, #tpu.memory_space<vmem>>) semaphore(%run_scoped3A_135 : memref<!tpu.dma_semaphore, #tpu.memory_space<semaphore_mem>>) {add = true}
        %dma_wait3A_142 = arith.constant 0 : i32
        %dma_wait3A_143 = tpu.memref_slice %arg8[%run_scoped3A_65, %dma_wait3A_142] : memref<8x128xi32, #tpu.memory_space<vmem>> -> memref<1x128xi32, #tpu.memory_space<vmem>>
        %dma_wait3A_144 = tpu.memref_squeeze %dma_wait3A_143 : memref<1x128xi32, #tpu.memory_space<vmem>> -> memref<128xi32, #tpu.memory_space<vmem>>
        %dma_wait3A_145 = arith.constant 0 : i32
        %dma_wait3A_146 = arith.constant 0 : i32
        %dma_wait3A_147 = tpu.memref_slice %arg11[%dma_wait3A_145, %dma_wait3A_146] : memref<10240x128xf32, #tpu.memory_space<vmem_shared>> -> memref<10240x128xf32, #tpu.memory_space<vmem_shared>>
        tpu.wait_indirect_dma semaphore(%run_scoped3A_135 : memref<!tpu.dma_semaphore, #tpu.memory_space<semaphore_mem>>) src(%arg9 : memref<128x128xf32, #tpu.memory_space<vmem>>) dst(%dma_wait3A_147 : memref<10240x128xf32, #tpu.memory_space<vmem_shared>>)
        tpu.yield
      }) : () -> ()
      %dma_start3A_66 = arith.constant 4 : i32
      %dma_start3A_67 = arith.constant 0 : i32
      %dma_start3A_68 = tpu.memref_slice %arg7[%dma_start3A_66, %dma_start3A_67] : memref<8x128xi32, #tpu.memory_space<vmem>> -> memref<1x128xi32, #tpu.memory_space<vmem>>
      %dma_start3A_69 = tpu.memref_squeeze %dma_start3A_68 : memref<1x128xi32, #tpu.memory_space<vmem>> -> memref<128xi32, #tpu.memory_space<vmem>>
      %dma_start3A_70 = arith.constant 0 : i32
      %dma_start3A_71 = arith.constant 0 : i32
      %dma_start3A_72 = tpu.memref_slice %arg2[%dma_start3A_70, %dma_start3A_71] : memref<10240x128xf32, #tpu.memory_space<hbm>> -> memref<10240x128xf32, #tpu.memory_space<hbm>>
      tpu.enqueue_indirect_dma source(%dma_start3A_72 : memref<10240x128xf32, #tpu.memory_space<hbm>>) target(%arg9 : memref<128x128xf32, #tpu.memory_space<vmem>>) offsets(%dma_start3A_69 : memref<128xi32, #tpu.memory_space<vmem>>) semaphore(%arg13 : memref<!tpu.dma_semaphore, #tpu.memory_space<semaphore_mem>>)
      %dma_wait3A_73 = arith.constant 3 : i32
      %dma_wait3A_74 = arith.constant 0 : i32
      %dma_wait3A_75 = tpu.memref_slice %arg7[%dma_wait3A_73, %dma_wait3A_74] : memref<8x128xi32, #tpu.memory_space<vmem>> -> memref<1x128xi32, #tpu.memory_space<vmem>>
      %dma_wait3A_76 = tpu.memref_squeeze %dma_wait3A_75 : memref<1x128xi32, #tpu.memory_space<vmem>> -> memref<128xi32, #tpu.memory_space<vmem>>
      %dma_wait3A_77 = arith.constant 0 : i32
      %dma_wait3A_78 = arith.constant 0 : i32
      %dma_wait3A_79 = tpu.memref_slice %arg2[%dma_wait3A_77, %dma_wait3A_78] : memref<10240x128xf32, #tpu.memory_space<hbm>> -> memref<10240x128xf32, #tpu.memory_space<hbm>>
      tpu.wait_indirect_dma semaphore(%arg14 : memref<!tpu.dma_semaphore, #tpu.memory_space<semaphore_mem>>) src(%dma_wait3A_79 : memref<10240x128xf32, #tpu.memory_space<hbm>>) dst(%arg10 : memref<128x128xf32, #tpu.memory_space<vmem>>)
      %run_scoped3A_80 = arith.constant 3 : i32
      "tpu.region"() ({
        %run_scoped3A_135 = tpu.sem_alloc : memref<!tpu.dma_semaphore, #tpu.memory_space<semaphore_mem>>
        %dma_start3A_136 = arith.constant 0 : i32
        %dma_start3A_137 = tpu.memref_slice %arg8[%run_scoped3A_80, %dma_start3A_136] : memref<8x128xi32, #tpu.memory_space<vmem>> -> memref<1x128xi32, #tpu.memory_space<vmem>>
        %dma_start3A_138 = tpu.memref_squeeze %dma_start3A_137 : memref<1x128xi32, #tpu.memory_space<vmem>> -> memref<128xi32, #tpu.memory_space<vmem>>
        %dma_start3A_139 = arith.constant 0 : i32
        %dma_start3A_140 = arith.constant 0 : i32
        %dma_start3A_141 = tpu.memref_slice %arg11[%dma_start3A_139, %dma_start3A_140] : memref<10240x128xf32, #tpu.memory_space<vmem_shared>> -> memref<10240x128xf32, #tpu.memory_space<vmem_shared>>
        tpu.enqueue_indirect_dma source(%arg10 : memref<128x128xf32, #tpu.memory_space<vmem>>) target(%dma_start3A_141 : memref<10240x128xf32, #tpu.memory_space<vmem_shared>>) offsets(%dma_start3A_138 : memref<128xi32, #tpu.memory_space<vmem>>) semaphore(%run_scoped3A_135 : memref<!tpu.dma_semaphore, #tpu.memory_space<semaphore_mem>>) {add = true}
        %dma_wait3A_142 = arith.constant 0 : i32
        %dma_wait3A_143 = tpu.memref_slice %arg8[%run_scoped3A_80, %dma_wait3A_142] : memref<8x128xi32, #tpu.memory_space<vmem>> -> memref<1x128xi32, #tpu.memory_space<vmem>>
        %dma_wait3A_144 = tpu.memref_squeeze %dma_wait3A_143 : memref<1x128xi32, #tpu.memory_space<vmem>> -> memref<128xi32, #tpu.memory_space<vmem>>
        %dma_wait3A_145 = arith.constant 0 : i32
        %dma_wait3A_146 = arith.constant 0 : i32
        %dma_wait3A_147 = tpu.memref_slice %arg11[%dma_wait3A_145, %dma_wait3A_146] : memref<10240x128xf32, #tpu.memory_space<vmem_shared>> -> memref<10240x128xf32, #tpu.memory_space<vmem_shared>>
        tpu.wait_indirect_dma semaphore(%run_scoped3A_135 : memref<!tpu.dma_semaphore, #tpu.memory_space<semaphore_mem>>) src(%arg10 : memref<128x128xf32, #tpu.memory_space<vmem>>) dst(%dma_wait3A_147 : memref<10240x128xf32, #tpu.memory_space<vmem_shared>>)
        tpu.yield
      }) : () -> ()
      %dma_start3A_81 = arith.constant 5 : i32
      %dma_start3A_82 = arith.constant 0 : i32
      %dma_start3A_83 = tpu.memref_slice %arg7[%dma_start3A_81, %dma_start3A_82] : memref<8x128xi32, #tpu.memory_space<vmem>> -> memref<1x128xi32, #tpu.memory_space<vmem>>
      %dma_start3A_84 = tpu.memref_squeeze %dma_start3A_83 : memref<1x128xi32, #tpu.memory_space<vmem>> -> memref<128xi32, #tpu.memory_space<vmem>>
      %dma_start3A_85 = arith.constant 0 : i32
      %dma_start3A_86 = arith.constant 0 : i32
      %dma_start3A_87 = tpu.memref_slice %arg2[%dma_start3A_85, %dma_start3A_86] : memref<10240x128xf32, #tpu.memory_space<hbm>> -> memref<10240x128xf32, #tpu.memory_space<hbm>>
      tpu.enqueue_indirect_dma source(%dma_start3A_87 : memref<10240x128xf32, #tpu.memory_space<hbm>>) target(%arg10 : memref<128x128xf32, #tpu.memory_space<vmem>>) offsets(%dma_start3A_84 : memref<128xi32, #tpu.memory_space<vmem>>) semaphore(%arg14 : memref<!tpu.dma_semaphore, #tpu.memory_space<semaphore_mem>>)
      %dma_wait3A_88 = arith.constant 4 : i32
      %dma_wait3A_89 = arith.constant 0 : i32
      %dma_wait3A_90 = tpu.memref_slice %arg7[%dma_wait3A_88, %dma_wait3A_89] : memref<8x128xi32, #tpu.memory_space<vmem>> -> memref<1x128xi32, #tpu.memory_space<vmem>>
      %dma_wait3A_91 = tpu.memref_squeeze %dma_wait3A_90 : memref<1x128xi32, #tpu.memory_space<vmem>> -> memref<128xi32, #tpu.memory_space<vmem>>
      %dma_wait3A_92 = arith.constant 0 : i32
      %dma_wait3A_93 = arith.constant 0 : i32
      %dma_wait3A_94 = tpu.memref_slice %arg2[%dma_wait3A_92, %dma_wait3A_93] : memref<10240x128xf32, #tpu.memory_space<hbm>> -> memref<10240x128xf32, #tpu.memory_space<hbm>>
      tpu.wait_indirect_dma semaphore(%arg13 : memref<!tpu.dma_semaphore, #tpu.memory_space<semaphore_mem>>) src(%dma_wait3A_94 : memref<10240x128xf32, #tpu.memory_space<hbm>>) dst(%arg9 : memref<128x128xf32, #tpu.memory_space<vmem>>)
      %run_scoped3A_95 = arith.constant 4 : i32
      "tpu.region"() ({
        %run_scoped3A_135 = tpu.sem_alloc : memref<!tpu.dma_semaphore, #tpu.memory_space<semaphore_mem>>
        %dma_start3A_136 = arith.constant 0 : i32
        %dma_start3A_137 = tpu.memref_slice %arg8[%run_scoped3A_95, %dma_start3A_136] : memref<8x128xi32, #tpu.memory_space<vmem>> -> memref<1x128xi32, #tpu.memory_space<vmem>>
        %dma_start3A_138 = tpu.memref_squeeze %dma_start3A_137 : memref<1x128xi32, #tpu.memory_space<vmem>> -> memref<128xi32, #tpu.memory_space<vmem>>
        %dma_start3A_139 = arith.constant 0 : i32
        %dma_start3A_140 = arith.constant 0 : i32
        %dma_start3A_141 = tpu.memref_slice %arg11[%dma_start3A_139, %dma_start3A_140] : memref<10240x128xf32, #tpu.memory_space<vmem_shared>> -> memref<10240x128xf32, #tpu.memory_space<vmem_shared>>
        tpu.enqueue_indirect_dma source(%arg9 : memref<128x128xf32, #tpu.memory_space<vmem>>) target(%dma_start3A_141 : memref<10240x128xf32, #tpu.memory_space<vmem_shared>>) offsets(%dma_start3A_138 : memref<128xi32, #tpu.memory_space<vmem>>) semaphore(%run_scoped3A_135 : memref<!tpu.dma_semaphore, #tpu.memory_space<semaphore_mem>>) {add = true}
        %dma_wait3A_142 = arith.constant 0 : i32
        %dma_wait3A_143 = tpu.memref_slice %arg8[%run_scoped3A_95, %dma_wait3A_142] : memref<8x128xi32, #tpu.memory_space<vmem>> -> memref<1x128xi32, #tpu.memory_space<vmem>>
        %dma_wait3A_144 = tpu.memref_squeeze %dma_wait3A_143 : memref<1x128xi32, #tpu.memory_space<vmem>> -> memref<128xi32, #tpu.memory_space<vmem>>
        %dma_wait3A_145 = arith.constant 0 : i32
        %dma_wait3A_146 = arith.constant 0 : i32
        %dma_wait3A_147 = tpu.memref_slice %arg11[%dma_wait3A_145, %dma_wait3A_146] : memref<10240x128xf32, #tpu.memory_space<vmem_shared>> -> memref<10240x128xf32, #tpu.memory_space<vmem_shared>>
        tpu.wait_indirect_dma semaphore(%run_scoped3A_135 : memref<!tpu.dma_semaphore, #tpu.memory_space<semaphore_mem>>) src(%arg9 : memref<128x128xf32, #tpu.memory_space<vmem>>) dst(%dma_wait3A_147 : memref<10240x128xf32, #tpu.memory_space<vmem_shared>>)
        tpu.yield
      }) : () -> ()
      %dma_start3A_96 = arith.constant 6 : i32
      %dma_start3A_97 = arith.constant 0 : i32
      %dma_start3A_98 = tpu.memref_slice %arg7[%dma_start3A_96, %dma_start3A_97] : memref<8x128xi32, #tpu.memory_space<vmem>> -> memref<1x128xi32, #tpu.memory_space<vmem>>
      %dma_start3A_99 = tpu.memref_squeeze %dma_start3A_98 : memref<1x128xi32, #tpu.memory_space<vmem>> -> memref<128xi32, #tpu.memory_space<vmem>>
      %dma_start3A_100 = arith.constant 0 : i32
      %dma_start3A_101 = arith.constant 0 : i32
      %dma_start3A_102 = tpu.memref_slice %arg2[%dma_start3A_100, %dma_start3A_101] : memref<10240x128xf32, #tpu.memory_space<hbm>> -> memref<10240x128xf32, #tpu.memory_space<hbm>>
      tpu.enqueue_indirect_dma source(%dma_start3A_102 : memref<10240x128xf32, #tpu.memory_space<hbm>>) target(%arg9 : memref<128x128xf32, #tpu.memory_space<vmem>>) offsets(%dma_start3A_99 : memref<128xi32, #tpu.memory_space<vmem>>) semaphore(%arg13 : memref<!tpu.dma_semaphore, #tpu.memory_space<semaphore_mem>>)
      %dma_wait3A_103 = arith.constant 5 : i32
      %dma_wait3A_104 = arith.constant 0 : i32
      %dma_wait3A_105 = tpu.memref_slice %arg7[%dma_wait3A_103, %dma_wait3A_104] : memref<8x128xi32, #tpu.memory_space<vmem>> -> memref<1x128xi32, #tpu.memory_space<vmem>>
      %dma_wait3A_106 = tpu.memref_squeeze %dma_wait3A_105 : memref<1x128xi32, #tpu.memory_space<vmem>> -> memref<128xi32, #tpu.memory_space<vmem>>
      %dma_wait3A_107 = arith.constant 0 : i32
      %dma_wait3A_108 = arith.constant 0 : i32
      %dma_wait3A_109 = tpu.memref_slice %arg2[%dma_wait3A_107, %dma_wait3A_108] : memref<10240x128xf32, #tpu.memory_space<hbm>> -> memref<10240x128xf32, #tpu.memory_space<hbm>>
      tpu.wait_indirect_dma semaphore(%arg14 : memref<!tpu.dma_semaphore, #tpu.memory_space<semaphore_mem>>) src(%dma_wait3A_109 : memref<10240x128xf32, #tpu.memory_space<hbm>>) dst(%arg10 : memref<128x128xf32, #tpu.memory_space<vmem>>)
      %run_scoped3A_110 = arith.constant 5 : i32
      "tpu.region"() ({
        %run_scoped3A_135 = tpu.sem_alloc : memref<!tpu.dma_semaphore, #tpu.memory_space<semaphore_mem>>
        %dma_start3A_136 = arith.constant 0 : i32
        %dma_start3A_137 = tpu.memref_slice %arg8[%run_scoped3A_110, %dma_start3A_136] : memref<8x128xi32, #tpu.memory_space<vmem>> -> memref<1x128xi32, #tpu.memory_space<vmem>>
        %dma_start3A_138 = tpu.memref_squeeze %dma_start3A_137 : memref<1x128xi32, #tpu.memory_space<vmem>> -> memref<128xi32, #tpu.memory_space<vmem>>
        %dma_start3A_139 = arith.constant 0 : i32
        %dma_start3A_140 = arith.constant 0 : i32
        %dma_start3A_141 = tpu.memref_slice %arg11[%dma_start3A_139, %dma_start3A_140] : memref<10240x128xf32, #tpu.memory_space<vmem_shared>> -> memref<10240x128xf32, #tpu.memory_space<vmem_shared>>
        tpu.enqueue_indirect_dma source(%arg10 : memref<128x128xf32, #tpu.memory_space<vmem>>) target(%dma_start3A_141 : memref<10240x128xf32, #tpu.memory_space<vmem_shared>>) offsets(%dma_start3A_138 : memref<128xi32, #tpu.memory_space<vmem>>) semaphore(%run_scoped3A_135 : memref<!tpu.dma_semaphore, #tpu.memory_space<semaphore_mem>>) {add = true}
        %dma_wait3A_142 = arith.constant 0 : i32
        %dma_wait3A_143 = tpu.memref_slice %arg8[%run_scoped3A_110, %dma_wait3A_142] : memref<8x128xi32, #tpu.memory_space<vmem>> -> memref<1x128xi32, #tpu.memory_space<vmem>>
        %dma_wait3A_144 = tpu.memref_squeeze %dma_wait3A_143 : memref<1x128xi32, #tpu.memory_space<vmem>> -> memref<128xi32, #tpu.memory_space<vmem>>
        %dma_wait3A_145 = arith.constant 0 : i32
        %dma_wait3A_146 = arith.constant 0 : i32
        %dma_wait3A_147 = tpu.memref_slice %arg11[%dma_wait3A_145, %dma_wait3A_146] : memref<10240x128xf32, #tpu.memory_space<vmem_shared>> -> memref<10240x128xf32, #tpu.memory_space<vmem_shared>>
        tpu.wait_indirect_dma semaphore(%run_scoped3A_135 : memref<!tpu.dma_semaphore, #tpu.memory_space<semaphore_mem>>) src(%arg10 : memref<128x128xf32, #tpu.memory_space<vmem>>) dst(%dma_wait3A_147 : memref<10240x128xf32, #tpu.memory_space<vmem_shared>>)
        tpu.yield
      }) : () -> ()
      %dma_start3A_111 = arith.constant 7 : i32
      %dma_start3A_112 = arith.constant 0 : i32
      %dma_start3A_113 = tpu.memref_slice %arg7[%dma_start3A_111, %dma_start3A_112] : memref<8x128xi32, #tpu.memory_space<vmem>> -> memref<1x128xi32, #tpu.memory_space<vmem>>
      %dma_start3A_114 = tpu.memref_squeeze %dma_start3A_113 : memref<1x128xi32, #tpu.memory_space<vmem>> -> memref<128xi32, #tpu.memory_space<vmem>>
      %dma_start3A_115 = arith.constant 0 : i32
      %dma_start3A_116 = arith.constant 0 : i32
      %dma_start3A_117 = tpu.memref_slice %arg2[%dma_start3A_115, %dma_start3A_116] : memref<10240x128xf32, #tpu.memory_space<hbm>> -> memref<10240x128xf32, #tpu.memory_space<hbm>>
      tpu.enqueue_indirect_dma source(%dma_start3A_117 : memref<10240x128xf32, #tpu.memory_space<hbm>>) target(%arg10 : memref<128x128xf32, #tpu.memory_space<vmem>>) offsets(%dma_start3A_114 : memref<128xi32, #tpu.memory_space<vmem>>) semaphore(%arg14 : memref<!tpu.dma_semaphore, #tpu.memory_space<semaphore_mem>>)
      %dma_wait3A_118 = arith.constant 6 : i32
      %dma_wait3A_119 = arith.constant 0 : i32
      %dma_wait3A_120 = tpu.memref_slice %arg7[%dma_wait3A_118, %dma_wait3A_119] : memref<8x128xi32, #tpu.memory_space<vmem>> -> memref<1x128xi32, #tpu.memory_space<vmem>>
      %dma_wait3A_121 = tpu.memref_squeeze %dma_wait3A_120 : memref<1x128xi32, #tpu.memory_space<vmem>> -> memref<128xi32, #tpu.memory_space<vmem>>
      %dma_wait3A_122 = arith.constant 0 : i32
      %dma_wait3A_123 = arith.constant 0 : i32
      %dma_wait3A_124 = tpu.memref_slice %arg2[%dma_wait3A_122, %dma_wait3A_123] : memref<10240x128xf32, #tpu.memory_space<hbm>> -> memref<10240x128xf32, #tpu.memory_space<hbm>>
      tpu.wait_indirect_dma semaphore(%arg13 : memref<!tpu.dma_semaphore, #tpu.memory_space<semaphore_mem>>) src(%dma_wait3A_124 : memref<10240x128xf32, #tpu.memory_space<hbm>>) dst(%arg9 : memref<128x128xf32, #tpu.memory_space<vmem>>)
      %run_scoped3A_125 = arith.constant 6 : i32
      "tpu.region"() ({
        %run_scoped3A_135 = tpu.sem_alloc : memref<!tpu.dma_semaphore, #tpu.memory_space<semaphore_mem>>
        %dma_start3A_136 = arith.constant 0 : i32
        %dma_start3A_137 = tpu.memref_slice %arg8[%run_scoped3A_125, %dma_start3A_136] : memref<8x128xi32, #tpu.memory_space<vmem>> -> memref<1x128xi32, #tpu.memory_space<vmem>>
        %dma_start3A_138 = tpu.memref_squeeze %dma_start3A_137 : memref<1x128xi32, #tpu.memory_space<vmem>> -> memref<128xi32, #tpu.memory_space<vmem>>
        %dma_start3A_139 = arith.constant 0 : i32
        %dma_start3A_140 = arith.constant 0 : i32
        %dma_start3A_141 = tpu.memref_slice %arg11[%dma_start3A_139, %dma_start3A_140] : memref<10240x128xf32, #tpu.memory_space<vmem_shared>> -> memref<10240x128xf32, #tpu.memory_space<vmem_shared>>
        tpu.enqueue_indirect_dma source(%arg9 : memref<128x128xf32, #tpu.memory_space<vmem>>) target(%dma_start3A_141 : memref<10240x128xf32, #tpu.memory_space<vmem_shared>>) offsets(%dma_start3A_138 : memref<128xi32, #tpu.memory_space<vmem>>) semaphore(%run_scoped3A_135 : memref<!tpu.dma_semaphore, #tpu.memory_space<semaphore_mem>>) {add = true}
        %dma_wait3A_142 = arith.constant 0 : i32
        %dma_wait3A_143 = tpu.memref_slice %arg8[%run_scoped3A_125, %dma_wait3A_142] : memref<8x128xi32, #tpu.memory_space<vmem>> -> memref<1x128xi32, #tpu.memory_space<vmem>>
        %dma_wait3A_144 = tpu.memref_squeeze %dma_wait3A_143 : memref<1x128xi32, #tpu.memory_space<vmem>> -> memref<128xi32, #tpu.memory_space<vmem>>
        %dma_wait3A_145 = arith.constant 0 : i32
        %dma_wait3A_146 = arith.constant 0 : i32
        %dma_wait3A_147 = tpu.memref_slice %arg11[%dma_wait3A_145, %dma_wait3A_146] : memref<10240x128xf32, #tpu.memory_space<vmem_shared>> -> memref<10240x128xf32, #tpu.memory_space<vmem_shared>>
        tpu.wait_indirect_dma semaphore(%run_scoped3A_135 : memref<!tpu.dma_semaphore, #tpu.memory_space<semaphore_mem>>) src(%arg9 : memref<128x128xf32, #tpu.memory_space<vmem>>) dst(%dma_wait3A_147 : memref<10240x128xf32, #tpu.memory_space<vmem_shared>>)
        tpu.yield
      }) : () -> ()
      %dma_wait3A_126 = arith.constant 7 : i32
      %dma_wait3A_127 = arith.constant 0 : i32
      %dma_wait3A_128 = tpu.memref_slice %arg7[%dma_wait3A_126, %dma_wait3A_127] : memref<8x128xi32, #tpu.memory_space<vmem>> -> memref<1x128xi32, #tpu.memory_space<vmem>>
      %dma_wait3A_129 = tpu.memref_squeeze %dma_wait3A_128 : memref<1x128xi32, #tpu.memory_space<vmem>> -> memref<128xi32, #tpu.memory_space<vmem>>
      %dma_wait3A_130 = arith.constant 0 : i32
      %dma_wait3A_131 = arith.constant 0 : i32
      %dma_wait3A_132 = tpu.memref_slice %arg2[%dma_wait3A_130, %dma_wait3A_131] : memref<10240x128xf32, #tpu.memory_space<hbm>> -> memref<10240x128xf32, #tpu.memory_space<hbm>>
      tpu.wait_indirect_dma semaphore(%arg14 : memref<!tpu.dma_semaphore, #tpu.memory_space<semaphore_mem>>) src(%dma_wait3A_132 : memref<10240x128xf32, #tpu.memory_space<hbm>>) dst(%arg10 : memref<128x128xf32, #tpu.memory_space<vmem>>)
      %run_scoped3A_133 = arith.constant 7 : i32
      "tpu.region"() ({
        %run_scoped3A_135 = tpu.sem_alloc : memref<!tpu.dma_semaphore, #tpu.memory_space<semaphore_mem>>
        %dma_start3A_136 = arith.constant 0 : i32
        %dma_start3A_137 = tpu.memref_slice %arg8[%run_scoped3A_133, %dma_start3A_136] : memref<8x128xi32, #tpu.memory_space<vmem>> -> memref<1x128xi32, #tpu.memory_space<vmem>>
        %dma_start3A_138 = tpu.memref_squeeze %dma_start3A_137 : memref<1x128xi32, #tpu.memory_space<vmem>> -> memref<128xi32, #tpu.memory_space<vmem>>
        %dma_start3A_139 = arith.constant 0 : i32
        %dma_start3A_140 = arith.constant 0 : i32
        %dma_start3A_141 = tpu.memref_slice %arg11[%dma_start3A_139, %dma_start3A_140] : memref<10240x128xf32, #tpu.memory_space<vmem_shared>> -> memref<10240x128xf32, #tpu.memory_space<vmem_shared>>
        tpu.enqueue_indirect_dma source(%arg10 : memref<128x128xf32, #tpu.memory_space<vmem>>) target(%dma_start3A_141 : memref<10240x128xf32, #tpu.memory_space<vmem_shared>>) offsets(%dma_start3A_138 : memref<128xi32, #tpu.memory_space<vmem>>) semaphore(%run_scoped3A_135 : memref<!tpu.dma_semaphore, #tpu.memory_space<semaphore_mem>>) {add = true}
        %dma_wait3A_142 = arith.constant 0 : i32
        %dma_wait3A_143 = tpu.memref_slice %arg8[%run_scoped3A_133, %dma_wait3A_142] : memref<8x128xi32, #tpu.memory_space<vmem>> -> memref<1x128xi32, #tpu.memory_space<vmem>>
        %dma_wait3A_144 = tpu.memref_squeeze %dma_wait3A_143 : memref<1x128xi32, #tpu.memory_space<vmem>> -> memref<128xi32, #tpu.memory_space<vmem>>
        %dma_wait3A_145 = arith.constant 0 : i32
        %dma_wait3A_146 = arith.constant 0 : i32
        %dma_wait3A_147 = tpu.memref_slice %arg11[%dma_wait3A_145, %dma_wait3A_146] : memref<10240x128xf32, #tpu.memory_space<vmem_shared>> -> memref<10240x128xf32, #tpu.memory_space<vmem_shared>>
        tpu.wait_indirect_dma semaphore(%run_scoped3A_135 : memref<!tpu.dma_semaphore, #tpu.memory_space<semaphore_mem>>) src(%arg10 : memref<128x128xf32, #tpu.memory_space<vmem>>) dst(%dma_wait3A_147 : memref<10240x128xf32, #tpu.memory_space<vmem_shared>>)
        tpu.yield
      }) : () -> ()
      %scan3A_134 = arith.constant 0 : i32
      scf.yield %scan3A_134 : i32
    }
    %scan3A_8 = arith.constant 10 : i32
    %barrier3A_9 = arith.constant 0 : index
    tpu.barrier barrier_id(%barrier3A_9)
    "tpu.region"() ({
      %run_scoped3A = tpu.sem_alloc : memref<!tpu.dma_semaphore, #tpu.memory_space<semaphore_mem>>
      %dma_start3A = arith.constant 0 : i32
      %dma_start3A_10 = tpu.memref_slice %arg6[%arg0, %mul3A_2, %dma_start3A] : memref<2x10240x128xf32, #tpu.memory_space<hbm>> -> memref<1x640x128xf32, #tpu.memory_space<hbm>>
      %dma_start3A_11 = tpu.memref_squeeze %dma_start3A_10 : memref<1x640x128xf32, #tpu.memory_space<hbm>> -> memref<640x128xf32, #tpu.memory_space<hbm>>
      %dma_start3A_12 = arith.constant 0 : i32
      %dma_start3A_13 = tpu.memref_slice %arg11[%mul3A_2, %dma_start3A_12] : memref<10240x128xf32, #tpu.memory_space<vmem_shared>> -> memref<640x128xf32, #tpu.memory_space<vmem_shared>>
      tpu.enqueue_dma source(%dma_start3A_13 : memref<640x128xf32, #tpu.memory_space<vmem_shared>>) target(%dma_start3A_11 : memref<640x128xf32, #tpu.memory_space<hbm>>) target_semaphore(%run_scoped3A : memref<!tpu.dma_semaphore, #tpu.memory_space<semaphore_mem>>)
      %dma_wait3A = arith.constant 0 : i32
      %dma_wait3A_14 = tpu.memref_slice %arg6[%arg0, %mul3A_2, %dma_wait3A] : memref<2x10240x128xf32, #tpu.memory_space<hbm>> -> memref<1x640x128xf32, #tpu.memory_space<hbm>>
      %dma_wait3A_15 = tpu.memref_squeeze %dma_wait3A_14 : memref<1x640x128xf32, #tpu.memory_space<hbm>> -> memref<640x128xf32, #tpu.memory_space<hbm>>
      %dma_wait3A_16 = arith.constant 0 : i32
      %dma_wait3A_17 = tpu.memref_slice %arg11[%mul3A_2, %dma_wait3A_16] : memref<10240x128xf32, #tpu.memory_space<vmem_shared>> -> memref<640x128xf32, #tpu.memory_space<vmem_shared>>
      tpu.wait_dma2 semaphore(%run_scoped3A : memref<!tpu.dma_semaphore, #tpu.memory_space<semaphore_mem>>) src(%dma_wait3A_17 : memref<640x128xf32, #tpu.memory_space<vmem_shared>>) dst(%dma_wait3A_15 : memref<640x128xf32, #tpu.memory_space<hbm>>)
      tpu.yield
    }) : () -> ()
    return
  }
}

#map = affine_map<(d0, d1) -> (0, 0)>
#map1 = affine_map<(d0, d1) -> (0, 0, 0)>
module attributes {stable_mosaic.version = 14 : i64} {
  func.func @k(%arg0: i32, %arg1: i32, %arg2: memref<128x128xf32, #tpu.memory_space<hbm>>, %arg3: memref<2560x128xi32, #tpu.memory_space<hbm>>, %arg4: memref<10240x128xf32, #tpu.memory_space<hbm>>, %arg5: memref<2x10240x128xf32, #tpu.memory_space<hbm>>, %arg6: memref<80x128xi32, #tpu.memory_space<vmem>>, %arg7: memref<128x128xf32, #tpu.memory_space<vmem>>, %arg8: memref<10240x128xf32, #tpu.memory_space<vmem_shared>>, %arg9: memref<!tpu.dma_semaphore, #tpu.memory_space<semaphore_mem>>) attributes {dimension_semantics = [#tpu.dimension_semantics<core_parallel>, #tpu.dimension_semantics<subcore_parallel>], iteration_bounds = array<i64: 2, 16>, scalar_prefetch = 0 : i64, scratch_operands = 4 : i64, tpu.core_type = #tpu.core_type<sc_vector_subcore>, window_params = [{transform_indices = #map}, {transform_indices = #map}, {transform_indices = #map}, {transform_indices = #map1}]} {
    %mul3A = arith.constant 16 : i32
    %mul3A_0 = arith.muli %arg0, %mul3A : i32
    %add3A = arith.addi %mul3A_0, %arg1 : i32
    %mul3A_1 = arith.constant 640 : i32
    %mul3A_2 = arith.muli %arg1, %mul3A_1 : i32
    "tpu.region"() ({
      %run_scoped3A = tpu.sem_alloc : memref<!tpu.dma_semaphore, #tpu.memory_space<semaphore_mem>>
      %dma_start3A = arith.constant 0 : i32
      %dma_start3A_12 = tpu.memref_slice %arg8[%mul3A_2, %dma_start3A] : memref<10240x128xf32, #tpu.memory_space<vmem_shared>> -> memref<640x128xf32, #tpu.memory_space<vmem_shared>>
      %dma_start3A_13 = arith.constant 0 : i32
      %dma_start3A_14 = tpu.memref_slice %arg4[%mul3A_2, %dma_start3A_13] : memref<10240x128xf32, #tpu.memory_space<hbm>> -> memref<640x128xf32, #tpu.memory_space<hbm>>
      tpu.enqueue_dma source(%dma_start3A_14 : memref<640x128xf32, #tpu.memory_space<hbm>>) target(%dma_start3A_12 : memref<640x128xf32, #tpu.memory_space<vmem_shared>>) target_semaphore(%run_scoped3A : memref<!tpu.dma_semaphore, #tpu.memory_space<semaphore_mem>>)
      %dma_wait3A = arith.constant 0 : i32
      %dma_wait3A_15 = tpu.memref_slice %arg8[%mul3A_2, %dma_wait3A] : memref<10240x128xf32, #tpu.memory_space<vmem_shared>> -> memref<640x128xf32, #tpu.memory_space<vmem_shared>>
      %dma_wait3A_16 = arith.constant 0 : i32
      %dma_wait3A_17 = tpu.memref_slice %arg4[%mul3A_2, %dma_wait3A_16] : memref<10240x128xf32, #tpu.memory_space<hbm>> -> memref<640x128xf32, #tpu.memory_space<hbm>>
      tpu.wait_dma2 semaphore(%run_scoped3A : memref<!tpu.dma_semaphore, #tpu.memory_space<semaphore_mem>>) src(%dma_wait3A_17 : memref<640x128xf32, #tpu.memory_space<hbm>>) dst(%dma_wait3A_15 : memref<640x128xf32, #tpu.memory_space<vmem_shared>>)
      tpu.yield
    }) : () -> ()
    %mul3A_3 = arith.constant 80 : i32
    %mul3A_4 = arith.muli %add3A, %mul3A_3 : i32
    "tpu.region"() ({
      %run_scoped3A = tpu.sem_alloc : memref<!tpu.dma_semaphore, #tpu.memory_space<semaphore_mem>>
      %dma_start3A = arith.constant 0 : i32
      %dma_start3A_12 = tpu.memref_slice %arg3[%mul3A_4, %dma_start3A] : memref<2560x128xi32, #tpu.memory_space<hbm>> -> memref<80x128xi32, #tpu.memory_space<hbm>>
      %dma_start3A_13 = arith.constant 0 : i32
      %dma_start3A_14 = tpu.memref_slice %arg3[%mul3A_4, %dma_start3A_13] : memref<2560x128xi32, #tpu.memory_space<hbm>> -> memref<80x128xi32, #tpu.memory_space<hbm>>
      tpu.enqueue_dma source(%dma_start3A_14 : memref<80x128xi32, #tpu.memory_space<hbm>>) target(%arg6 : memref<80x128xi32, #tpu.memory_space<vmem>>) target_semaphore(%run_scoped3A : memref<!tpu.dma_semaphore, #tpu.memory_space<semaphore_mem>>)
      %dma_wait3A = arith.constant 0 : i32
      %dma_wait3A_15 = tpu.memref_slice %arg3[%mul3A_4, %dma_wait3A] : memref<2560x128xi32, #tpu.memory_space<hbm>> -> memref<80x128xi32, #tpu.memory_space<hbm>>
      %dma_wait3A_16 = arith.constant 0 : i32
      %dma_wait3A_17 = tpu.memref_slice %arg3[%mul3A_4, %dma_wait3A_16] : memref<2560x128xi32, #tpu.memory_space<hbm>> -> memref<80x128xi32, #tpu.memory_space<hbm>>
      tpu.wait_dma2 semaphore(%run_scoped3A : memref<!tpu.dma_semaphore, #tpu.memory_space<semaphore_mem>>) src(%dma_wait3A_17 : memref<80x128xi32, #tpu.memory_space<hbm>>) dst(%arg6 : memref<80x128xi32, #tpu.memory_space<vmem>>)
      tpu.yield
    }) : () -> ()
    "tpu.region"() ({
      %run_scoped3A = tpu.sem_alloc : memref<!tpu.dma_semaphore, #tpu.memory_space<semaphore_mem>>
      tpu.enqueue_dma source(%arg2 : memref<128x128xf32, #tpu.memory_space<hbm>>) target(%arg7 : memref<128x128xf32, #tpu.memory_space<vmem>>) target_semaphore(%run_scoped3A : memref<!tpu.dma_semaphore, #tpu.memory_space<semaphore_mem>>)
      tpu.wait_dma2 semaphore(%run_scoped3A : memref<!tpu.dma_semaphore, #tpu.memory_space<semaphore_mem>>) src(%arg2 : memref<128x128xf32, #tpu.memory_space<hbm>>) dst(%arg7 : memref<128x128xf32, #tpu.memory_space<vmem>>)
      tpu.yield
    }) : () -> ()
    %barrier3A = arith.constant 0 : index
    tpu.barrier barrier_id(%barrier3A)
    %scan3A = arith.constant 0 : i32
    %scan3A_5 = arith.constant 0 : i32
    %scan3A_6 = arith.constant 80 : i32
    %scan3A_7 = arith.addi %scan3A_5, %scan3A_6 : i32
    %scan3A_8 = arith.constant 1 : i32
    %scan3A_9 = scf.for %scan3A_12 = %scan3A_5 to %scan3A_7 step %scan3A_8 iter_args(%scan3A_13 = %scan3A) -> (i32)  : i32 {
      "tpu.region"() ({
        %run_scoped3A = tpu.sem_alloc : memref<!tpu.dma_semaphore, #tpu.memory_space<semaphore_mem>>
        %dma_start3A = arith.constant 0 : i32
        %dma_start3A_15 = tpu.memref_slice %arg6[%scan3A_12, %dma_start3A] : memref<80x128xi32, #tpu.memory_space<vmem>> -> memref<1x128xi32, #tpu.memory_space<vmem>>
        %dma_start3A_16 = tpu.memref_squeeze %dma_start3A_15 : memref<1x128xi32, #tpu.memory_space<vmem>> -> memref<128xi32, #tpu.memory_space<vmem>>
        %dma_start3A_17 = arith.constant 0 : i32
        %dma_start3A_18 = arith.constant 0 : i32
        %dma_start3A_19 = tpu.memref_slice %arg8[%dma_start3A_17, %dma_start3A_18] : memref<10240x128xf32, #tpu.memory_space<vmem_shared>> -> memref<10240x128xf32, #tpu.memory_space<vmem_shared>>
        tpu.enqueue_indirect_dma source(%arg7 : memref<128x128xf32, #tpu.memory_space<vmem>>) target(%dma_start3A_19 : memref<10240x128xf32, #tpu.memory_space<vmem_shared>>) offsets(%dma_start3A_16 : memref<128xi32, #tpu.memory_space<vmem>>) semaphore(%run_scoped3A : memref<!tpu.dma_semaphore, #tpu.memory_space<semaphore_mem>>) {add = true}
        %dma_wait3A = arith.constant 0 : i32
        %dma_wait3A_20 = tpu.memref_slice %arg6[%scan3A_12, %dma_wait3A] : memref<80x128xi32, #tpu.memory_space<vmem>> -> memref<1x128xi32, #tpu.memory_space<vmem>>
        %dma_wait3A_21 = tpu.memref_squeeze %dma_wait3A_20 : memref<1x128xi32, #tpu.memory_space<vmem>> -> memref<128xi32, #tpu.memory_space<vmem>>
        %dma_wait3A_22 = arith.constant 0 : i32
        %dma_wait3A_23 = arith.constant 0 : i32
        %dma_wait3A_24 = tpu.memref_slice %arg8[%dma_wait3A_22, %dma_wait3A_23] : memref<10240x128xf32, #tpu.memory_space<vmem_shared>> -> memref<10240x128xf32, #tpu.memory_space<vmem_shared>>
        tpu.wait_indirect_dma semaphore(%run_scoped3A : memref<!tpu.dma_semaphore, #tpu.memory_space<semaphore_mem>>) src(%arg7 : memref<128x128xf32, #tpu.memory_space<vmem>>) dst(%dma_wait3A_24 : memref<10240x128xf32, #tpu.memory_space<vmem_shared>>)
        tpu.yield
      }) : () -> ()
      %scan3A_14 = arith.constant 0 : i32
      scf.yield %scan3A_14 : i32
    }
    %scan3A_10 = arith.constant 80 : i32
    %barrier3A_11 = arith.constant 0 : index
    tpu.barrier barrier_id(%barrier3A_11)
    "tpu.region"() ({
      %run_scoped3A = tpu.sem_alloc : memref<!tpu.dma_semaphore, #tpu.memory_space<semaphore_mem>>
      %dma_start3A = arith.constant 0 : i32
      %dma_start3A_12 = tpu.memref_slice %arg5[%arg0, %mul3A_2, %dma_start3A] : memref<2x10240x128xf32, #tpu.memory_space<hbm>> -> memref<1x640x128xf32, #tpu.memory_space<hbm>>
      %dma_start3A_13 = tpu.memref_squeeze %dma_start3A_12 : memref<1x640x128xf32, #tpu.memory_space<hbm>> -> memref<640x128xf32, #tpu.memory_space<hbm>>
      %dma_start3A_14 = arith.constant 0 : i32
      %dma_start3A_15 = tpu.memref_slice %arg8[%mul3A_2, %dma_start3A_14] : memref<10240x128xf32, #tpu.memory_space<vmem_shared>> -> memref<640x128xf32, #tpu.memory_space<vmem_shared>>
      tpu.enqueue_dma source(%dma_start3A_15 : memref<640x128xf32, #tpu.memory_space<vmem_shared>>) target(%dma_start3A_13 : memref<640x128xf32, #tpu.memory_space<hbm>>) target_semaphore(%run_scoped3A : memref<!tpu.dma_semaphore, #tpu.memory_space<semaphore_mem>>)
      %dma_wait3A = arith.constant 0 : i32
      %dma_wait3A_16 = tpu.memref_slice %arg5[%arg0, %mul3A_2, %dma_wait3A] : memref<2x10240x128xf32, #tpu.memory_space<hbm>> -> memref<1x640x128xf32, #tpu.memory_space<hbm>>
      %dma_wait3A_17 = tpu.memref_squeeze %dma_wait3A_16 : memref<1x640x128xf32, #tpu.memory_space<hbm>> -> memref<640x128xf32, #tpu.memory_space<hbm>>
      %dma_wait3A_18 = arith.constant 0 : i32
      %dma_wait3A_19 = tpu.memref_slice %arg8[%mul3A_2, %dma_wait3A_18] : memref<10240x128xf32, #tpu.memory_space<vmem_shared>> -> memref<640x128xf32, #tpu.memory_space<vmem_shared>>
      tpu.wait_dma2 semaphore(%run_scoped3A : memref<!tpu.dma_semaphore, #tpu.memory_space<semaphore_mem>>) src(%dma_wait3A_19 : memref<640x128xf32, #tpu.memory_space<vmem_shared>>) dst(%dma_wait3A_17 : memref<640x128xf32, #tpu.memory_space<hbm>>)
      tpu.yield
    }) : () -> ()
    return
  }
}

module attributes {stable_mosaic.version = 14 : i64} {
  func.func @_enc_pre1_body(%arg0: i32, %arg1: memref<512x128xf32, #tpu.memory_space<vmem>>, %arg2: memref<128x128xf32, #tpu.memory_space<vmem>>, %arg3: memref<1x128xf32, #tpu.memory_space<vmem>>, %arg4: memref<128x128xf32, #tpu.memory_space<vmem>>, %arg5: memref<2x512x128xf32, #tpu.memory_space<vmem>>, %arg6: memref<512x128xf32, #tpu.memory_space<vmem>>) attributes {dimension_semantics = [#tpu.dimension_semantics<arbitrary>], iteration_bounds = array<i64: 20>, scalar_prefetch = 0 : i64, scratch_operands = 0 : i64, tpu.core_type = #tpu.core_type<tc>, window_params = [{transform_indices = @transform_0, window_bounds = array<i64: 512, 128>}, {pipeline_mode = #tpu.pipeline_mode<synchronous>, transform_indices = @transform_1, window_bounds = array<i64: 128, 128>}, {pipeline_mode = #tpu.pipeline_mode<synchronous>, transform_indices = @transform_2, window_bounds = array<i64: 1, 128>}, {pipeline_mode = #tpu.pipeline_mode<synchronous>, transform_indices = @transform_3, window_bounds = array<i64: 128, 128>}, {transform_indices = @transform_4, window_bounds = array<i64: 2, 512, 128>}, {transform_indices = @transform_5, window_bounds = array<i64: 512, 128>}]} {
    %get3A = arith.constant 0 : index
    %get3A_0 = arith.constant 0 : index
    %get3A_1 = vector.load %arg1[%get3A, %get3A_0] : memref<512x128xf32, #tpu.memory_space<vmem>>, vector<512x128xf32>
    %get3A_2 = arith.constant 0 : index
    %get3A_3 = arith.constant 0 : index
    %get3A_4 = vector.load %arg2[%get3A_2, %get3A_3] : memref<128x128xf32, #tpu.memory_space<vmem>>, vector<128x128xf32>
    %dot_general3A = arith.constant dense<0.000000e+00> : vector<512x128xf32>
    %dot_general3A_5 = tpu.matmul %get3A_1, %get3A_4, %dot_general3A {dimension_numbers = #tpu.dot_dimension_numbers<[1], [0], [0], [1], [0, 0, 1, 1], [], []>, transpose_lhs_hint = false} : vector<512x128xf32>, vector<128x128xf32>, vector<512x128xf32> -> vector<512x128xf32>
    %get3A_6 = arith.constant 0 : index
    %get3A_7 = arith.constant 0 : index
    %get3A_8 = vector.load %arg3[%get3A_6, %get3A_7] : memref<1x128xf32, #tpu.memory_space<vmem>>, vector<1x128xf32>
    %add3A = vector.broadcast %get3A_8 : vector<1x128xf32> to vector<512x128xf32>
    %add3A_9 = arith.addf %dot_general3A_5, %add3A : vector<512x128xf32>
    %get3A_10 = arith.constant 0 : index
    %get3A_11 = arith.constant 0 : index
    %get3A_12 = arith.constant 0 : index
    %get3A_13 = vector.load %arg5[%get3A_10, %get3A_11, %get3A_12] : memref<2x512x128xf32, #tpu.memory_space<vmem>>, vector<2x512x128xf32>
    %slice3A = vector.extract_strided_slice %get3A_13 {offsets = [0, 0, 0], sizes = [1, 512, 1], strides = [1, 1, 1]} : vector<2x512x128xf32> to vector<1x512x1xf32>
    %squeeze3A = vector.shape_cast %slice3A : vector<1x512x1xf32> to vector<512x1xf32>
    %slice3A_14 = vector.extract_strided_slice %get3A_13 {offsets = [1, 0, 0], sizes = [1, 512, 1], strides = [1, 1, 1]} : vector<2x512x128xf32> to vector<1x512x1xf32>
    %squeeze3A_15 = vector.shape_cast %slice3A_14 : vector<1x512x1xf32> to vector<512x1xf32>
    %add3A_16 = arith.addf %squeeze3A, %squeeze3A_15 : vector<512x1xf32>
    %add3A_17 = arith.constant 1.000000e+00 : f32
    %add3A_18 = vector.broadcast %add3A_17 : f32 to vector<512x1xf32>
    %add3A_19 = arith.addf %add3A_16, %add3A_18 : vector<512x1xf32>
    %rsqrt3A = math.rsqrt %add3A_19 : vector<512x1xf32>
    %get3A_20 = arith.constant 0 : index
    %get3A_21 = arith.constant 0 : index
    %get3A_22 = vector.load %arg4[%get3A_20, %get3A_21] : memref<128x128xf32, #tpu.memory_space<vmem>>, vector<128x128xf32>
    %dot_general3A_23 = arith.constant dense<0.000000e+00> : vector<512x128xf32>
    %dot_general3A_24 = tpu.matmul %add3A_9, %get3A_22, %dot_general3A_23 {dimension_numbers = #tpu.dot_dimension_numbers<[1], [0], [0], [1], [0, 0, 1, 1], [], []>, transpose_lhs_hint = false} : vector<512x128xf32>, vector<128x128xf32>, vector<512x128xf32> -> vector<512x128xf32>
    %mul3A = vector.broadcast %rsqrt3A : vector<512x1xf32> to vector<512x128xf32>
    %mul3A_25 = arith.mulf %dot_general3A_24, %mul3A : vector<512x128xf32>
    %swap3A = arith.constant 0 : index
    %swap3A_26 = arith.constant 0 : index
    %swap3A_27 = vector.load %arg6[%swap3A, %swap3A_26] : memref<512x128xf32, #tpu.memory_space<vmem>>, vector<512x128xf32>
    tpu.vector_store %arg6[%swap3A, %swap3A_26], %mul3A_25 {strides = array<i32>} : memref<512x128xf32, #tpu.memory_space<vmem>>, vector<512x128xf32>,
    return
  }
  func.func @transform_0(%arg0: i32) -> (i32, i32) {
    %c0_i32 = arith.constant 0 : i32
    %c0_i32_0 = arith.constant 0 : i32
    return %arg0, %c0_i32 : i32, i32
  }
  func.func @transform_1(%arg0: i32) -> (i32, i32) {
    %c0_i32 = arith.constant 0 : i32
    %c0_i32_0 = arith.constant 0 : i32
    %c0_i32_1 = arith.constant 0 : i32
    return %c0_i32, %c0_i32_0 : i32, i32
  }
  func.func @transform_2(%arg0: i32) -> (i32, i32) {
    %c0_i32 = arith.constant 0 : i32
    %c0_i32_0 = arith.constant 0 : i32
    %c0_i32_1 = arith.constant 0 : i32
    return %c0_i32, %c0_i32_0 : i32, i32
  }
  func.func @transform_3(%arg0: i32) -> (i32, i32) {
    %c0_i32 = arith.constant 0 : i32
    %c0_i32_0 = arith.constant 0 : i32
    %c0_i32_1 = arith.constant 0 : i32
    return %c0_i32, %c0_i32_0 : i32, i32
  }
  func.func @transform_4(%arg0: i32) -> (i32, i32, i32) {
    %c0_i32 = arith.constant 0 : i32
    %c0_i32_0 = arith.constant 0 : i32
    %c0_i32_1 = arith.constant 0 : i32
    return %c0_i32, %arg0, %c0_i32_0 : i32, i32, i32
  }
  func.func @transform_5(%arg0: i32) -> (i32, i32) {
    %c0_i32 = arith.constant 0 : i32
    %c0_i32_0 = arith.constant 0 : i32
    return %arg0, %c0_i32 : i32, i32
  }
}

module attributes {stable_mosaic.version = 14 : i64} {
  func.func @_mid_body(%arg0: i32, %arg1: memref<2x512x128xf32, #tpu.memory_space<vmem>>, %arg2: memref<512x128xf32, #tpu.memory_space<vmem>>, %arg3: memref<2x512x128xf32, #tpu.memory_space<vmem>>, %arg4: memref<1x128xf32, #tpu.memory_space<vmem>>, %arg5: memref<128x128xf32, #tpu.memory_space<vmem>>, %arg6: memref<512x128xf32, #tpu.memory_space<vmem>>) attributes {dimension_semantics = [#tpu.dimension_semantics<arbitrary>], iteration_bounds = array<i64: 20>, scalar_prefetch = 0 : i64, scratch_operands = 0 : i64, tpu.core_type = #tpu.core_type<tc>, window_params = [{transform_indices = @transform_0, window_bounds = array<i64: 2, 512, 128>}, {transform_indices = @transform_1, window_bounds = array<i64: 512, 128>}, {transform_indices = @transform_2, window_bounds = array<i64: 2, 512, 128>}, {pipeline_mode = #tpu.pipeline_mode<synchronous>, transform_indices = @transform_3, window_bounds = array<i64: 1, 128>}, {pipeline_mode = #tpu.pipeline_mode<synchronous>, transform_indices = @transform_4, window_bounds = array<i64: 128, 128>}, {transform_indices = @transform_5, window_bounds = array<i64: 512, 128>}]} {
    %get3A = arith.constant 0 : index
    %get3A_0 = arith.constant 0 : index
    %get3A_1 = arith.constant 0 : index
    %get3A_2 = vector.load %arg3[%get3A, %get3A_0, %get3A_1] : memref<2x512x128xf32, #tpu.memory_space<vmem>>, vector<2x512x128xf32>
    %slice3A = vector.extract_strided_slice %get3A_2 {offsets = [0, 0, 0], sizes = [1, 512, 1], strides = [1, 1, 1]} : vector<2x512x128xf32> to vector<1x512x1xf32>
    %squeeze3A = vector.shape_cast %slice3A : vector<1x512x1xf32> to vector<512x1xf32>
    %slice3A_3 = vector.extract_strided_slice %get3A_2 {offsets = [1, 0, 0], sizes = [1, 512, 1], strides = [1, 1, 1]} : vector<2x512x128xf32> to vector<1x512x1xf32>
    %squeeze3A_4 = vector.shape_cast %slice3A_3 : vector<1x512x1xf32> to vector<512x1xf32>
    %add3A = arith.addf %squeeze3A, %squeeze3A_4 : vector<512x1xf32>
    %add3A_5 = arith.constant 1.000000e+00 : f32
    %add3A_6 = vector.broadcast %add3A_5 : f32 to vector<512x1xf32>
    %add3A_7 = arith.addf %add3A, %add3A_6 : vector<512x1xf32>
    %rsqrt3A = math.rsqrt %add3A_7 : vector<512x1xf32>
    %get3A_8 = arith.constant 0 : index
    %get3A_9 = arith.constant 0 : index
    %get3A_10 = arith.constant 0 : index
    %get3A_11 = vector.load %arg1[%get3A_8, %get3A_9, %get3A_10] : memref<2x512x128xf32, #tpu.memory_space<vmem>>, vector<1x512x128xf32>
    %get3A_12 = vector.shape_cast %get3A_11 : vector<1x512x128xf32> to vector<512x128xf32>
    %get3A_13 = arith.constant 1 : index
    %get3A_14 = arith.constant 0 : index
    %get3A_15 = arith.constant 0 : index
    %get3A_16 = vector.load %arg1[%get3A_13, %get3A_14, %get3A_15] : memref<2x512x128xf32, #tpu.memory_space<vmem>>, vector<1x512x128xf32>
    %get3A_17 = vector.shape_cast %get3A_16 : vector<1x512x128xf32> to vector<512x128xf32>
    %add3A_18 = arith.addf %get3A_12, %get3A_17 : vector<512x128xf32>
    %get3A_19 = arith.constant 0 : index
    %get3A_20 = arith.constant 0 : index
    %get3A_21 = vector.load %arg2[%get3A_19, %get3A_20] : memref<512x128xf32, #tpu.memory_space<vmem>>, vector<512x128xf32>
    %add3A_22 = arith.addf %add3A_18, %get3A_21 : vector<512x128xf32>
    %mul3A = vector.broadcast %rsqrt3A : vector<512x1xf32> to vector<512x128xf32>
    %mul3A_23 = arith.mulf %mul3A, %add3A_22 : vector<512x128xf32>
    %get3A_24 = arith.constant 0 : index
    %get3A_25 = arith.constant 0 : index
    %get3A_26 = vector.load %arg4[%get3A_24, %get3A_25] : memref<1x128xf32, #tpu.memory_space<vmem>>, vector<1x128xf32>
    %add3A_27 = vector.broadcast %get3A_26 : vector<1x128xf32> to vector<512x128xf32>
    %add3A_28 = arith.addf %mul3A_23, %add3A_27 : vector<512x128xf32>
    %max3A = arith.constant 0.000000e+00 : f32
    %max3A_29 = vector.broadcast %max3A : f32 to vector<512x128xf32>
    %max3A_30 = arith.maximumf %add3A_28, %max3A_29 : vector<512x128xf32>
    %get3A_31 = arith.constant 0 : index
    %get3A_32 = arith.constant 0 : index
    %get3A_33 = vector.load %arg5[%get3A_31, %get3A_32] : memref<128x128xf32, #tpu.memory_space<vmem>>, vector<128x128xf32>
    %dot_general3A = arith.constant dense<0.000000e+00> : vector<512x128xf32>
    %dot_general3A_34 = tpu.matmul %max3A_30, %get3A_33, %dot_general3A {dimension_numbers = #tpu.dot_dimension_numbers<[1], [0], [0], [1], [0, 0, 1, 1], [], []>, transpose_lhs_hint = false} : vector<512x128xf32>, vector<128x128xf32>, vector<512x128xf32> -> vector<512x128xf32>
    %mul3A_35 = vector.broadcast %rsqrt3A : vector<512x1xf32> to vector<512x128xf32>
    %mul3A_36 = arith.mulf %dot_general3A_34, %mul3A_35 : vector<512x128xf32>
    %swap3A = arith.constant 0 : index
    %swap3A_37 = arith.constant 0 : index
    %swap3A_38 = vector.load %arg6[%swap3A, %swap3A_37] : memref<512x128xf32, #tpu.memory_space<vmem>>, vector<512x128xf32>
    tpu.vector_store %arg6[%swap3A, %swap3A_37], %mul3A_36 {strides = array<i32>} : memref<512x128xf32, #tpu.memory_space<vmem>>, vector<512x128xf32>,
    return
  }
  func.func @transform_0(%arg0: i32) -> (i32, i32, i32) {
    %c0_i32 = arith.constant 0 : i32
    %c0_i32_0 = arith.constant 0 : i32
    %c0_i32_1 = arith.constant 0 : i32
    return %c0_i32, %arg0, %c0_i32_0 : i32, i32, i32
  }
  func.func @transform_1(%arg0: i32) -> (i32, i32) {
    %c0_i32 = arith.constant 0 : i32
    %c0_i32_0 = arith.constant 0 : i32
    return %arg0, %c0_i32 : i32, i32
  }
  func.func @transform_2(%arg0: i32) -> (i32, i32, i32) {
    %c0_i32 = arith.constant 0 : i32
    %c0_i32_0 = arith.constant 0 : i32
    %c0_i32_1 = arith.constant 0 : i32
    return %c0_i32, %arg0, %c0_i32_0 : i32, i32, i32
  }
  func.func @transform_3(%arg0: i32) -> (i32, i32) {
    %c0_i32 = arith.constant 0 : i32
    %c0_i32_0 = arith.constant 0 : i32
    %c0_i32_1 = arith.constant 0 : i32
    return %c0_i32, %c0_i32_0 : i32, i32
  }
  func.func @transform_4(%arg0: i32) -> (i32, i32) {
    %c0_i32 = arith.constant 0 : i32
    %c0_i32_0 = arith.constant 0 : i32
    %c0_i32_1 = arith.constant 0 : i32
    return %c0_i32, %c0_i32_0 : i32, i32
  }
  func.func @transform_5(%arg0: i32) -> (i32, i32) {
    %c0_i32 = arith.constant 0 : i32
    %c0_i32_0 = arith.constant 0 : i32
    return %arg0, %c0_i32 : i32, i32
  }
}

module attributes {stable_mosaic.version = 14 : i64} {
  func.func @_post_body(%arg0: i32, %arg1: memref<2x512x128xf32, #tpu.memory_space<vmem>>, %arg2: memref<512x128xf32, #tpu.memory_space<vmem>>, %arg3: memref<2x512x128xf32, #tpu.memory_space<vmem>>, %arg4: memref<1x128xf32, #tpu.memory_space<vmem>>, %arg5: memref<128x384xf32, #tpu.memory_space<vmem>>, %arg6: memref<1x384xf32, #tpu.memory_space<vmem>>, %arg7: memref<512x384xf32, #tpu.memory_space<vmem>>) attributes {dimension_semantics = [#tpu.dimension_semantics<arbitrary>], iteration_bounds = array<i64: 20>, scalar_prefetch = 0 : i64, scratch_operands = 0 : i64, tpu.core_type = #tpu.core_type<tc>, window_params = [{transform_indices = @transform_0, window_bounds = array<i64: 2, 512, 128>}, {transform_indices = @transform_1, window_bounds = array<i64: 512, 128>}, {transform_indices = @transform_2, window_bounds = array<i64: 2, 512, 128>}, {pipeline_mode = #tpu.pipeline_mode<synchronous>, transform_indices = @transform_3, window_bounds = array<i64: 1, 128>}, {pipeline_mode = #tpu.pipeline_mode<synchronous>, transform_indices = @transform_4, window_bounds = array<i64: 128, 384>}, {pipeline_mode = #tpu.pipeline_mode<synchronous>, transform_indices = @transform_5, window_bounds = array<i64: 1, 384>}, {transform_indices = @transform_6, window_bounds = array<i64: 512, 384>}]} {
    %get3A = arith.constant 0 : index
    %get3A_0 = arith.constant 0 : index
    %get3A_1 = arith.constant 0 : index
    %get3A_2 = vector.load %arg3[%get3A, %get3A_0, %get3A_1] : memref<2x512x128xf32, #tpu.memory_space<vmem>>, vector<2x512x128xf32>
    %slice3A = vector.extract_strided_slice %get3A_2 {offsets = [0, 0, 0], sizes = [1, 512, 1], strides = [1, 1, 1]} : vector<2x512x128xf32> to vector<1x512x1xf32>
    %squeeze3A = vector.shape_cast %slice3A : vector<1x512x1xf32> to vector<512x1xf32>
    %slice3A_3 = vector.extract_strided_slice %get3A_2 {offsets = [1, 0, 0], sizes = [1, 512, 1], strides = [1, 1, 1]} : vector<2x512x128xf32> to vector<1x512x1xf32>
    %squeeze3A_4 = vector.shape_cast %slice3A_3 : vector<1x512x1xf32> to vector<512x1xf32>
    %add3A = arith.addf %squeeze3A, %squeeze3A_4 : vector<512x1xf32>
    %add3A_5 = arith.constant 1.000000e+00 : f32
    %add3A_6 = vector.broadcast %add3A_5 : f32 to vector<512x1xf32>
    %add3A_7 = arith.addf %add3A, %add3A_6 : vector<512x1xf32>
    %rsqrt3A = math.rsqrt %add3A_7 : vector<512x1xf32>
    %get3A_8 = arith.constant 0 : index
    %get3A_9 = arith.constant 0 : index
    %get3A_10 = arith.constant 0 : index
    %get3A_11 = vector.load %arg1[%get3A_8, %get3A_9, %get3A_10] : memref<2x512x128xf32, #tpu.memory_space<vmem>>, vector<1x512x128xf32>
    %get3A_12 = vector.shape_cast %get3A_11 : vector<1x512x128xf32> to vector<512x128xf32>
    %get3A_13 = arith.constant 1 : index
    %get3A_14 = arith.constant 0 : index
    %get3A_15 = arith.constant 0 : index
    %get3A_16 = vector.load %arg1[%get3A_13, %get3A_14, %get3A_15] : memref<2x512x128xf32, #tpu.memory_space<vmem>>, vector<1x512x128xf32>
    %get3A_17 = vector.shape_cast %get3A_16 : vector<1x512x128xf32> to vector<512x128xf32>
    %add3A_18 = arith.addf %get3A_12, %get3A_17 : vector<512x128xf32>
    %get3A_19 = arith.constant 0 : index
    %get3A_20 = arith.constant 0 : index
    %get3A_21 = vector.load %arg2[%get3A_19, %get3A_20] : memref<512x128xf32, #tpu.memory_space<vmem>>, vector<512x128xf32>
    %add3A_22 = arith.addf %add3A_18, %get3A_21 : vector<512x128xf32>
    %mul3A = vector.broadcast %rsqrt3A : vector<512x1xf32> to vector<512x128xf32>
    %mul3A_23 = arith.mulf %mul3A, %add3A_22 : vector<512x128xf32>
    %get3A_24 = arith.constant 0 : index
    %get3A_25 = arith.constant 0 : index
    %get3A_26 = vector.load %arg4[%get3A_24, %get3A_25] : memref<1x128xf32, #tpu.memory_space<vmem>>, vector<1x128xf32>
    %add3A_27 = vector.broadcast %get3A_26 : vector<1x128xf32> to vector<512x128xf32>
    %add3A_28 = arith.addf %mul3A_23, %add3A_27 : vector<512x128xf32>
    %max3A = arith.constant 0.000000e+00 : f32
    %max3A_29 = vector.broadcast %max3A : f32 to vector<512x128xf32>
    %max3A_30 = arith.maximumf %add3A_28, %max3A_29 : vector<512x128xf32>
    %get3A_31 = arith.constant 0 : index
    %get3A_32 = arith.constant 0 : index
    %get3A_33 = vector.load %arg5[%get3A_31, %get3A_32] : memref<128x384xf32, #tpu.memory_space<vmem>>, vector<128x384xf32>
    %dot_general3A = arith.constant dense<0.000000e+00> : vector<512x384xf32>
    %dot_general3A_34 = tpu.matmul %max3A_30, %get3A_33, %dot_general3A {dimension_numbers = #tpu.dot_dimension_numbers<[1], [0], [0], [1], [0, 0, 1, 1], [], []>, transpose_lhs_hint = false} : vector<512x128xf32>, vector<128x384xf32>, vector<512x384xf32> -> vector<512x384xf32>
    %get3A_35 = arith.constant 0 : index
    %get3A_36 = arith.constant 0 : index
    %get3A_37 = vector.load %arg6[%get3A_35, %get3A_36] : memref<1x384xf32, #tpu.memory_space<vmem>>, vector<1x384xf32>
    %add3A_38 = vector.broadcast %get3A_37 : vector<1x384xf32> to vector<512x384xf32>
    %add3A_39 = arith.addf %dot_general3A_34, %add3A_38 : vector<512x384xf32>
    %swap3A = arith.constant 0 : index
    %swap3A_40 = arith.constant 0 : index
    %swap3A_41 = vector.load %arg7[%swap3A, %swap3A_40] : memref<512x384xf32, #tpu.memory_space<vmem>>, vector<512x384xf32>
    tpu.vector_store %arg7[%swap3A, %swap3A_40], %add3A_39 {strides = array<i32>} : memref<512x384xf32, #tpu.memory_space<vmem>>, vector<512x384xf32>,
    return
  }
  func.func @transform_0(%arg0: i32) -> (i32, i32, i32) {
    %c0_i32 = arith.constant 0 : i32
    %c0_i32_0 = arith.constant 0 : i32
    %c0_i32_1 = arith.constant 0 : i32
    return %c0_i32, %arg0, %c0_i32_0 : i32, i32, i32
  }
  func.func @transform_1(%arg0: i32) -> (i32, i32) {
    %c0_i32 = arith.constant 0 : i32
    %c0_i32_0 = arith.constant 0 : i32
    return %arg0, %c0_i32 : i32, i32
  }
  func.func @transform_2(%arg0: i32) -> (i32, i32, i32) {
    %c0_i32 = arith.constant 0 : i32
    %c0_i32_0 = arith.constant 0 : i32
    %c0_i32_1 = arith.constant 0 : i32
    return %c0_i32, %arg0, %c0_i32_0 : i32, i32, i32
  }
  func.func @transform_3(%arg0: i32) -> (i32, i32) {
    %c0_i32 = arith.constant 0 : i32
    %c0_i32_0 = arith.constant 0 : i32
    %c0_i32_1 = arith.constant 0 : i32
    return %c0_i32, %c0_i32_0 : i32, i32
  }
  func.func @transform_4(%arg0: i32) -> (i32, i32) {
    %c0_i32 = arith.constant 0 : i32
    %c0_i32_0 = arith.constant 0 : i32
    %c0_i32_1 = arith.constant 0 : i32
    return %c0_i32, %c0_i32_0 : i32, i32
  }
  func.func @transform_5(%arg0: i32) -> (i32, i32) {
    %c0_i32 = arith.constant 0 : i32
    %c0_i32_0 = arith.constant 0 : i32
    %c0_i32_1 = arith.constant 0 : i32
    return %c0_i32, %c0_i32_0 : i32, i32
  }
  func.func @transform_6(%arg0: i32) -> (i32, i32) {
    %c0_i32 = arith.constant 0 : i32
    %c0_i32_0 = arith.constant 0 : i32
    return %arg0, %c0_i32 : i32, i32
  }
}

module attributes {stable_mosaic.version = 14 : i64} {
  func.func @_gru_body(%arg0: i32, %arg1: memref<2048x384xf32, #tpu.memory_space<vmem>>, %arg2: memref<128x384xf32, #tpu.memory_space<vmem>>, %arg3: memref<1x384xf32, #tpu.memory_space<vmem>>, %arg4: memref<128x128xf32, #tpu.memory_space<vmem>>, %arg5: memref<1x128xf32, #tpu.memory_space<vmem>>, %arg6: memref<2048x128xf32, #tpu.memory_space<vmem>>, %arg7: memref<2048x128xf32, #tpu.memory_space<vmem>>, %arg8: memref<8x128xf32, #tpu.memory_space<vmem>>) attributes {dimension_semantics = [#tpu.dimension_semantics<arbitrary>], iteration_bounds = array<i64: 5>, scalar_prefetch = 0 : i64, scratch_operands = 1 : i64, tpu.core_type = #tpu.core_type<tc>, window_params = [{transform_indices = @transform_0, window_bounds = array<i64: 2048, 384>}, {pipeline_mode = #tpu.pipeline_mode<synchronous>, transform_indices = @transform_1, window_bounds = array<i64: 128, 384>}, {pipeline_mode = #tpu.pipeline_mode<synchronous>, transform_indices = @transform_2, window_bounds = array<i64: 1, 384>}, {pipeline_mode = #tpu.pipeline_mode<synchronous>, transform_indices = @transform_3, window_bounds = array<i64: 128, 128>}, {pipeline_mode = #tpu.pipeline_mode<synchronous>, transform_indices = @transform_4, window_bounds = array<i64: 1, 128>}, {transform_indices = @transform_5, window_bounds = array<i64: 2048, 128>}, {transform_indices = @transform_6, window_bounds = array<i64: 2048, 128>}]} {
    %eq3A = arith.constant 0 : i32
    %eq3A_0 = arith.cmpi eq, %arg0, %eq3A : i32
    %convert_element_type3A = arith.extui %eq3A_0 : i1 to i32
    %cond3A = arith.constant 0 : i32
    %cond3A_1 = arith.cmpi ne, %convert_element_type3A, %cond3A : i32
    scf.if %cond3A_1 {
      %broadcast_in_dim3A = arith.constant 0.000000e+00 : f32
      %broadcast_in_dim3A_25 = vector.broadcast %broadcast_in_dim3A : f32 to vector<8x128xf32>
      %swap3A_26 = arith.constant 0 : index
      %swap3A_27 = arith.constant 0 : index
      %swap3A_28 = vector.load %arg8[%swap3A_26, %swap3A_27] : memref<8x128xf32, #tpu.memory_space<vmem>>, vector<8x128xf32>
      tpu.vector_store %arg8[%swap3A_26, %swap3A_27], %broadcast_in_dim3A_25 {strides = array<i32>} : memref<8x128xf32, #tpu.memory_space<vmem>>, vector<8x128xf32>,
    } else {
    }
    %get3A = arith.constant 0 : index
    %get3A_2 = arith.constant 0 : index
    %get3A_3 = vector.load %arg8[%get3A, %get3A_2] : memref<8x128xf32, #tpu.memory_space<vmem>>, vector<1x128xf32>
    %scan3A = arith.constant 0 : i32
    %scan3A_4 = arith.constant 256 : i32
    %scan3A_5 = arith.addi %scan3A, %scan3A_4 : i32
    %scan3A_6 = arith.constant 1 : i32
    %scan3A_7 = scf.for %scan3A_25 = %scan3A to %scan3A_5 step %scan3A_6 iter_args(%scan3A_26 = %get3A_3) -> (vector<1x128xf32>)  : i32 {
      %mul3A = arith.constant 8 : i32
      %mul3A_27 = arith.muli %mul3A, %scan3A_25 : i32
      %add3A_28 = arith.constant 0 : i32
      %add3A_29 = arith.addi %mul3A_27, %add3A_28 : i32
      %get3A_30 = arith.constant 0 : index
      %get3A_31 = arith.constant 0 : index
      %get3A_32 = vector.load %arg2[%get3A_30, %get3A_31] : memref<128x384xf32, #tpu.memory_space<vmem>>, vector<128x384xf32>
      %dot_general3A_33 = arith.constant dense<0.000000e+00> : vector<1x384xf32>
      %dot_general3A_34 = tpu.matmul %scan3A_26, %get3A_32, %dot_general3A_33 {dimension_numbers = #tpu.dot_dimension_numbers<[1], [0], [0], [1], [0, 0, 1, 1], [], []>, transpose_lhs_hint = false} : vector<1x128xf32>, vector<128x384xf32>, vector<1x384xf32> -> vector<1x384xf32>
      %get3A_35 = arith.constant 0 : index
      %get3A_36 = arith.constant 0 : index
      %get3A_37 = vector.load %arg3[%get3A_35, %get3A_36] : memref<1x384xf32, #tpu.memory_space<vmem>>, vector<1x384xf32>
      %add3A_38 = arith.addf %dot_general3A_34, %get3A_37 : vector<1x384xf32>
      %get3A_39 = arith.index_cast %add3A_29 : i32 to index
      %get3A_40 = arith.constant 0 : index
      %get3A_41 = vector.load %arg1[%get3A_39, %get3A_40] : memref<2048x384xf32, #tpu.memory_space<vmem>>, vector<1x384xf32>
      %slice3A = vector.extract_strided_slice %get3A_41 {offsets = [0, 0], sizes = [1, 128], strides = [1, 1]} : vector<1x384xf32> to vector<1x128xf32>
      %slice3A_42 = vector.extract_strided_slice %add3A_38 {offsets = [0, 0], sizes = [1, 128], strides = [1, 1]} : vector<1x384xf32> to vector<1x128xf32>
      %add3A_43 = arith.addf %slice3A, %slice3A_42 : vector<1x128xf32>
      %logistic3A = arith.negf %add3A_43 : vector<1x128xf32>
      %logistic3A_44 = math.exp %logistic3A : vector<1x128xf32>
      %logistic3A_45 = arith.constant 1.000000e+00 : f32
      %logistic3A_46 = vector.broadcast %logistic3A_45 : f32 to vector<1x128xf32>
      %logistic3A_47 = arith.addf %logistic3A_46, %logistic3A_44 : vector<1x128xf32>
      %logistic3A_48 = arith.divf %logistic3A_46, %logistic3A_47 : vector<1x128xf32>
      %slice3A_49 = vector.extract_strided_slice %get3A_41 {offsets = [0, 128], sizes = [1, 128], strides = [1, 1]} : vector<1x384xf32> to vector<1x128xf32>
      %slice3A_50 = vector.extract_strided_slice %add3A_38 {offsets = [0, 128], sizes = [1, 128], strides = [1, 1]} : vector<1x384xf32> to vector<1x128xf32>
      %add3A_51 = arith.addf %slice3A_49, %slice3A_50 : vector<1x128xf32>
      %logistic3A_52 = arith.negf %add3A_51 : vector<1x128xf32>
      %logistic3A_53 = math.exp %logistic3A_52 : vector<1x128xf32>
      %logistic3A_54 = arith.constant 1.000000e+00 : f32
      %logistic3A_55 = vector.broadcast %logistic3A_54 : f32 to vector<1x128xf32>
      %logistic3A_56 = arith.addf %logistic3A_55, %logistic3A_53 : vector<1x128xf32>
      %logistic3A_57 = arith.divf %logistic3A_55, %logistic3A_56 : vector<1x128xf32>
      %slice3A_58 = vector.extract_strided_slice %get3A_41 {offsets = [0, 256], sizes = [1, 128], strides = [1, 1]} : vector<1x384xf32> to vector<1x128xf32>
      %slice3A_59 = vector.extract_strided_slice %add3A_38 {offsets = [0, 256], sizes = [1, 128], strides = [1, 1]} : vector<1x384xf32> to vector<1x128xf32>
      %mul3A_60 = arith.mulf %logistic3A_48, %slice3A_59 : vector<1x128xf32>
      %add3A_61 = arith.addf %slice3A_58, %mul3A_60 : vector<1x128xf32>
      %tanh3A = math.tanh %add3A_61 : vector<1x128xf32>
      %sub3A = arith.constant 1.000000e+00 : f32
      %sub3A_62 = vector.broadcast %sub3A : f32 to vector<1x128xf32>
      %sub3A_63 = arith.subf %sub3A_62, %logistic3A_57 : vector<1x128xf32>
      %mul3A_64 = arith.mulf %sub3A_63, %tanh3A : vector<1x128xf32>
      %mul3A_65 = arith.mulf %logistic3A_57, %scan3A_26 : vector<1x128xf32>
      %add3A_66 = arith.addf %mul3A_64, %mul3A_65 : vector<1x128xf32>
      %swap3A_67 = arith.index_cast %add3A_29 : i32 to index
      %swap3A_68 = arith.constant 0 : index
      %swap3A_69 = vector.load %arg6[%swap3A_67, %swap3A_68] : memref<2048x128xf32, #tpu.memory_space<vmem>>, vector<1x128xf32>
      tpu.vector_store %arg6[%swap3A_67, %swap3A_68], %add3A_66 {strides = array<i32>} : memref<2048x128xf32, #tpu.memory_space<vmem>>, vector<1x128xf32>,
      %mul3A_70 = arith.constant 8 : i32
      %mul3A_71 = arith.muli %mul3A_70, %scan3A_25 : i32
      %add3A_72 = arith.constant 1 : i32
      %add3A_73 = arith.addi %mul3A_71, %add3A_72 : i32
      %get3A_74 = arith.constant 0 : index
      %get3A_75 = arith.constant 0 : index
      %get3A_76 = vector.load %arg2[%get3A_74, %get3A_75] : memref<128x384xf32, #tpu.memory_space<vmem>>, vector<128x384xf32>
      %dot_general3A_77 = arith.constant dense<0.000000e+00> : vector<1x384xf32>
      %dot_general3A_78 = tpu.matmul %add3A_66, %get3A_76, %dot_general3A_77 {dimension_numbers = #tpu.dot_dimension_numbers<[1], [0], [0], [1], [0, 0, 1, 1], [], []>, transpose_lhs_hint = false} : vector<1x128xf32>, vector<128x384xf32>, vector<1x384xf32> -> vector<1x384xf32>
      %get3A_79 = arith.constant 0 : index
      %get3A_80 = arith.constant 0 : index
      %get3A_81 = vector.load %arg3[%get3A_79, %get3A_80] : memref<1x384xf32, #tpu.memory_space<vmem>>, vector<1x384xf32>
      %add3A_82 = arith.addf %dot_general3A_78, %get3A_81 : vector<1x384xf32>
      %get3A_83 = arith.index_cast %add3A_73 : i32 to index
      %get3A_84 = arith.constant 0 : index
      %get3A_85 = vector.load %arg1[%get3A_83, %get3A_84] : memref<2048x384xf32, #tpu.memory_space<vmem>>, vector<1x384xf32>
      %slice3A_86 = vector.extract_strided_slice %get3A_85 {offsets = [0, 0], sizes = [1, 128], strides = [1, 1]} : vector<1x384xf32> to vector<1x128xf32>
      %slice3A_87 = vector.extract_strided_slice %add3A_82 {offsets = [0, 0], sizes = [1, 128], strides = [1, 1]} : vector<1x384xf32> to vector<1x128xf32>
      %add3A_88 = arith.addf %slice3A_86, %slice3A_87 : vector<1x128xf32>
      %logistic3A_89 = arith.negf %add3A_88 : vector<1x128xf32>
      %logistic3A_90 = math.exp %logistic3A_89 : vector<1x128xf32>
      %logistic3A_91 = arith.constant 1.000000e+00 : f32
      %logistic3A_92 = vector.broadcast %logistic3A_91 : f32 to vector<1x128xf32>
      %logistic3A_93 = arith.addf %logistic3A_92, %logistic3A_90 : vector<1x128xf32>
      %logistic3A_94 = arith.divf %logistic3A_92, %logistic3A_93 : vector<1x128xf32>
      %slice3A_95 = vector.extract_strided_slice %get3A_85 {offsets = [0, 128], sizes = [1, 128], strides = [1, 1]} : vector<1x384xf32> to vector<1x128xf32>
      %slice3A_96 = vector.extract_strided_slice %add3A_82 {offsets = [0, 128], sizes = [1, 128], strides = [1, 1]} : vector<1x384xf32> to vector<1x128xf32>
      %add3A_97 = arith.addf %slice3A_95, %slice3A_96 : vector<1x128xf32>
      %logistic3A_98 = arith.negf %add3A_97 : vector<1x128xf32>
      %logistic3A_99 = math.exp %logistic3A_98 : vector<1x128xf32>
      %logistic3A_100 = arith.constant 1.000000e+00 : f32
      %logistic3A_101 = vector.broadcast %logistic3A_100 : f32 to vector<1x128xf32>
      %logistic3A_102 = arith.addf %logistic3A_101, %logistic3A_99 : vector<1x128xf32>
      %logistic3A_103 = arith.divf %logistic3A_101, %logistic3A_102 : vector<1x128xf32>
      %slice3A_104 = vector.extract_strided_slice %get3A_85 {offsets = [0, 256], sizes = [1, 128], strides = [1, 1]} : vector<1x384xf32> to vector<1x128xf32>
      %slice3A_105 = vector.extract_strided_slice %add3A_82 {offsets = [0, 256], sizes = [1, 128], strides = [1, 1]} : vector<1x384xf32> to vector<1x128xf32>
      %mul3A_106 = arith.mulf %logistic3A_94, %slice3A_105 : vector<1x128xf32>
      %add3A_107 = arith.addf %slice3A_104, %mul3A_106 : vector<1x128xf32>
      %tanh3A_108 = math.tanh %add3A_107 : vector<1x128xf32>
      %sub3A_109 = arith.constant 1.000000e+00 : f32
      %sub3A_110 = vector.broadcast %sub3A_109 : f32 to vector<1x128xf32>
      %sub3A_111 = arith.subf %sub3A_110, %logistic3A_103 : vector<1x128xf32>
      %mul3A_112 = arith.mulf %sub3A_111, %tanh3A_108 : vector<1x128xf32>
      %mul3A_113 = arith.mulf %logistic3A_103, %add3A_66 : vector<1x128xf32>
      %add3A_114 = arith.addf %mul3A_112, %mul3A_113 : vector<1x128xf32>
      %swap3A_115 = arith.index_cast %add3A_73 : i32 to index
      %swap3A_116 = arith.constant 0 : index
      %swap3A_117 = vector.load %arg6[%swap3A_115, %swap3A_116] : memref<2048x128xf32, #tpu.memory_space<vmem>>, vector<1x128xf32>
      tpu.vector_store %arg6[%swap3A_115, %swap3A_116], %add3A_114 {strides = array<i32>} : memref<2048x128xf32, #tpu.memory_space<vmem>>, vector<1x128xf32>,
      %mul3A_118 = arith.constant 8 : i32
      %mul3A_119 = arith.muli %mul3A_118, %scan3A_25 : i32
      %add3A_120 = arith.constant 2 : i32
      %add3A_121 = arith.addi %mul3A_119, %add3A_120 : i32
      %get3A_122 = arith.constant 0 : index
      %get3A_123 = arith.constant 0 : index
      %get3A_124 = vector.load %arg2[%get3A_122, %get3A_123] : memref<128x384xf32, #tpu.memory_space<vmem>>, vector<128x384xf32>
      %dot_general3A_125 = arith.constant dense<0.000000e+00> : vector<1x384xf32>
      %dot_general3A_126 = tpu.matmul %add3A_114, %get3A_124, %dot_general3A_125 {dimension_numbers = #tpu.dot_dimension_numbers<[1], [0], [0], [1], [0, 0, 1, 1], [], []>, transpose_lhs_hint = false} : vector<1x128xf32>, vector<128x384xf32>, vector<1x384xf32> -> vector<1x384xf32>
      %get3A_127 = arith.constant 0 : index
      %get3A_128 = arith.constant 0 : index
      %get3A_129 = vector.load %arg3[%get3A_127, %get3A_128] : memref<1x384xf32, #tpu.memory_space<vmem>>, vector<1x384xf32>
      %add3A_130 = arith.addf %dot_general3A_126, %get3A_129 : vector<1x384xf32>
      %get3A_131 = arith.index_cast %add3A_121 : i32 to index
      %get3A_132 = arith.constant 0 : index
      %get3A_133 = vector.load %arg1[%get3A_131, %get3A_132] : memref<2048x384xf32, #tpu.memory_space<vmem>>, vector<1x384xf32>
      %slice3A_134 = vector.extract_strided_slice %get3A_133 {offsets = [0, 0], sizes = [1, 128], strides = [1, 1]} : vector<1x384xf32> to vector<1x128xf32>
      %slice3A_135 = vector.extract_strided_slice %add3A_130 {offsets = [0, 0], sizes = [1, 128], strides = [1, 1]} : vector<1x384xf32> to vector<1x128xf32>
      %add3A_136 = arith.addf %slice3A_134, %slice3A_135 : vector<1x128xf32>
      %logistic3A_137 = arith.negf %add3A_136 : vector<1x128xf32>
      %logistic3A_138 = math.exp %logistic3A_137 : vector<1x128xf32>
      %logistic3A_139 = arith.constant 1.000000e+00 : f32
      %logistic3A_140 = vector.broadcast %logistic3A_139 : f32 to vector<1x128xf32>
      %logistic3A_141 = arith.addf %logistic3A_140, %logistic3A_138 : vector<1x128xf32>
      %logistic3A_142 = arith.divf %logistic3A_140, %logistic3A_141 : vector<1x128xf32>
      %slice3A_143 = vector.extract_strided_slice %get3A_133 {offsets = [0, 128], sizes = [1, 128], strides = [1, 1]} : vector<1x384xf32> to vector<1x128xf32>
      %slice3A_144 = vector.extract_strided_slice %add3A_130 {offsets = [0, 128], sizes = [1, 128], strides = [1, 1]} : vector<1x384xf32> to vector<1x128xf32>
      %add3A_145 = arith.addf %slice3A_143, %slice3A_144 : vector<1x128xf32>
      %logistic3A_146 = arith.negf %add3A_145 : vector<1x128xf32>
      %logistic3A_147 = math.exp %logistic3A_146 : vector<1x128xf32>
      %logistic3A_148 = arith.constant 1.000000e+00 : f32
      %logistic3A_149 = vector.broadcast %logistic3A_148 : f32 to vector<1x128xf32>
      %logistic3A_150 = arith.addf %logistic3A_149, %logistic3A_147 : vector<1x128xf32>
      %logistic3A_151 = arith.divf %logistic3A_149, %logistic3A_150 : vector<1x128xf32>
      %slice3A_152 = vector.extract_strided_slice %get3A_133 {offsets = [0, 256], sizes = [1, 128], strides = [1, 1]} : vector<1x384xf32> to vector<1x128xf32>
      %slice3A_153 = vector.extract_strided_slice %add3A_130 {offsets = [0, 256], sizes = [1, 128], strides = [1, 1]} : vector<1x384xf32> to vector<1x128xf32>
      %mul3A_154 = arith.mulf %logistic3A_142, %slice3A_153 : vector<1x128xf32>
      %add3A_155 = arith.addf %slice3A_152, %mul3A_154 : vector<1x128xf32>
      %tanh3A_156 = math.tanh %add3A_155 : vector<1x128xf32>
      %sub3A_157 = arith.constant 1.000000e+00 : f32
      %sub3A_158 = vector.broadcast %sub3A_157 : f32 to vector<1x128xf32>
      %sub3A_159 = arith.subf %sub3A_158, %logistic3A_151 : vector<1x128xf32>
      %mul3A_160 = arith.mulf %sub3A_159, %tanh3A_156 : vector<1x128xf32>
      %mul3A_161 = arith.mulf %logistic3A_151, %add3A_114 : vector<1x128xf32>
      %add3A_162 = arith.addf %mul3A_160, %mul3A_161 : vector<1x128xf32>
      %swap3A_163 = arith.index_cast %add3A_121 : i32 to index
      %swap3A_164 = arith.constant 0 : index
      %swap3A_165 = vector.load %arg6[%swap3A_163, %swap3A_164] : memref<2048x128xf32, #tpu.memory_space<vmem>>, vector<1x128xf32>
      tpu.vector_store %arg6[%swap3A_163, %swap3A_164], %add3A_162 {strides = array<i32>} : memref<2048x128xf32, #tpu.memory_space<vmem>>, vector<1x128xf32>,
      %mul3A_166 = arith.constant 8 : i32
      %mul3A_167 = arith.muli %mul3A_166, %scan3A_25 : i32
      %add3A_168 = arith.constant 3 : i32
      %add3A_169 = arith.addi %mul3A_167, %add3A_168 : i32
      %get3A_170 = arith.constant 0 : index
      %get3A_171 = arith.constant 0 : index
      %get3A_172 = vector.load %arg2[%get3A_170, %get3A_171] : memref<128x384xf32, #tpu.memory_space<vmem>>, vector<128x384xf32>
      %dot_general3A_173 = arith.constant dense<0.000000e+00> : vector<1x384xf32>
      %dot_general3A_174 = tpu.matmul %add3A_162, %get3A_172, %dot_general3A_173 {dimension_numbers = #tpu.dot_dimension_numbers<[1], [0], [0], [1], [0, 0, 1, 1], [], []>, transpose_lhs_hint = false} : vector<1x128xf32>, vector<128x384xf32>, vector<1x384xf32> -> vector<1x384xf32>
      %get3A_175 = arith.constant 0 : index
      %get3A_176 = arith.constant 0 : index
      %get3A_177 = vector.load %arg3[%get3A_175, %get3A_176] : memref<1x384xf32, #tpu.memory_space<vmem>>, vector<1x384xf32>
      %add3A_178 = arith.addf %dot_general3A_174, %get3A_177 : vector<1x384xf32>
      %get3A_179 = arith.index_cast %add3A_169 : i32 to index
      %get3A_180 = arith.constant 0 : index
      %get3A_181 = vector.load %arg1[%get3A_179, %get3A_180] : memref<2048x384xf32, #tpu.memory_space<vmem>>, vector<1x384xf32>
      %slice3A_182 = vector.extract_strided_slice %get3A_181 {offsets = [0, 0], sizes = [1, 128], strides = [1, 1]} : vector<1x384xf32> to vector<1x128xf32>
      %slice3A_183 = vector.extract_strided_slice %add3A_178 {offsets = [0, 0], sizes = [1, 128], strides = [1, 1]} : vector<1x384xf32> to vector<1x128xf32>
      %add3A_184 = arith.addf %slice3A_182, %slice3A_183 : vector<1x128xf32>
      %logistic3A_185 = arith.negf %add3A_184 : vector<1x128xf32>
      %logistic3A_186 = math.exp %logistic3A_185 : vector<1x128xf32>
      %logistic3A_187 = arith.constant 1.000000e+00 : f32
      %logistic3A_188 = vector.broadcast %logistic3A_187 : f32 to vector<1x128xf32>
      %logistic3A_189 = arith.addf %logistic3A_188, %logistic3A_186 : vector<1x128xf32>
      %logistic3A_190 = arith.divf %logistic3A_188, %logistic3A_189 : vector<1x128xf32>
      %slice3A_191 = vector.extract_strided_slice %get3A_181 {offsets = [0, 128], sizes = [1, 128], strides = [1, 1]} : vector<1x384xf32> to vector<1x128xf32>
      %slice3A_192 = vector.extract_strided_slice %add3A_178 {offsets = [0, 128], sizes = [1, 128], strides = [1, 1]} : vector<1x384xf32> to vector<1x128xf32>
      %add3A_193 = arith.addf %slice3A_191, %slice3A_192 : vector<1x128xf32>
      %logistic3A_194 = arith.negf %add3A_193 : vector<1x128xf32>
      %logistic3A_195 = math.exp %logistic3A_194 : vector<1x128xf32>
      %logistic3A_196 = arith.constant 1.000000e+00 : f32
      %logistic3A_197 = vector.broadcast %logistic3A_196 : f32 to vector<1x128xf32>
      %logistic3A_198 = arith.addf %logistic3A_197, %logistic3A_195 : vector<1x128xf32>
      %logistic3A_199 = arith.divf %logistic3A_197, %logistic3A_198 : vector<1x128xf32>
      %slice3A_200 = vector.extract_strided_slice %get3A_181 {offsets = [0, 256], sizes = [1, 128], strides = [1, 1]} : vector<1x384xf32> to vector<1x128xf32>
      %slice3A_201 = vector.extract_strided_slice %add3A_178 {offsets = [0, 256], sizes = [1, 128], strides = [1, 1]} : vector<1x384xf32> to vector<1x128xf32>
      %mul3A_202 = arith.mulf %logistic3A_190, %slice3A_201 : vector<1x128xf32>
      %add3A_203 = arith.addf %slice3A_200, %mul3A_202 : vector<1x128xf32>
      %tanh3A_204 = math.tanh %add3A_203 : vector<1x128xf32>
      %sub3A_205 = arith.constant 1.000000e+00 : f32
      %sub3A_206 = vector.broadcast %sub3A_205 : f32 to vector<1x128xf32>
      %sub3A_207 = arith.subf %sub3A_206, %logistic3A_199 : vector<1x128xf32>
      %mul3A_208 = arith.mulf %sub3A_207, %tanh3A_204 : vector<1x128xf32>
      %mul3A_209 = arith.mulf %logistic3A_199, %add3A_162 : vector<1x128xf32>
      %add3A_210 = arith.addf %mul3A_208, %mul3A_209 : vector<1x128xf32>
      %swap3A_211 = arith.index_cast %add3A_169 : i32 to index
      %swap3A_212 = arith.constant 0 : index
      %swap3A_213 = vector.load %arg6[%swap3A_211, %swap3A_212] : memref<2048x128xf32, #tpu.memory_space<vmem>>, vector<1x128xf32>
      tpu.vector_store %arg6[%swap3A_211, %swap3A_212], %add3A_210 {strides = array<i32>} : memref<2048x128xf32, #tpu.memory_space<vmem>>, vector<1x128xf32>,
      %mul3A_214 = arith.constant 8 : i32
      %mul3A_215 = arith.muli %mul3A_214, %scan3A_25 : i32
      %add3A_216 = arith.constant 4 : i32
      %add3A_217 = arith.addi %mul3A_215, %add3A_216 : i32
      %get3A_218 = arith.constant 0 : index
      %get3A_219 = arith.constant 0 : index
      %get3A_220 = vector.load %arg2[%get3A_218, %get3A_219] : memref<128x384xf32, #tpu.memory_space<vmem>>, vector<128x384xf32>
      %dot_general3A_221 = arith.constant dense<0.000000e+00> : vector<1x384xf32>
      %dot_general3A_222 = tpu.matmul %add3A_210, %get3A_220, %dot_general3A_221 {dimension_numbers = #tpu.dot_dimension_numbers<[1], [0], [0], [1], [0, 0, 1, 1], [], []>, transpose_lhs_hint = false} : vector<1x128xf32>, vector<128x384xf32>, vector<1x384xf32> -> vector<1x384xf32>
      %get3A_223 = arith.constant 0 : index
      %get3A_224 = arith.constant 0 : index
      %get3A_225 = vector.load %arg3[%get3A_223, %get3A_224] : memref<1x384xf32, #tpu.memory_space<vmem>>, vector<1x384xf32>
      %add3A_226 = arith.addf %dot_general3A_222, %get3A_225 : vector<1x384xf32>
      %get3A_227 = arith.index_cast %add3A_217 : i32 to index
      %get3A_228 = arith.constant 0 : index
      %get3A_229 = vector.load %arg1[%get3A_227, %get3A_228] : memref<2048x384xf32, #tpu.memory_space<vmem>>, vector<1x384xf32>
      %slice3A_230 = vector.extract_strided_slice %get3A_229 {offsets = [0, 0], sizes = [1, 128], strides = [1, 1]} : vector<1x384xf32> to vector<1x128xf32>
      %slice3A_231 = vector.extract_strided_slice %add3A_226 {offsets = [0, 0], sizes = [1, 128], strides = [1, 1]} : vector<1x384xf32> to vector<1x128xf32>
      %add3A_232 = arith.addf %slice3A_230, %slice3A_231 : vector<1x128xf32>
      %logistic3A_233 = arith.negf %add3A_232 : vector<1x128xf32>
      %logistic3A_234 = math.exp %logistic3A_233 : vector<1x128xf32>
      %logistic3A_235 = arith.constant 1.000000e+00 : f32
      %logistic3A_236 = vector.broadcast %logistic3A_235 : f32 to vector<1x128xf32>
      %logistic3A_237 = arith.addf %logistic3A_236, %logistic3A_234 : vector<1x128xf32>
      %logistic3A_238 = arith.divf %logistic3A_236, %logistic3A_237 : vector<1x128xf32>
      %slice3A_239 = vector.extract_strided_slice %get3A_229 {offsets = [0, 128], sizes = [1, 128], strides = [1, 1]} : vector<1x384xf32> to vector<1x128xf32>
      %slice3A_240 = vector.extract_strided_slice %add3A_226 {offsets = [0, 128], sizes = [1, 128], strides = [1, 1]} : vector<1x384xf32> to vector<1x128xf32>
      %add3A_241 = arith.addf %slice3A_239, %slice3A_240 : vector<1x128xf32>
      %logistic3A_242 = arith.negf %add3A_241 : vector<1x128xf32>
      %logistic3A_243 = math.exp %logistic3A_242 : vector<1x128xf32>
      %logistic3A_244 = arith.constant 1.000000e+00 : f32
      %logistic3A_245 = vector.broadcast %logistic3A_244 : f32 to vector<1x128xf32>
      %logistic3A_246 = arith.addf %logistic3A_245, %logistic3A_243 : vector<1x128xf32>
      %logistic3A_247 = arith.divf %logistic3A_245, %logistic3A_246 : vector<1x128xf32>
      %slice3A_248 = vector.extract_strided_slice %get3A_229 {offsets = [0, 256], sizes = [1, 128], strides = [1, 1]} : vector<1x384xf32> to vector<1x128xf32>
      %slice3A_249 = vector.extract_strided_slice %add3A_226 {offsets = [0, 256], sizes = [1, 128], strides = [1, 1]} : vector<1x384xf32> to vector<1x128xf32>
      %mul3A_250 = arith.mulf %logistic3A_238, %slice3A_249 : vector<1x128xf32>
      %add3A_251 = arith.addf %slice3A_248, %mul3A_250 : vector<1x128xf32>
      %tanh3A_252 = math.tanh %add3A_251 : vector<1x128xf32>
      %sub3A_253 = arith.constant 1.000000e+00 : f32
      %sub3A_254 = vector.broadcast %sub3A_253 : f32 to vector<1x128xf32>
      %sub3A_255 = arith.subf %sub3A_254, %logistic3A_247 : vector<1x128xf32>
      %mul3A_256 = arith.mulf %sub3A_255, %tanh3A_252 : vector<1x128xf32>
      %mul3A_257 = arith.mulf %logistic3A_247, %add3A_210 : vector<1x128xf32>
      %add3A_258 = arith.addf %mul3A_256, %mul3A_257 : vector<1x128xf32>
      %swap3A_259 = arith.index_cast %add3A_217 : i32 to index
      %swap3A_260 = arith.constant 0 : index
      %swap3A_261 = vector.load %arg6[%swap3A_259, %swap3A_260] : memref<2048x128xf32, #tpu.memory_space<vmem>>, vector<1x128xf32>
      tpu.vector_store %arg6[%swap3A_259, %swap3A_260], %add3A_258 {strides = array<i32>} : memref<2048x128xf32, #tpu.memory_space<vmem>>, vector<1x128xf32>,
      %mul3A_262 = arith.constant 8 : i32
      %mul3A_263 = arith.muli %mul3A_262, %scan3A_25 : i32
      %add3A_264 = arith.constant 5 : i32
      %add3A_265 = arith.addi %mul3A_263, %add3A_264 : i32
      %get3A_266 = arith.constant 0 : index
      %get3A_267 = arith.constant 0 : index
      %get3A_268 = vector.load %arg2[%get3A_266, %get3A_267] : memref<128x384xf32, #tpu.memory_space<vmem>>, vector<128x384xf32>
      %dot_general3A_269 = arith.constant dense<0.000000e+00> : vector<1x384xf32>
      %dot_general3A_270 = tpu.matmul %add3A_258, %get3A_268, %dot_general3A_269 {dimension_numbers = #tpu.dot_dimension_numbers<[1], [0], [0], [1], [0, 0, 1, 1], [], []>, transpose_lhs_hint = false} : vector<1x128xf32>, vector<128x384xf32>, vector<1x384xf32> -> vector<1x384xf32>
      %get3A_271 = arith.constant 0 : index
      %get3A_272 = arith.constant 0 : index
      %get3A_273 = vector.load %arg3[%get3A_271, %get3A_272] : memref<1x384xf32, #tpu.memory_space<vmem>>, vector<1x384xf32>
      %add3A_274 = arith.addf %dot_general3A_270, %get3A_273 : vector<1x384xf32>
      %get3A_275 = arith.index_cast %add3A_265 : i32 to index
      %get3A_276 = arith.constant 0 : index
      %get3A_277 = vector.load %arg1[%get3A_275, %get3A_276] : memref<2048x384xf32, #tpu.memory_space<vmem>>, vector<1x384xf32>
      %slice3A_278 = vector.extract_strided_slice %get3A_277 {offsets = [0, 0], sizes = [1, 128], strides = [1, 1]} : vector<1x384xf32> to vector<1x128xf32>
      %slice3A_279 = vector.extract_strided_slice %add3A_274 {offsets = [0, 0], sizes = [1, 128], strides = [1, 1]} : vector<1x384xf32> to vector<1x128xf32>
      %add3A_280 = arith.addf %slice3A_278, %slice3A_279 : vector<1x128xf32>
      %logistic3A_281 = arith.negf %add3A_280 : vector<1x128xf32>
      %logistic3A_282 = math.exp %logistic3A_281 : vector<1x128xf32>
      %logistic3A_283 = arith.constant 1.000000e+00 : f32
      %logistic3A_284 = vector.broadcast %logistic3A_283 : f32 to vector<1x128xf32>
      %logistic3A_285 = arith.addf %logistic3A_284, %logistic3A_282 : vector<1x128xf32>
      %logistic3A_286 = arith.divf %logistic3A_284, %logistic3A_285 : vector<1x128xf32>
      %slice3A_287 = vector.extract_strided_slice %get3A_277 {offsets = [0, 128], sizes = [1, 128], strides = [1, 1]} : vector<1x384xf32> to vector<1x128xf32>
      %slice3A_288 = vector.extract_strided_slice %add3A_274 {offsets = [0, 128], sizes = [1, 128], strides = [1, 1]} : vector<1x384xf32> to vector<1x128xf32>
      %add3A_289 = arith.addf %slice3A_287, %slice3A_288 : vector<1x128xf32>
      %logistic3A_290 = arith.negf %add3A_289 : vector<1x128xf32>
      %logistic3A_291 = math.exp %logistic3A_290 : vector<1x128xf32>
      %logistic3A_292 = arith.constant 1.000000e+00 : f32
      %logistic3A_293 = vector.broadcast %logistic3A_292 : f32 to vector<1x128xf32>
      %logistic3A_294 = arith.addf %logistic3A_293, %logistic3A_291 : vector<1x128xf32>
      %logistic3A_295 = arith.divf %logistic3A_293, %logistic3A_294 : vector<1x128xf32>
      %slice3A_296 = vector.extract_strided_slice %get3A_277 {offsets = [0, 256], sizes = [1, 128], strides = [1, 1]} : vector<1x384xf32> to vector<1x128xf32>
      %slice3A_297 = vector.extract_strided_slice %add3A_274 {offsets = [0, 256], sizes = [1, 128], strides = [1, 1]} : vector<1x384xf32> to vector<1x128xf32>
      %mul3A_298 = arith.mulf %logistic3A_286, %slice3A_297 : vector<1x128xf32>
      %add3A_299 = arith.addf %slice3A_296, %mul3A_298 : vector<1x128xf32>
      %tanh3A_300 = math.tanh %add3A_299 : vector<1x128xf32>
      %sub3A_301 = arith.constant 1.000000e+00 : f32
      %sub3A_302 = vector.broadcast %sub3A_301 : f32 to vector<1x128xf32>
      %sub3A_303 = arith.subf %sub3A_302, %logistic3A_295 : vector<1x128xf32>
      %mul3A_304 = arith.mulf %sub3A_303, %tanh3A_300 : vector<1x128xf32>
      %mul3A_305 = arith.mulf %logistic3A_295, %add3A_258 : vector<1x128xf32>
      %add3A_306 = arith.addf %mul3A_304, %mul3A_305 : vector<1x128xf32>
      %swap3A_307 = arith.index_cast %add3A_265 : i32 to index
      %swap3A_308 = arith.constant 0 : index
      %swap3A_309 = vector.load %arg6[%swap3A_307, %swap3A_308] : memref<2048x128xf32, #tpu.memory_space<vmem>>, vector<1x128xf32>
      tpu.vector_store %arg6[%swap3A_307, %swap3A_308], %add3A_306 {strides = array<i32>} : memref<2048x128xf32, #tpu.memory_space<vmem>>, vector<1x128xf32>,
      %mul3A_310 = arith.constant 8 : i32
      %mul3A_311 = arith.muli %mul3A_310, %scan3A_25 : i32
      %add3A_312 = arith.constant 6 : i32
      %add3A_313 = arith.addi %mul3A_311, %add3A_312 : i32
      %get3A_314 = arith.constant 0 : index
      %get3A_315 = arith.constant 0 : index
      %get3A_316 = vector.load %arg2[%get3A_314, %get3A_315] : memref<128x384xf32, #tpu.memory_space<vmem>>, vector<128x384xf32>
      %dot_general3A_317 = arith.constant dense<0.000000e+00> : vector<1x384xf32>
      %dot_general3A_318 = tpu.matmul %add3A_306, %get3A_316, %dot_general3A_317 {dimension_numbers = #tpu.dot_dimension_numbers<[1], [0], [0], [1], [0, 0, 1, 1], [], []>, transpose_lhs_hint = false} : vector<1x128xf32>, vector<128x384xf32>, vector<1x384xf32> -> vector<1x384xf32>
      %get3A_319 = arith.constant 0 : index
      %get3A_320 = arith.constant 0 : index
      %get3A_321 = vector.load %arg3[%get3A_319, %get3A_320] : memref<1x384xf32, #tpu.memory_space<vmem>>, vector<1x384xf32>
      %add3A_322 = arith.addf %dot_general3A_318, %get3A_321 : vector<1x384xf32>
      %get3A_323 = arith.index_cast %add3A_313 : i32 to index
      %get3A_324 = arith.constant 0 : index
      %get3A_325 = vector.load %arg1[%get3A_323, %get3A_324] : memref<2048x384xf32, #tpu.memory_space<vmem>>, vector<1x384xf32>
      %slice3A_326 = vector.extract_strided_slice %get3A_325 {offsets = [0, 0], sizes = [1, 128], strides = [1, 1]} : vector<1x384xf32> to vector<1x128xf32>
      %slice3A_327 = vector.extract_strided_slice %add3A_322 {offsets = [0, 0], sizes = [1, 128], strides = [1, 1]} : vector<1x384xf32> to vector<1x128xf32>
      %add3A_328 = arith.addf %slice3A_326, %slice3A_327 : vector<1x128xf32>
      %logistic3A_329 = arith.negf %add3A_328 : vector<1x128xf32>
      %logistic3A_330 = math.exp %logistic3A_329 : vector<1x128xf32>
      %logistic3A_331 = arith.constant 1.000000e+00 : f32
      %logistic3A_332 = vector.broadcast %logistic3A_331 : f32 to vector<1x128xf32>
      %logistic3A_333 = arith.addf %logistic3A_332, %logistic3A_330 : vector<1x128xf32>
      %logistic3A_334 = arith.divf %logistic3A_332, %logistic3A_333 : vector<1x128xf32>
      %slice3A_335 = vector.extract_strided_slice %get3A_325 {offsets = [0, 128], sizes = [1, 128], strides = [1, 1]} : vector<1x384xf32> to vector<1x128xf32>
      %slice3A_336 = vector.extract_strided_slice %add3A_322 {offsets = [0, 128], sizes = [1, 128], strides = [1, 1]} : vector<1x384xf32> to vector<1x128xf32>
      %add3A_337 = arith.addf %slice3A_335, %slice3A_336 : vector<1x128xf32>
      %logistic3A_338 = arith.negf %add3A_337 : vector<1x128xf32>
      %logistic3A_339 = math.exp %logistic3A_338 : vector<1x128xf32>
      %logistic3A_340 = arith.constant 1.000000e+00 : f32
      %logistic3A_341 = vector.broadcast %logistic3A_340 : f32 to vector<1x128xf32>
      %logistic3A_342 = arith.addf %logistic3A_341, %logistic3A_339 : vector<1x128xf32>
      %logistic3A_343 = arith.divf %logistic3A_341, %logistic3A_342 : vector<1x128xf32>
      %slice3A_344 = vector.extract_strided_slice %get3A_325 {offsets = [0, 256], sizes = [1, 128], strides = [1, 1]} : vector<1x384xf32> to vector<1x128xf32>
      %slice3A_345 = vector.extract_strided_slice %add3A_322 {offsets = [0, 256], sizes = [1, 128], strides = [1, 1]} : vector<1x384xf32> to vector<1x128xf32>
      %mul3A_346 = arith.mulf %logistic3A_334, %slice3A_345 : vector<1x128xf32>
      %add3A_347 = arith.addf %slice3A_344, %mul3A_346 : vector<1x128xf32>
      %tanh3A_348 = math.tanh %add3A_347 : vector<1x128xf32>
      %sub3A_349 = arith.constant 1.000000e+00 : f32
      %sub3A_350 = vector.broadcast %sub3A_349 : f32 to vector<1x128xf32>
      %sub3A_351 = arith.subf %sub3A_350, %logistic3A_343 : vector<1x128xf32>
      %mul3A_352 = arith.mulf %sub3A_351, %tanh3A_348 : vector<1x128xf32>
      %mul3A_353 = arith.mulf %logistic3A_343, %add3A_306 : vector<1x128xf32>
      %add3A_354 = arith.addf %mul3A_352, %mul3A_353 : vector<1x128xf32>
      %swap3A_355 = arith.index_cast %add3A_313 : i32 to index
      %swap3A_356 = arith.constant 0 : index
      %swap3A_357 = vector.load %arg6[%swap3A_355, %swap3A_356] : memref<2048x128xf32, #tpu.memory_space<vmem>>, vector<1x128xf32>
      tpu.vector_store %arg6[%swap3A_355, %swap3A_356], %add3A_354 {strides = array<i32>} : memref<2048x128xf32, #tpu.memory_space<vmem>>, vector<1x128xf32>,
      %mul3A_358 = arith.constant 8 : i32
      %mul3A_359 = arith.muli %mul3A_358, %scan3A_25 : i32
      %add3A_360 = arith.constant 7 : i32
      %add3A_361 = arith.addi %mul3A_359, %add3A_360 : i32
      %get3A_362 = arith.constant 0 : index
      %get3A_363 = arith.constant 0 : index
      %get3A_364 = vector.load %arg2[%get3A_362, %get3A_363] : memref<128x384xf32, #tpu.memory_space<vmem>>, vector<128x384xf32>
      %dot_general3A_365 = arith.constant dense<0.000000e+00> : vector<1x384xf32>
      %dot_general3A_366 = tpu.matmul %add3A_354, %get3A_364, %dot_general3A_365 {dimension_numbers = #tpu.dot_dimension_numbers<[1], [0], [0], [1], [0, 0, 1, 1], [], []>, transpose_lhs_hint = false} : vector<1x128xf32>, vector<128x384xf32>, vector<1x384xf32> -> vector<1x384xf32>
      %get3A_367 = arith.constant 0 : index
      %get3A_368 = arith.constant 0 : index
      %get3A_369 = vector.load %arg3[%get3A_367, %get3A_368] : memref<1x384xf32, #tpu.memory_space<vmem>>, vector<1x384xf32>
      %add3A_370 = arith.addf %dot_general3A_366, %get3A_369 : vector<1x384xf32>
      %get3A_371 = arith.index_cast %add3A_361 : i32 to index
      %get3A_372 = arith.constant 0 : index
      %get3A_373 = vector.load %arg1[%get3A_371, %get3A_372] : memref<2048x384xf32, #tpu.memory_space<vmem>>, vector<1x384xf32>
      %slice3A_374 = vector.extract_strided_slice %get3A_373 {offsets = [0, 0], sizes = [1, 128], strides = [1, 1]} : vector<1x384xf32> to vector<1x128xf32>
      %slice3A_375 = vector.extract_strided_slice %add3A_370 {offsets = [0, 0], sizes = [1, 128], strides = [1, 1]} : vector<1x384xf32> to vector<1x128xf32>
      %add3A_376 = arith.addf %slice3A_374, %slice3A_375 : vector<1x128xf32>
      %logistic3A_377 = arith.negf %add3A_376 : vector<1x128xf32>
      %logistic3A_378 = math.exp %logistic3A_377 : vector<1x128xf32>
      %logistic3A_379 = arith.constant 1.000000e+00 : f32
      %logistic3A_380 = vector.broadcast %logistic3A_379 : f32 to vector<1x128xf32>
      %logistic3A_381 = arith.addf %logistic3A_380, %logistic3A_378 : vector<1x128xf32>
      %logistic3A_382 = arith.divf %logistic3A_380, %logistic3A_381 : vector<1x128xf32>
      %slice3A_383 = vector.extract_strided_slice %get3A_373 {offsets = [0, 128], sizes = [1, 128], strides = [1, 1]} : vector<1x384xf32> to vector<1x128xf32>
      %slice3A_384 = vector.extract_strided_slice %add3A_370 {offsets = [0, 128], sizes = [1, 128], strides = [1, 1]} : vector<1x384xf32> to vector<1x128xf32>
      %add3A_385 = arith.addf %slice3A_383, %slice3A_384 : vector<1x128xf32>
      %logistic3A_386 = arith.negf %add3A_385 : vector<1x128xf32>
      %logistic3A_387 = math.exp %logistic3A_386 : vector<1x128xf32>
      %logistic3A_388 = arith.constant 1.000000e+00 : f32
      %logistic3A_389 = vector.broadcast %logistic3A_388 : f32 to vector<1x128xf32>
      %logistic3A_390 = arith.addf %logistic3A_389, %logistic3A_387 : vector<1x128xf32>
      %logistic3A_391 = arith.divf %logistic3A_389, %logistic3A_390 : vector<1x128xf32>
      %slice3A_392 = vector.extract_strided_slice %get3A_373 {offsets = [0, 256], sizes = [1, 128], strides = [1, 1]} : vector<1x384xf32> to vector<1x128xf32>
      %slice3A_393 = vector.extract_strided_slice %add3A_370 {offsets = [0, 256], sizes = [1, 128], strides = [1, 1]} : vector<1x384xf32> to vector<1x128xf32>
      %mul3A_394 = arith.mulf %logistic3A_382, %slice3A_393 : vector<1x128xf32>
      %add3A_395 = arith.addf %slice3A_392, %mul3A_394 : vector<1x128xf32>
      %tanh3A_396 = math.tanh %add3A_395 : vector<1x128xf32>
      %sub3A_397 = arith.constant 1.000000e+00 : f32
      %sub3A_398 = vector.broadcast %sub3A_397 : f32 to vector<1x128xf32>
      %sub3A_399 = arith.subf %sub3A_398, %logistic3A_391 : vector<1x128xf32>
      %mul3A_400 = arith.mulf %sub3A_399, %tanh3A_396 : vector<1x128xf32>
      %mul3A_401 = arith.mulf %logistic3A_391, %add3A_354 : vector<1x128xf32>
      %add3A_402 = arith.addf %mul3A_400, %mul3A_401 : vector<1x128xf32>
      %swap3A_403 = arith.index_cast %add3A_361 : i32 to index
      %swap3A_404 = arith.constant 0 : index
      %swap3A_405 = vector.load %arg6[%swap3A_403, %swap3A_404] : memref<2048x128xf32, #tpu.memory_space<vmem>>, vector<1x128xf32>
      tpu.vector_store %arg6[%swap3A_403, %swap3A_404], %add3A_402 {strides = array<i32>} : memref<2048x128xf32, #tpu.memory_space<vmem>>, vector<1x128xf32>,
      scf.yield %add3A_402 : vector<1x128xf32>
    }
    %scan3A_8 = arith.constant 256 : i32
    %swap3A = arith.constant 0 : index
    %swap3A_9 = arith.constant 0 : index
    %swap3A_10 = vector.load %arg8[%swap3A, %swap3A_9] : memref<8x128xf32, #tpu.memory_space<vmem>>, vector<1x128xf32>
    tpu.vector_store %arg8[%swap3A, %swap3A_9], %scan3A_7 {strides = array<i32>} : memref<8x128xf32, #tpu.memory_space<vmem>>, vector<1x128xf32>,
    %get3A_11 = arith.constant 0 : index
    %get3A_12 = arith.constant 0 : index
    %get3A_13 = vector.load %arg6[%get3A_11, %get3A_12] : memref<2048x128xf32, #tpu.memory_space<vmem>>, vector<2048x128xf32>
    %get3A_14 = arith.constant 0 : index
    %get3A_15 = arith.constant 0 : index
    %get3A_16 = vector.load %arg4[%get3A_14, %get3A_15] : memref<128x128xf32, #tpu.memory_space<vmem>>, vector<128x128xf32>
    %dot_general3A = arith.constant dense<0.000000e+00> : vector<2048x128xf32>
    %dot_general3A_17 = tpu.matmul %get3A_13, %get3A_16, %dot_general3A {dimension_numbers = #tpu.dot_dimension_numbers<[1], [0], [0], [1], [0, 0, 1, 1], [], []>, transpose_lhs_hint = false} : vector<2048x128xf32>, vector<128x128xf32>, vector<2048x128xf32> -> vector<2048x128xf32>
    %get3A_18 = arith.constant 0 : index
    %get3A_19 = arith.constant 0 : index
    %get3A_20 = vector.load %arg5[%get3A_18, %get3A_19] : memref<1x128xf32, #tpu.memory_space<vmem>>, vector<1x128xf32>
    %add3A = vector.broadcast %get3A_20 : vector<1x128xf32> to vector<2048x128xf32>
    %add3A_21 = arith.addf %dot_general3A_17, %add3A : vector<2048x128xf32>
    %swap3A_22 = arith.constant 0 : index
    %swap3A_23 = arith.constant 0 : index
    %swap3A_24 = vector.load %arg7[%swap3A_22, %swap3A_23] : memref<2048x128xf32, #tpu.memory_space<vmem>>, vector<2048x128xf32>
    tpu.vector_store %arg7[%swap3A_22, %swap3A_23], %add3A_21 {strides = array<i32>} : memref<2048x128xf32, #tpu.memory_space<vmem>>, vector<2048x128xf32>,
    return
  }
  func.func @transform_0(%arg0: i32) -> (i32, i32) {
    %c0_i32 = arith.constant 0 : i32
    %c0_i32_0 = arith.constant 0 : i32
    return %arg0, %c0_i32 : i32, i32
  }
  func.func @transform_1(%arg0: i32) -> (i32, i32) {
    %c0_i32 = arith.constant 0 : i32
    %c0_i32_0 = arith.constant 0 : i32
    %c0_i32_1 = arith.constant 0 : i32
    return %c0_i32, %c0_i32_0 : i32, i32
  }
  func.func @transform_2(%arg0: i32) -> (i32, i32) {
    %c0_i32 = arith.constant 0 : i32
    %c0_i32_0 = arith.constant 0 : i32
    %c0_i32_1 = arith.constant 0 : i32
    return %c0_i32, %c0_i32_0 : i32, i32
  }
  func.func @transform_3(%arg0: i32) -> (i32, i32) {
    %c0_i32 = arith.constant 0 : i32
    %c0_i32_0 = arith.constant 0 : i32
    %c0_i32_1 = arith.constant 0 : i32
    return %c0_i32, %c0_i32_0 : i32, i32
  }
  func.func @transform_4(%arg0: i32) -> (i32, i32) {
    %c0_i32 = arith.constant 0 : i32
    %c0_i32_0 = arith.constant 0 : i32
    %c0_i32_1 = arith.constant 0 : i32
    return %c0_i32, %c0_i32_0 : i32, i32
  }
  func.func @transform_5(%arg0: i32) -> (i32, i32) {
    %c0_i32 = arith.constant 0 : i32
    %c0_i32_0 = arith.constant 0 : i32
    return %arg0, %c0_i32 : i32, i32
  }
  func.func @transform_6(%arg0: i32) -> (i32, i32) {
    %c0_i32 = arith.constant 0 : i32
    %c0_i32_0 = arith.constant 0 : i32
    return %arg0, %c0_i32 : i32, i32
  }
}

</mosaic_0001>

<sc_bundles>
// kernel: kernel.12.cloned.1.call-start
scs
__scs_entry_jumppad:
0x0: {  	(pc) =	sbr.rel $0x88, $3  }
0x1: {  	(tag) =	ssettag $0x0;
	lr =	simm.s32 $0x1  }
0x2: {  	[smem:$0x3F93] =	sst lr;
	_ =	strace $0xD0000000  }
0x3: {  	_ = 	snop  }
0x4: {  	_ = 	snop  }
0x5: {  	_ = 	snop  }
0x6: {  	_ = 	snop  }
0x7: {  	_ = 	snop  }
__scs_overlays_trampoline_lowered:
0x8: {  	[smem:$0x3FA2] =	sst s0  }
0x9: {  	[smem:$0x3FA3] =	sst s1  }
0xa: {  	[smem:$0x3FA4] =	sst s2  }
0xb: {  	[smem:$0x3FA5] =	sst s3  }
0xc: {  	[smem:$0x3FA6] =	sst s4  }
0xd: {  	[smem:$0x3FA7] =	sst s5  }
0xe: {  	[smem:$0x3FA8] =	sst s6  }
0xf: {  	[smem:$0x3FA9] =	sst s7  }
0x10: {  	[smem:$0x3FAA] =	sst s8  }
0x11: {  	[smem:$0x3FAB] =	sst s9;
	s0 =	simm.s32 @!p0 $0x0  }
0x12: {  	s1 =	sld [smem:$0x3F91];
	s0 =	simm.s32 @p0 $0x1  }
0x13: {  	[smem:$0x3FAC] =	sst s0;
	s0 =	simm.s32 @!p1 $0x0  }
0x14: {  	s2 =	sld [smem:$0x3F90];
	s0 =	simm.s32 @p1 $0x1  }
0x15: {  	[smem:$0x3FAD] =	sst s0;
	s0 =	simm.s32 @!p2 $0x0  }
0x16: {  	s3 =	sld [smem:$0x3FDB];
	s0 =	simm.s32 @p2 $0x1  }
0x17: {  	s4 =	simm.s32 $0x1BF5;
	[smem:$0x3FAF] =	sst s0  }
0x18: {  	s0 =	sld [smem:$0x3F92];
	_ =	swait.ge [sflag:s4], $0x0  }
0x19: {  	s7 =	sld [smem:$0x3F93]  }
0x1a: {  	s8 =	sadd.s32 $0xFFFFE003, lr  }
0x1b: {  	s9 =	sadd.s32 $0xFFFFFEF7, lr;
	s5 =	simm.s32 $0xFFFFFFFF;
	p2 =	slt.u32 s8, $0xFFFFF086  }
0x1c: {  	p1 =	slt.u32 s9, $0xF7A;
	s5 =	simm.s32 @!p2 $0x0  }
0x1d: {  	s5 =	simm.s32 @p1 $0x1;
	p0 =	seq.s32 s7, s2  }
0x1e: {  	s7 =	smul.u32 @!p0 $0xF7A, s2;
	p2 =	seq.s32 @!p0 s5, $0x0  }
0x1f: {  	s9 =	smul.u32 $0xF7A, s1;
	s8 =	simm.s32 @!p0 $0x1BF5;
	p2 =	por !p2, p0  }
0x20: {  	[sflag:s8] =	ssyncset.s32 @!p0 $0xFFFFF086;
	s6 =	sadd.s32 @!p0 s3, s7;
	s7 =	simm.s32 @!p0 $0x108  }
0x21: {  	s3 =	sadd.s32 s3, s9;
	s6 =	sadd.s32 @!p0 $0x88, s6;
	s7 =	simm.s32 @p2 $0x1082  }
0x22: {  	[simem:s7], [sflag:s8] =	dma.local @!p0 [hbm:s6], $0xF7A  }
0x23: {  	s9 =	sor.u32 $0xD0000000, s2;
	s6 =	simm.s32 $0x108;
	_ =	swait.ge @!p0 [sflag:s8], $0x0  }
0x24: {  	s3 =	sadd.s32 $0x88, s3;
	s6 =	simm.s32 @!p1 $0x1082;
	[sflag:s4] =	ssyncset.s32 $0xFFFFF086  }
0x25: {  	[simem:s6], [sflag:s4] =	dma.local [hbm:s3], $0xF7A  }
0x26: {  	[smem:$0x3F93] =	sst s1;
	(tag) =	ssettag s2;
	_ =	strace s9  }
0x27: {  	s1 =	sld [smem:$0x3FA3]  }
0x28: {  	s2 =	sld [smem:$0x3FA4]  }
0x29: {  	s4 =	sld [smem:$0x3FA6]  }
0x2a: {  	p0 =	seq.s32 s5, $0x0;
	s5 =	sld [smem:$0x3FA7]  }
0x2b: {  	s6 =	sld [smem:$0x3FA8]  }
0x2c: {  	s7 =	sld [smem:$0x3FA9]  }
0x2d: {  	s3 =	simm.s32 $0x108;
	s8 =	sld [smem:$0x3FAA]  }
0x2e: {  	s3 =	simm.s32 @!p0 $0x1082;
	s9 =	sld [smem:$0x3FAB]  }
0x2f: {  	lr =	sadd.s32 s0, s3;
	s0 =	sld [smem:$0x3FA2]  }
0x30: {  	s3 =	sld [smem:$0x3FA5]  }
0x31: {  	[smem:$0x3FAE] =	sst s10  }
0x32: {  	s10 =	sld [smem:$0x3FAC];
	_ =	sdelay $0x3  }
0x33: {  	p0 =	seq.s32 s10, $0x1;
	s10 =	sld [smem:$0x3FAE];
	_ =	sdelay $0x3  }
0x34: {  	[smem:$0x3FAE] =	sst s10  }
0x35: {  	s10 =	sld [smem:$0x3FAD];
	_ =	sdelay $0x3  }
0x36: {  	p1 =	seq.s32 s10, $0x1;
	s10 =	sld [smem:$0x3FAE];
	_ =	sdelay $0x3  }
0x37: {  	[smem:$0x3FAE] =	sst s10  }
0x38: {  	s10 =	sld [smem:$0x3FAF]  }
0x39: {  	_ = 	snop;
	(pc) =	sbr.ind lr, $3  }
0x3a: {  	_ = 	snop  }
0x3b: {  	_ = 	snop  }
0x3c: {  	p2 =	seq.s32 s10, $0x1;
	s10 =	sld [smem:$0x3FAE]  }
0x3d: {  	_ =	shalt  }
0x3e: {  	_ =	shalt  }
0x3f: {  	_ =	shalt  }
0x40: {  	_ =	shalt  }
0x41: {  	_ =	shalt  }
0x42: {  	_ =	shalt  }
0x43: {  	_ =	shalt  }
0x44: {  	_ =	shalt  }
0x45: {  	_ =	shalt  }
0x46: {  	_ =	shalt  }
0x47: {  	_ =	shalt  }
0x48: {  	_ =	shalt  }
0x49: {  	_ =	shalt  }
0x4a: {  	_ =	shalt  }
0x4b: {  	_ =	shalt  }
0x4c: {  	_ =	shalt  }
0x4d: {  	_ =	shalt  }
0x4e: {  	_ =	shalt  }
0x4f: {  	_ =	shalt  }
0x50: {  	_ =	shalt  }
0x51: {  	_ =	shalt  }
0x52: {  	_ =	shalt  }
0x53: {  	_ =	shalt  }
0x54: {  	_ =	shalt  }
0x55: {  	_ =	shalt  }
0x56: {  	_ =	shalt  }
0x57: {  	_ =	shalt  }
0x58: {  	_ =	shalt  }
0x59: {  	_ =	shalt  }
0x5a: {  	_ =	shalt  }
0x5b: {  	_ =	shalt  }
0x5c: {  	_ =	shalt  }
0x5d: {  	_ =	shalt  }
0x5e: {  	_ =	shalt  }
0x5f: {  	_ =	shalt  }
0x60: {  	_ =	shalt  }
0x61: {  	_ =	shalt  }
0x62: {  	_ =	shalt  }
0x63: {  	_ =	shalt  }
0x64: {  	_ =	shalt  }
0x65: {  	_ =	shalt  }
0x66: {  	_ =	shalt  }
0x67: {  	_ =	shalt  }
0x68: {  	_ =	shalt  }
0x69: {  	_ =	shalt  }
0x6a: {  	_ =	shalt  }
0x6b: {  	_ =	shalt  }
0x6c: {  	_ =	shalt  }
0x6d: {  	_ =	shalt  }
0x6e: {  	_ =	shalt  }
0x6f: {  	_ =	shalt  }
0x70: {  	_ =	shalt  }
0x71: {  	_ =	shalt  }
0x72: {  	_ =	shalt  }
0x73: {  	_ =	shalt  }
0x74: {  	_ =	shalt  }
0x75: {  	_ =	shalt  }
0x76: {  	_ =	shalt  }
0x77: {  	_ =	shalt  }
0x78: {  	_ =	shalt  }
0x79: {  	_ =	shalt  }
0x7a: {  	_ =	shalt  }
0x7b: {  	_ =	shalt  }
0x7c: {  	_ =	shalt  }
0x7d: {  	_ =	shalt  }
0x7e: {  	_ =	shalt  }
0x7f: {  	_ =	shalt  }
0x80: {  	_ =	shalt  }
0x81: {  	_ =	shalt  }
0x82: {  	_ =	shalt  }
0x83: {  	_ =	shalt  }
0x84: {  	_ =	shalt  }
0x85: {  	_ =	shalt  }
0x86: {  	_ =	shalt  }
0x87: {  	_ =	shalt  }
.Lfunc_end0:
.L_simem_size_0:
called_computation.1_lowered:
.L_overlay_start_0:
0x88: {  	s2 =	sld [smem:$0x3FD9]  }
0x89: {  	s3 =	sld [smem:$0x3FFE];
	_ =	sdelay $0x1  }
0x8a: {  	s1 =	srdreg.scid  }
0x8b: {  	s0 =	sand.u32 $0x1, s1  }
0x8c: {  	s14 =	sshll.u32 s0, $0xA;
	s2 =	sadd.s32 s3, s2  }
0x8d: {  	s2 =	sadd.s32 s2, s14  }
0x8e: {  	[smem:$0x3FBA] =	sst s2  }
0x8f: {  	_ = 	snop  }
0x90: {  	s2 =	sld [smem:$0x3FD0];
	_ =	sdelay $0x2  }
0x91: {  	s15 =	simm.s32 $0xA;
	s4 =	simm.s32 $0x10  }
0x92: {  	[smem:s4], [sflag:s15] =	dma.local [hbm:s2], $0x1  }
0x93: {  	_ =	swait.eq [sflag:s15], $0x1  }
0x94: {  	[sflag:s15] =	ssyncset.done $0x0  }
0x95: {  	[sflag:s15] =	ssyncadd.s32 $0xFFFFFFFF  }
0x96: {  	s16 =	sld [smem:$0x11];
	(tm) =	ssettm $0x1  }
0x97: {  	s17 =	sld [smem:$0x3FFB];
	_ =	sdelay $0x3  }
0x98: {  	_ =	strace s17  }
0x99: {  	s3 =	sld [smem:$0x3FFC];
	_ =	sdelay $0x3  }
0x9a: {  	_ =	strace s3  }
0x9b: {  	s3 =	sld [smem:$0x3FFD];
	_ =	sdelay $0x3  }
0x9c: {  	_ =	strace s3  }
0x9d: {  	_ =	strace $0x8FFFFFFF  }
0x9e: {  	s18 =	sld [smem:$0x3FDB];
	_ =	sdelay $0x1  }
0x9f: {  	s19 =	simm.s32 $_scs_section_size  }
0xa0: {  	s5 =	simm.s32 $_size__tile_overlayer_lowered;
	s6 =	simm.s32 $_tile_overlayer_lowered  }
0xa1: {  	s22 =	simm.s32 $0x1BFF;
	s21 =	sshll.u32 s6, $0x1;
	s3 =	sadd.s32 s19, s18  }
0xa2: {  	s7 =	simm.s32 $0x0;
	s20 =	sshll.u32 s5, $0x1;
	s5 =	sadd.s32 s21, s3  }
0xa3: {  	[timem:s7], [sflag:s22] =	dma.local [hbm:s5], s20  }
0xa4: {  	_ =	swait.ge [sflag:s22], s20  }
0xa5: {  	s4 =	ssub.s32 $0x0, s20;
	[sflag:s22] =	ssyncset.done $0x0  }
0xa6: {  	[sflag:s22] =	ssyncadd.s32 s4;
	_ =	sdelay $0x1  }
0xa7: {  	s23 =	simm.s32 $0x1B8B  }
0xa8: {  	_ =	swait.ge [sflag:s23], $0x1  }
0xa9: {  	[sflag:s23] =	ssyncset.done $0x0  }
0xaa: {  	s25 =	simm.s32 $0x1B8E;
	s24 =	sld [smem:$0x3FFE];
	[sflag:s23] =	ssyncadd.s32 $0xFFFFFFFF  }
0xab: {  	s26 =	simm.s32 $execute0_lowered;
	[smem:$0x3FD2] =	sst s25  }
0xac: {  	s5 =	sshll.u32 s26, $0x1;
	_ =	strace $0x80000049;
	[dreg:$0x1] =	wrdreg $0xFFFFFFFF  }
0xad: {  	s28 =	simm.s32 $_size_execute0_lowered;
	s3 =	sadd.s32 s3, s5;
	[dreg:$0x0] =	wrdreg $0x0  }
0xae: {  	s5 =	sshll.u32 s28, $0x1;
	[dreg:$0x2] =	wrdreg s3  }
0xaf: {  	[dreg:$0x3] =	wrdreg s5  }
0xb0: {  	[dreg:$0x4] =	wrdreg $0xC0  }
0xb1: {  	_ =	task [dreg:s7], $0x5FFFF  }
0xb2: {  	[dreg:$0x1] =	wrdreg $0xFFFFFFFF  }
0xb3: {  	[dreg:$0x0] =	wrdreg $0x60  }
0xb4: {  	[dreg:$0x2] =	wrdreg s24  }
0xb5: {  	[dreg:$0x3] =	wrdreg s16  }
0xb6: {  	[dreg:$0x4] =	wrdreg $0x88000  }
0xb7: {  	[dreg:$0x5] =	wrdreg $0x9  }
0xb8: {  	_ =	task.clear_ibuf [dreg:s7], $0x6FFFF;
	_ =	strace $0x90000049  }
0xb9: {  	s29 =	simm.s32 $0x9;
	_ =	strace $0x8000004B  }
0xba: {  	_ =	swait.ge [sflag:s29], $0x1  }
0xbb: {  	[sflag:s29] =	ssyncadd.s32 $0xFFFFFFFF  }
0xbc: {  	_ =	strace $0x9000004B  }
0xbd: {  	_ =	sfence  }
0xbe: {  	s30 =	sld [smem:$0x0];
	_ =	sdelay $0x2  }
0xbf: {  	s31 =	sshll.u32 s1, $0xD;
	s1 =	sshrl.u32 s1, $0x2  }
0xc0: {  	s3 =	sand.u32 $0x4000, s31;
	s1 =	sadd.s32 s1, s30  }
0xc1: {  	s0 =	sor.u32 s3, s0;
	s1 =	sshll.u32 s1, $0x11  }
0xc2: {  	s0 =	sor.u32 s1, s0  }
0xc3: {  	s0 =	sadd.s32 $0x8F2B, s0  }
0xc4: {  	[sflag:s0] =	ssyncadd.remote.s32 $0x1  }
0xc5: {  	_ =	sfence.sel $0xFFFF  }
0xc6: {  	[dreg:$0x0] =	wrdreg $0xFFFFFFFF;
	(pc) =	sbr.abs _section_cstart, $3  }
0xc7: {  	[dreg:$0x1] =	wrdreg $0xFFFFFFFF  }
0xc8: {  	_ =	task.clear_ibuf [dreg:s7], $0x2FFFF;
	_ =	strace $0x9FFFFFFF  }
0xc9: {  	(tm) =	ssettm $0x7FFFFFFF  }
tec
execute0_lowered:
.L_overlay_start_1:
0x0: {  	(tag) =	ssettag $0x1  }
0x1: {  	s0 =	rddreg [dreg:$0x0]  }
0x2: {  	s2 =	rddreg [dreg:$0x1]  }
0x3: {  	s1 =	rddreg [dreg:$0x2]  }
0x4: {  	s3 =	srdreg.scid;
	s12 =	stileid.u32  }
0x5: {  	s13 =	simm.s32 $0x400;
	s14 =	simm.s32 $0x80;
	s15 =	simm.s32 $0x800  }
0x6: {  	s16 =	simm.s32 $0x4800;
	s17 =	simm.s32 $0x1;
	s18 =	simm.s32 $0x100  }
0x7: {  	s19 =	simm.s32 $0x2;
	s28 =	simm.s32 $0x300;
	s29 =	simm.s32 $0x680  }
0x8: {  	s30 =	simm.s32 $0x380;
	s31 =	simm.s32 $0x700;
	s6 =	smul.u32 $0x14000, s12  }
0x9: {  	s5 =	sand.u32 $0x1, s3;
	s3 =	simm.s32 $0x0;
	s20 =	smul.u32 $0x50000, s12  }
0xa: {  	s4 =	sadd.s32 $0x85600, s0;
	s22 =	sshll.u32 s12, $0x6;
	s23 =	smul.u32 $0x500, s12  }
0xb: {  	s12 =	simm.s32 $0x3;
	s7 =	smul.u32 $0x5000, s5;
	[smem:$0x7FF] =	sst s3  }
0xc: {  	s8 =	smul.u32 $0x140000, s5;
	s5 =	ssub.s32 $0x2, s5;
	_ =	strace $0x8000004A  }
0xd: {  	s10 =	sshrl.u32 s6, $0x3;
	s11 =	sshrl.u32 s5, $0x1;
	s21 =	sshrl.u32 s20, $0x2  }
0xe: {  	s20 =	simm.s32 $0x480;
	s9 =	sadd.s32 s7, s0;
	s6 =	sadd.s32 s6, s8  }
0xf: {  	s10 =	sadd.s32 s10, s0;
	s5 =	ssub.s32 s5, s11;
	s8 =	sadd.s32 s21, s1  }
0x10: {  	s25 =	sadd.s32 s7, s2;
	s21 =	simm.s32 $0x180;
	s2 =	simm.s32 $0x0  }
0x11: {  	s6 =	sshrl.u32 s6, $0x3;
	s10 =	sadd.s32 $0xD600, s10;
	s24 =	smax.u32 s5, $0x1  }
0x12: {  	s26 =	sadd.s32 s23, s9;
	s9 =	sadd.s32 s23, s25;
	s7 =	sshrl.u32 s8, $0x3  }
0x13: {  	s23 =	simm.s32 $0x200;
	s25 =	simm.s32 $0x280;
	[dreg:$0x4] =	wrdreg s10  }
0x14: {  	s0 =	sadd.s32 s6, s0;
	s6 =	sor.u32 $0x1C03, s22;
	[dreg:$0x7] =	wrdreg s24  }
0x15: {  	s10 =	sadd.s32 $0x3600, s26;
	s22 =	simm.s32 $0x500;
	[dreg:$0x8] =	wrdreg s7  }
0x16: {  	s24 =	simm.s32 $0x580;
	s0 =	sadd.s32 $0xAD600, s0;
	[dreg:$0x5] =	wrdreg s6  }
0x17: {  	s26 =	simm.s32 $0x600;
	[dreg:$0x6] =	wrdreg s0;
	s0 =	simm.s32 $0x780  }
.LBB2_1:
0x18: {  	s5 =	rddreg [dreg:$0x4]  }
0x19: {  	[spmem:s7], [sflag:s6] =	dma.local [hbm:s5], $0x2800  }
0x1a: {  	_ =	swait.ge [sflag:s12], $0x2800  }
0x1b: {  	[sflag:s12] =	ssyncset.done $0x0  }
0x1c: {  	[sflag:s12] =	ssyncadd.s32 $0xFFFFD800  }
0x1d: {  	s8 =	sadd.s32 $0x0, s10;
	[bflag:$0x0] =	sbarrier.arrive $0xFFFF  }
0x1e: {  	[tilespmem:s3], [sflag:$0x3] =	stream.linear.gather [hbm4b:s8+s3], $0x400, $0x38;
	[tilespmem:$0x1C800] =	vst v63  }
0x1f: {  	_ =	swait.ge [sflag:s12], $0x400  }
0x20: {  	[sflag:s12] =	ssyncset.done $0x0  }
0x21: {  	s11 =	sadd.s32 $0x0, s9;
	[sflag:s12] =	ssyncadd.s32 $0xFFFFFC00  }
0x22: {  	[tilespmem:s13], [sflag:$0x3] =	stream.linear.gather [hbm4b:s11+s3], $0x400, $0x38;
	[tilespmem:$0x1C800] =	vst v63  }
0x23: {  	_ =	swait.ge [sflag:s12], $0x400  }
0x24: {  	[sflag:s12] =	ssyncset.done $0x0  }
0x25: {  	[sflag:s12] =	ssyncadd.s32 $0xFFFFFC00  }
0x26: {  	[tilespmem:s15], [sflag:$0x1] =	stream.indirect.gather [hbm4b:s4+s14], $0x80, s3, s14, $0xb8;
	[tilespmem:$0x1C800] =	vst v63  }
0x27: {  	_ = 	snop  }
0x28: {  	[tilespmem:s16], [sflag:$0x2] =	stream.indirect.gather [hbm4b:s4+s14], $0x80, s14, s14, $0xb8;
	[tilespmem:$0x1C800] =	vst v63  }
0x29: {  	_ =	swait.ge [sflag:s17], $0x4000  }
0x2a: {  	[sflag:s17] =	ssyncset.done $0x0  }
0x2b: {  	[sflag:s17] =	ssyncadd.s32 $0xFFFFC000  }
0x2c: {  	[spmem:s1] =	stream.indirect.scatter.add.f32 [tilespmem:s15], [sflag:$0x3], $0x80, s13, s14, $0xb8;
	[tilespmem:$0x1C800] =	vst v63  }
0x2d: {  	_ =	swait.ge [sflag:s12], $0x4000  }
0x2e: {  	[sflag:s12] =	ssyncset.done $0x0  }
0x2f: {  	[sflag:s12] =	ssyncadd.s32 $0xFFFFC000  }
0x30: {  	[tilespmem:s15], [sflag:$0x1] =	stream.indirect.gather [hbm4b:s4+s14], $0x80, s18, s14, $0xb8;
	[tilespmem:$0x1C800] =	vst v63  }
0x31: {  	_ =	swait.ge [sflag:s19], $0x4000  }
0x32: {  	[sflag:s19] =	ssyncset.done $0x0  }
0x33: {  	[sflag:s19] =	ssyncadd.s32 $0xFFFFC000  }
0x34: {  	[spmem:s1] =	stream.indirect.scatter.add.f32 [tilespmem:s16], [sflag:$0x3], $0x80, s20, s14, $0xb8;
	[tilespmem:$0x1C800] =	vst v63  }
0x35: {  	_ =	swait.ge [sflag:s12], $0x4000  }
0x36: {  	[sflag:s12] =	ssyncset.done $0x0  }
0x37: {  	[sflag:s12] =	ssyncadd.s32 $0xFFFFC000  }
0x38: {  	[tilespmem:s16], [sflag:$0x2] =	stream.indirect.gather [hbm4b:s4+s14], $0x80, s21, s14, $0xb8;
	[tilespmem:$0x1C800] =	vst v63  }
0x39: {  	_ =	swait.ge [sflag:s17], $0x4000  }
0x3a: {  	[sflag:s17] =	ssyncset.done $0x0  }
0x3b: {  	[sflag:s17] =	ssyncadd.s32 $0xFFFFC000  }
0x3c: {  	[spmem:s1] =	stream.indirect.scatter.add.f32 [tilespmem:s15], [sflag:$0x3], $0x80, s22, s14, $0xb8;
	[tilespmem:$0x1C800] =	vst v63  }
0x3d: {  	_ =	swait.ge [sflag:s12], $0x4000  }
0x3e: {  	[sflag:s12] =	ssyncset.done $0x0  }
0x3f: {  	[sflag:s12] =	ssyncadd.s32 $0xFFFFC000  }
0x40: {  	[tilespmem:s15], [sflag:$0x1] =	stream.indirect.gather [hbm4b:s4+s14], $0x80, s23, s14, $0xb8;
	[tilespmem:$0x1C800] =	vst v63  }
0x41: {  	_ =	swait.ge [sflag:s19], $0x4000  }
0x42: {  	[sflag:s19] =	ssyncset.done $0x0  }
0x43: {  	[sflag:s19] =	ssyncadd.s32 $0xFFFFC000  }
0x44: {  	[spmem:s1] =	stream.indirect.scatter.add.f32 [tilespmem:s16], [sflag:$0x3], $0x80, s24, s14, $0xb8;
	[tilespmem:$0x1C800] =	vst v63  }
0x45: {  	_ =	swait.ge [sflag:s12], $0x4000  }
0x46: {  	[sflag:s12] =	ssyncset.done $0x0  }
0x47: {  	[sflag:s12] =	ssyncadd.s32 $0xFFFFC000  }
0x48: {  	[tilespmem:s16], [sflag:$0x2] =	stream.indirect.gather [hbm4b:s4+s14], $0x80, s25, s14, $0xb8;
	[tilespmem:$0x1C800] =	vst v63  }
0x49: {  	_ =	swait.ge [sflag:s17], $0x4000  }
0x4a: {  	[sflag:s17] =	ssyncset.done $0x0  }
0x4b: {  	[sflag:s17] =	ssyncadd.s32 $0xFFFFC000  }
0x4c: {  	[spmem:s1] =	stream.indirect.scatter.add.f32 [tilespmem:s15], [sflag:$0x3], $0x80, s26, s14, $0xb8;
	[tilespmem:$0x1C800] =	vst v63  }
0x4d: {  	_ =	swait.ge [sflag:s12], $0x4000  }
0x4e: {  	[sflag:s12] =	ssyncset.done $0x0  }
0x4f: {  	[sflag:s12] =	ssyncadd.s32 $0xFFFFC000  }
0x50: {  	[tilespmem:s15], [sflag:$0x1] =	stream.indirect.gather [hbm4b:s4+s14], $0x80, s28, s14, $0xb8;
	[tilespmem:$0x1C800] =	vst v63  }
0x51: {  	_ =	swait.ge [sflag:s19], $0x4000  }
0x52: {  	[sflag:s19] =	ssyncset.done $0x0  }
0x53: {  	[sflag:s19] =	ssyncadd.s32 $0xFFFFC000  }
0x54: {  	[spmem:s1] =	stream.indirect.scatter.add.f32 [tilespmem:s16], [sflag:$0x3], $0x80, s29, s14, $0xb8;
	[tilespmem:$0x1C800] =	vst v63  }
0x55: {  	_ =	swait.ge [sflag:s12], $0x4000  }
0x56: {  	[sflag:s12] =	ssyncset.done $0x0  }
0x57: {  	[sflag:s12] =	ssyncadd.s32 $0xFFFFC000  }
0x58: {  	[tilespmem:s16], [sflag:$0x2] =	stream.indirect.gather [hbm4b:s4+s14], $0x80, s30, s14, $0xb8;
	[tilespmem:$0x1C800] =	vst v63  }
0x59: {  	_ =	swait.ge [sflag:s17], $0x4000  }
0x5a: {  	[sflag:s17] =	ssyncset.done $0x0  }
0x5b: {  	[sflag:s17] =	ssyncadd.s32 $0xFFFFC000  }
0x5c: {  	[spmem:s1] =	stream.indirect.scatter.add.f32 [tilespmem:s15], [sflag:$0x3], $0x80, s31, s14, $0xb8;
	[tilespmem:$0x1C800] =	vst v63  }
0x5d: {  	_ =	swait.ge [sflag:s12], $0x4000  }
0x5e: {  	[sflag:s12] =	ssyncset.done $0x0  }
0x5f: {  	[sflag:s12] =	ssyncadd.s32 $0xFFFFC000  }
0x60: {  	_ =	swait.ge [sflag:s19], $0x4000  }
0x61: {  	[sflag:s19] =	ssyncset.done $0x0  }
0x62: {  	[sflag:s19] =	ssyncadd.s32 $0xFFFFC000  }
0x63: {  	[spmem:s1] =	stream.indirect.scatter.add.f32 [tilespmem:s16], [sflag:$0x3], $0x80, s0, s14, $0xb8;
	[tilespmem:$0x1C800] =	vst v63  }
0x64: {  	_ =	swait.ge [sflag:s12], $0x4000  }
0x65: {  	s5 =	simm.s32 $0x80;
	s7 =	simm.s32 $0x100;
	[sflag:s12] =	ssyncset.done $0x0  }
.LBB2_2:
0x66: {  	s6 =	sadd.s32 s5, s10  }
0x67: {  	[sflag:s12] =	ssyncadd.s32 $0xFFFFC000;
	s11 =	smov.u32 s7;
	s8 =	sadd.s32 $0x80, s7  }
0x68: {  	[tilespmem:s3], [sflag:$0x3] =	stream.linear.gather [hbm4b:s6+s3], $0x400, $0x38;
	[tilespmem:$0x1C800] =	vst v63  }
0x69: {  	p0 =	sne.s32 s7, $0x480;
	_ =	swait.ge [sflag:s12], $0x400  }
0x6a: {  	[sflag:s12] =	ssyncset.done $0x0  }
0x6b: {  	s6 =	sadd.s32 s5, s9;
	s5 =	smov.u32 s11;
	[sflag:s12] =	ssyncadd.s32 $0xFFFFFC00  }
0x6c: {  	[tilespmem:s13], [sflag:$0x3] =	stream.linear.gather [hbm4b:s6+s3], $0x400, $0x38;
	[tilespmem:$0x1C800] =	vst v63  }
0x6d: {  	_ =	swait.ge [sflag:s12], $0x400  }
0x6e: {  	[sflag:s12] =	ssyncset.done $0x0  }
0x6f: {  	[sflag:s12] =	ssyncadd.s32 $0xFFFFFC00  }
0x70: {  	[tilespmem:s15], [sflag:$0x1] =	stream.indirect.gather [hbm4b:s4+s14], $0x80, s3, s14, $0xb8;
	[tilespmem:$0x1C800] =	vst v63  }
0x71: {  	_ = 	snop  }
0x72: {  	[tilespmem:s16], [sflag:$0x2] =	stream.indirect.gather [hbm4b:s4+s14], $0x80, s14, s14, $0xb8;
	[tilespmem:$0x1C800] =	vst v63  }
0x73: {  	_ =	swait.ge [sflag:s17], $0x4000  }
0x74: {  	[sflag:s17] =	ssyncset.done $0x0  }
0x75: {  	[sflag:s17] =	ssyncadd.s32 $0xFFFFC000  }
0x76: {  	[spmem:s1] =	stream.indirect.scatter.add.f32 [tilespmem:s15], [sflag:$0x3], $0x80, s13, s14, $0xb8;
	[tilespmem:$0x1C800] =	vst v63  }
0x77: {  	_ =	swait.ge [sflag:s12], $0x4000  }
0x78: {  	[sflag:s12] =	ssyncset.done $0x0  }
0x79: {  	[sflag:s12] =	ssyncadd.s32 $0xFFFFC000  }
0x7a: {  	[tilespmem:s15], [sflag:$0x1] =	stream.indirect.gather [hbm4b:s4+s14], $0x80, s18, s14, $0xb8;
	[tilespmem:$0x1C800] =	vst v63  }
0x7b: {  	_ =	swait.ge [sflag:s19], $0x4000  }
0x7c: {  	[sflag:s19] =	ssyncset.done $0x0  }
0x7d: {  	[sflag:s19] =	ssyncadd.s32 $0xFFFFC000  }
0x7e: {  	[spmem:s1] =	stream.indirect.scatter.add.f32 [tilespmem:s16], [sflag:$0x3], $0x80, s20, s14, $0xb8;
	[tilespmem:$0x1C800] =	vst v63  }
0x7f: {  	_ =	swait.ge [sflag:s12], $0x4000  }
0x80: {  	[sflag:s12] =	ssyncset.done $0x0  }
0x81: {  	[sflag:s12] =	ssyncadd.s32 $0xFFFFC000  }
0x82: {  	[tilespmem:s16], [sflag:$0x2] =	stream.indirect.gather [hbm4b:s4+s14], $0x80, s21, s14, $0xb8;
	[tilespmem:$0x1C800] =	vst v63  }
0x83: {  	_ =	swait.ge [sflag:s17], $0x4000  }
0x84: {  	[sflag:s17] =	ssyncset.done $0x0  }
0x85: {  	[sflag:s17] =	ssyncadd.s32 $0xFFFFC000  }
0x86: {  	[spmem:s1] =	stream.indirect.scatter.add.f32 [tilespmem:s15], [sflag:$0x3], $0x80, s22, s14, $0xb8;
	[tilespmem:$0x1C800] =	vst v63  }
0x87: {  	_ =	swait.ge [sflag:s12], $0x4000  }
0x88: {  	[sflag:s12] =	ssyncset.done $0x0  }
0x89: {  	[sflag:s12] =	ssyncadd.s32 $0xFFFFC000  }
0x8a: {  	[tilespmem:s15], [sflag:$0x1] =	stream.indirect.gather [hbm4b:s4+s14], $0x80, s23, s14, $0xb8;
	[tilespmem:$0x1C800] =	vst v63  }
0x8b: {  	_ =	swait.ge [sflag:s19], $0x4000  }
0x8c: {  	[sflag:s19] =	ssyncset.done $0x0  }
0x8d: {  	[sflag:s19] =	ssyncadd.s32 $0xFFFFC000  }
0x8e: {  	[spmem:s1] =	stream.indirect.scatter.add.f32 [tilespmem:s16], [sflag:$0x3], $0x80, s24, s14, $0xb8;
	[tilespmem:$0x1C800] =	vst v63  }
0x8f: {  	_ =	swait.ge [sflag:s12], $0x4000  }
0x90: {  	[sflag:s12] =	ssyncset.done $0x0  }
0x91: {  	[sflag:s12] =	ssyncadd.s32 $0xFFFFC000  }
0x92: {  	[tilespmem:s16], [sflag:$0x2] =	stream.indirect.gather [hbm4b:s4+s14], $0x80, s25, s14, $0xb8;
	[tilespmem:$0x1C800] =	vst v63  }
0x93: {  	_ =	swait.ge [sflag:s17], $0x4000  }
0x94: {  	[sflag:s17] =	ssyncset.done $0x0  }
0x95: {  	[sflag:s17] =	ssyncadd.s32 $0xFFFFC000  }
0x96: {  	[spmem:s1] =	stream.indirect.scatter.add.f32 [tilespmem:s15], [sflag:$0x3], $0x80, s26, s14, $0xb8;
	[tilespmem:$0x1C800] =	vst v63  }
0x97: {  	_ =	swait.ge [sflag:s12], $0x4000  }
0x98: {  	[sflag:s12] =	ssyncset.done $0x0  }
0x99: {  	[sflag:s12] =	ssyncadd.s32 $0xFFFFC000  }
0x9a: {  	[tilespmem:s15], [sflag:$0x1] =	stream.indirect.gather [hbm4b:s4+s14], $0x80, s28, s14, $0xb8;
	[tilespmem:$0x1C800] =	vst v63  }
0x9b: {  	_ =	swait.ge [sflag:s19], $0x4000  }
0x9c: {  	[sflag:s19] =	ssyncset.done $0x0  }
0x9d: {  	[sflag:s19] =	ssyncadd.s32 $0xFFFFC000  }
0x9e: {  	[spmem:s1] =	stream.indirect.scatter.add.f32 [tilespmem:s16], [sflag:$0x3], $0x80, s29, s14, $0xb8;
	[tilespmem:$0x1C800] =	vst v63  }
0x9f: {  	_ =	swait.ge [sflag:s12], $0x4000  }
0xa0: {  	[sflag:s12] =	ssyncset.done $0x0  }
0xa1: {  	[sflag:s12] =	ssyncadd.s32 $0xFFFFC000  }
0xa2: {  	[tilespmem:s16], [sflag:$0x2] =	stream.indirect.gather [hbm4b:s4+s14], $0x80, s30, s14, $0xb8;
	[tilespmem:$0x1C800] =	vst v63  }
0xa3: {  	_ =	swait.ge [sflag:s17], $0x4000  }
0xa4: {  	[sflag:s17] =	ssyncset.done $0x0  }
0xa5: {  	[sflag:s17] =	ssyncadd.s32 $0xFFFFC000  }
0xa6: {  	[spmem:s1] =	stream.indirect.scatter.add.f32 [tilespmem:s15], [sflag:$0x3], $0x80, s31, s14, $0xb8;
	[tilespmem:$0x1C800] =	vst v63  }
0xa7: {  	_ =	swait.ge [sflag:s12], $0x4000  }
0xa8: {  	[sflag:s12] =	ssyncset.done $0x0  }
0xa9: {  	[sflag:s12] =	ssyncadd.s32 $0xFFFFC000  }
0xaa: {  	_ =	swait.ge [sflag:s19], $0x4000  }
.Ltmp0:
0xab: {  	[sflag:s19] =	ssyncset.done $0x0;
	(pc) =	sbr.rel @p0 .LBB2_2-.Ltmp0, $4  }
0xac: {  	[sflag:s19] =	ssyncadd.s32 $0xFFFFC000  }
0xad: {  	[spmem:s1] =	stream.indirect.scatter.add.f32 [tilespmem:s16], [sflag:$0x3], $0x80, s0, s14, $0xb8;
	[tilespmem:$0x1C800] =	vst v63  }
0xae: {  	_ =	swait.ge [sflag:s12], $0x4000  }
0xaf: {  	s7 =	smov.u32 s8;
	[sflag:s12] =	ssyncset.done $0x0  }
0xb0: {  	s6 =	sadd.s32 s5, s10;
	[sflag:s12] =	ssyncadd.s32 $0xFFFFC000  }
0xb1: {  	[tilespmem:s3], [sflag:$0x3] =	stream.linear.gather [hbm4b:s6+s3], $0x400, $0x38;
	[tilespmem:$0x1C800] =	vst v63  }
0xb2: {  	_ =	swait.ge [sflag:s12], $0x400  }
0xb3: {  	[sflag:s12] =	ssyncset.done $0x0  }
0xb4: {  	s7 =	sadd.s32 s5, s9;
	[sflag:s12] =	ssyncadd.s32 $0xFFFFFC00  }
0xb5: {  	[tilespmem:s13], [sflag:$0x3] =	stream.linear.gather [hbm4b:s7+s3], $0x400, $0x38;
	[tilespmem:$0x1C800] =	vst v63  }
0xb6: {  	_ =	swait.ge [sflag:s12], $0x400  }
0xb7: {  	[sflag:s12] =	ssyncset.done $0x0  }
0xb8: {  	[sflag:s12] =	ssyncadd.s32 $0xFFFFFC00  }
0xb9: {  	[tilespmem:s15], [sflag:$0x1] =	stream.indirect.gather [hbm4b:s4+s14], $0x80, s3, s14, $0xb8;
	[tilespmem:$0x1C800] =	vst v63  }
0xba: {  	_ = 	snop  }
0xbb: {  	[tilespmem:s16], [sflag:$0x2] =	stream.indirect.gather [hbm4b:s4+s14], $0x80, s14, s14, $0xb8;
	[tilespmem:$0x1C800] =	vst v63  }
0xbc: {  	_ =	swait.ge [sflag:s17], $0x4000  }
0xbd: {  	[sflag:s17] =	ssyncset.done $0x0  }
0xbe: {  	[sflag:s17] =	ssyncadd.s32 $0xFFFFC000  }
0xbf: {  	[spmem:s1] =	stream.indirect.scatter.add.f32 [tilespmem:s15], [sflag:$0x3], $0x80, s13, s14, $0xb8;
	[tilespmem:$0x1C800] =	vst v63  }
0xc0: {  	_ =	swait.ge [sflag:s12], $0x4000  }
0xc1: {  	[sflag:s12] =	ssyncset.done $0x0  }
0xc2: {  	[sflag:s12] =	ssyncadd.s32 $0xFFFFC000  }
0xc3: {  	[tilespmem:s15], [sflag:$0x1] =	stream.indirect.gather [hbm4b:s4+s14], $0x80, s18, s14, $0xb8;
	[tilespmem:$0x1C800] =	vst v63  }
0xc4: {  	_ =	swait.ge [sflag:s19], $0x4000  }
0xc5: {  	[sflag:s19] =	ssyncset.done $0x0  }
0xc6: {  	[sflag:s19] =	ssyncadd.s32 $0xFFFFC000  }
0xc7: {  	[spmem:s1] =	stream.indirect.scatter.add.f32 [tilespmem:s16], [sflag:$0x3], $0x80, s20, s14, $0xb8;
	[tilespmem:$0x1C800] =	vst v63  }
0xc8: {  	_ =	swait.ge [sflag:s12], $0x4000  }
0xc9: {  	[sflag:s12] =	ssyncset.done $0x0  }
0xca: {  	[sflag:s12] =	ssyncadd.s32 $0xFFFFC000  }
0xcb: {  	[tilespmem:s16], [sflag:$0x2] =	stream.indirect.gather [hbm4b:s4+s14], $0x80, s21, s14, $0xb8;
	[tilespmem:$0x1C800] =	vst v63  }
0xcc: {  	_ =	swait.ge [sflag:s17], $0x4000  }
0xcd: {  	[sflag:s17] =	ssyncset.done $0x0  }
0xce: {  	[sflag:s17] =	ssyncadd.s32 $0xFFFFC000  }
0xcf: {  	[spmem:s1] =	stream.indirect.scatter.add.f32 [tilespmem:s15], [sflag:$0x3], $0x80, s22, s14, $0xb8;
	[tilespmem:$0x1C800] =	vst v63  }
0xd0: {  	_ =	swait.ge [sflag:s12], $0x4000  }
0xd1: {  	[sflag:s12] =	ssyncset.done $0x0  }
0xd2: {  	[sflag:s12] =	ssyncadd.s32 $0xFFFFC000  }
0xd3: {  	[tilespmem:s15], [sflag:$0x1] =	stream.indirect.gather [hbm4b:s4+s14], $0x80, s23, s14, $0xb8;
	[tilespmem:$0x1C800] =	vst v63  }
0xd4: {  	_ =	swait.ge [sflag:s19], $0x4000  }
0xd5: {  	[sflag:s19] =	ssyncset.done $0x0  }
0xd6: {  	[sflag:s19] =	ssyncadd.s32 $0xFFFFC000  }
0xd7: {  	[spmem:s1] =	stream.indirect.scatter.add.f32 [tilespmem:s16], [sflag:$0x3], $0x80, s24, s14, $0xb8;
	[tilespmem:$0x1C800] =	vst v63  }
0xd8: {  	_ =	swait.ge [sflag:s12], $0x4000  }
0xd9: {  	[sflag:s12] =	ssyncset.done $0x0  }
0xda: {  	[sflag:s12] =	ssyncadd.s32 $0xFFFFC000  }
0xdb: {  	[tilespmem:s16], [sflag:$0x2] =	stream.indirect.gather [hbm4b:s4+s14], $0x80, s25, s14, $0xb8;
	[tilespmem:$0x1C800] =	vst v63  }
0xdc: {  	_ =	swait.ge [sflag:s17], $0x4000  }
0xdd: {  	[sflag:s17] =	ssyncset.done $0x0  }
0xde: {  	[sflag:s17] =	ssyncadd.s32 $0xFFFFC000  }
0xdf: {  	[spmem:s1] =	stream.indirect.scatter.add.f32 [tilespmem:s15], [sflag:$0x3], $0x80, s26, s14, $0xb8;
	[tilespmem:$0x1C800] =	vst v63  }
0xe0: {  	_ =	swait.ge [sflag:s12], $0x4000  }
0xe1: {  	[sflag:s12] =	ssyncset.done $0x0  }
0xe2: {  	[sflag:s12] =	ssyncadd.s32 $0xFFFFC000  }
0xe3: {  	[tilespmem:s15], [sflag:$0x1] =	stream.indirect.gather [hbm4b:s4+s14], $0x80, s28, s14, $0xb8;
	[tilespmem:$0x1C800] =	vst v63  }
0xe4: {  	_ =	swait.ge [sflag:s19], $0x4000  }
0xe5: {  	[sflag:s19] =	ssyncset.done $0x0  }
0xe6: {  	[sflag:s19] =	ssyncadd.s32 $0xFFFFC000  }
0xe7: {  	[spmem:s1] =	stream.indirect.scatter.add.f32 [tilespmem:s16], [sflag:$0x3], $0x80, s29, s14, $0xb8;
	[tilespmem:$0x1C800] =	vst v63  }
0xe8: {  	_ =	swait.ge [sflag:s12], $0x4000  }
0xe9: {  	[sflag:s12] =	ssyncset.done $0x0  }
0xea: {  	[sflag:s12] =	ssyncadd.s32 $0xFFFFC000  }
0xeb: {  	[tilespmem:s16], [sflag:$0x2] =	stream.indirect.gather [hbm4b:s4+s14], $0x80, s30, s14, $0xb8;
	[tilespmem:$0x1C800] =	vst v63  }
0xec: {  	_ =	swait.ge [sflag:s17], $0x4000  }
0xed: {  	[sflag:s17] =	ssyncset.done $0x0  }
0xee: {  	[sflag:s17] =	ssyncadd.s32 $0xFFFFC000  }
0xef: {  	[spmem:s1] =	stream.indirect.scatter.add.f32 [tilespmem:s15], [sflag:$0x3], $0x80, s31, s14, $0xb8;
	[tilespmem:$0x1C800] =	vst v63  }
0xf0: {  	_ =	swait.ge [sflag:s12], $0x4000  }
0xf1: {  	[sflag:s12] =	ssyncset.done $0x0  }
0xf2: {  	[sflag:s12] =	ssyncadd.s32 $0xFFFFC000  }
0xf3: {  	_ =	swait.ge [sflag:s19], $0x4000  }
0xf4: {  	[sflag:s19] =	ssyncset.done $0x0  }
0xf5: {  	[sflag:s19] =	ssyncadd.s32 $0xFFFFC000  }
0xf6: {  	[spmem:s1] =	stream.indirect.scatter.add.f32 [tilespmem:s16], [sflag:$0x3], $0x80, s0, s14, $0xb8;
	[tilespmem:$0x1C800] =	vst v63  }
0xf7: {  	_ =	swait.ge [sflag:s12], $0x4000  }
0xf8: {  	[sflag:s12] =	ssyncset.done $0x0  }
0xf9: {  	[sflag:s12] =	ssyncadd.s32 $0xFFFFC000  }
0xfa: {  	[bflag:$0x0] =	sbarrier.arrive $0xFFFF  }
0xfb: {  	s6 =	rddreg [dreg:$0x5]  }
0xfc: {  	s8 =	rddreg [dreg:$0x6]  }
0xfd: {  	s7 =	rddreg [dreg:$0x8]  }
0xfe: {  	[hbm:s8], [sflag:s6] =	dma.local [spmem:s7], $0x2800  }
0xff: {  	_ =	swait.ge [sflag:s12], $0x2800  }
0x100: {  	s2 =	sadd.s32 $0x1, s2;
	s11 =	rddreg [dreg:$0x7]  }
0x101: {  	p0 =	sne.s32 s2, s11  }
.Ltmp1:
0x102: {  	_ = 	snop;
	(pc) =	sbr.rel @p0 .LBB2_1-.Ltmp1, $3  }
0x103: {  	_ =	sdelay $0x1  }
0x104: {  	[sflag:s12] =	ssyncset.done $0x0  }
0x105: {  	[sflag:s12] =	ssyncadd.s32 $0xFFFFD800  }
0x106: {  	_ =	sfence.sel $0x180000  }
0x107: {  	[bflag:$0x0] =	sbarrier.arrive $0xFFFF  }
0x108: {  	_ =	strace $0x9000004A  }
0x109: {  	s0 =	stileid.u32;
	[bflag:$0x2] =	sbarrier.arrive $0xFFFF  }
0x10a: {  	p0 =	sne.s32 s0, $0x0;
	s0 =	rddreg [dreg:$0x3]  }
0x10b: {  	s0 =	sadd.s32 @!p0 $0x100000, s0  }
0x10c: {  	[sflag:s0] =	ssyncadd.tile.s32 @!p0 $0x1;
	_ =	shalt  }
.Lfunc_end2:
_tile_overlayer_lowered:
.L_overlay_start_2:
0x10d: {  	(tag) =	ssettag $0x2  }
0x10e: {  	s0 =	rddreg [dreg:$0x0];
	s2 =	stileid.u32  }
0x10f: {  	s1 =	rddreg [dreg:$0x1];
	p0 =	sne.s32 s2, $0x0  }
0x110: {  	s3 =	rddreg [dreg:$0x2];
	[bflag:$0x3] =	sbarrier.arrive $0xFFFF;
	s2 =	simm.s32 @!p0 $0x1C03  }
0x111: {  	[timem:s3], [sflag:s2] =	dma.local @!p0 [hbm:s0], s1  }
0x112: {  	s0 =	simm.s32 @!p0 $0x3  }
0x113: {  	_ =	swait.ge @!p0 [sflag:s0], s1  }
0x114: {  	s1 =	ssub.s32 @!p0 $0x0, s1;
	[sflag:s0] =	ssyncset.done @!p0 $0x0  }
0x115: {  	[sflag:s0] =	ssyncadd.s32 @!p0 s1  }
0x116: {  	[bflag:$0x3] =	sbarrier.arrive $0xFFFF  }
0x117: {  	_ =	shalt  }

// kernel: kernel.15.cloned.1.call-start
scs
__scs_entry_jumppad:
0x0: {  	(pc) =	sbr.rel $0x88, $3  }
0x1: {  	(tag) =	ssettag $0x0;
	lr =	simm.s32 $0x1  }
0x2: {  	[smem:$0x3F93] =	sst lr;
	_ =	strace $0xD0000000  }
0x3: {  	_ = 	snop  }
0x4: {  	_ = 	snop  }
0x5: {  	_ = 	snop  }
0x6: {  	_ = 	snop  }
0x7: {  	_ = 	snop  }
__scs_overlays_trampoline_lowered:
0x8: {  	[smem:$0x3FA2] =	sst s0  }
0x9: {  	[smem:$0x3FA3] =	sst s1  }
0xa: {  	[smem:$0x3FA4] =	sst s2  }
0xb: {  	[smem:$0x3FA5] =	sst s3  }
0xc: {  	[smem:$0x3FA6] =	sst s4  }
0xd: {  	[smem:$0x3FA7] =	sst s5  }
0xe: {  	[smem:$0x3FA8] =	sst s6  }
0xf: {  	[smem:$0x3FA9] =	sst s7  }
0x10: {  	[smem:$0x3FAA] =	sst s8  }
0x11: {  	[smem:$0x3FAB] =	sst s9;
	s0 =	simm.s32 @!p0 $0x0  }
0x12: {  	s1 =	sld [smem:$0x3F91];
	s0 =	simm.s32 @p0 $0x1  }
0x13: {  	[smem:$0x3FAC] =	sst s0;
	s0 =	simm.s32 @!p1 $0x0  }
0x14: {  	s2 =	sld [smem:$0x3F90];
	s0 =	simm.s32 @p1 $0x1  }
0x15: {  	[smem:$0x3FAD] =	sst s0;
	s0 =	simm.s32 @!p2 $0x0  }
0x16: {  	s3 =	sld [smem:$0x3FDB];
	s0 =	simm.s32 @p2 $0x1  }
0x17: {  	s4 =	simm.s32 $0x1BF5;
	[smem:$0x3FAF] =	sst s0  }
0x18: {  	s0 =	sld [smem:$0x3F92];
	_ =	swait.ge [sflag:s4], $0x0  }
0x19: {  	s7 =	sld [smem:$0x3F93]  }
0x1a: {  	s8 =	sadd.s32 $0xFFFFE003, lr  }
0x1b: {  	s9 =	sadd.s32 $0xFFFFFEF7, lr;
	s5 =	simm.s32 $0xFFFFFFFF;
	p2 =	slt.u32 s8, $0xFFFFF086  }
0x1c: {  	p1 =	slt.u32 s9, $0xF7A;
	s5 =	simm.s32 @!p2 $0x0  }
0x1d: {  	s5 =	simm.s32 @p1 $0x1;
	p0 =	seq.s32 s7, s2  }
0x1e: {  	s7 =	smul.u32 @!p0 $0xF7A, s2;
	p2 =	seq.s32 @!p0 s5, $0x0  }
0x1f: {  	s9 =	smul.u32 $0xF7A, s1;
	s8 =	simm.s32 @!p0 $0x1BF5;
	p2 =	por !p2, p0  }
0x20: {  	[sflag:s8] =	ssyncset.s32 @!p0 $0xFFFFF086;
	s6 =	sadd.s32 @!p0 s3, s7;
	s7 =	simm.s32 @!p0 $0x108  }
0x21: {  	s3 =	sadd.s32 s3, s9;
	s6 =	sadd.s32 @!p0 $0x88, s6;
	s7 =	simm.s32 @p2 $0x1082  }
0x22: {  	[simem:s7], [sflag:s8] =	dma.local @!p0 [hbm:s6], $0xF7A  }
0x23: {  	s9 =	sor.u32 $0xD0000000, s2;
	s6 =	simm.s32 $0x108;
	_ =	swait.ge @!p0 [sflag:s8], $0x0  }
0x24: {  	s3 =	sadd.s32 $0x88, s3;
	s6 =	simm.s32 @!p1 $0x1082;
	[sflag:s4] =	ssyncset.s32 $0xFFFFF086  }
0x25: {  	[simem:s6], [sflag:s4] =	dma.local [hbm:s3], $0xF7A  }
0x26: {  	[smem:$0x3F93] =	sst s1;
	(tag) =	ssettag s2;
	_ =	strace s9  }
0x27: {  	s1 =	sld [smem:$0x3FA3]  }
0x28: {  	s2 =	sld [smem:$0x3FA4]  }
0x29: {  	s4 =	sld [smem:$0x3FA6]  }
0x2a: {  	p0 =	seq.s32 s5, $0x0;
	s5 =	sld [smem:$0x3FA7]  }
0x2b: {  	s6 =	sld [smem:$0x3FA8]  }
0x2c: {  	s7 =	sld [smem:$0x3FA9]  }
0x2d: {  	s3 =	simm.s32 $0x108;
	s8 =	sld [smem:$0x3FAA]  }
0x2e: {  	s3 =	simm.s32 @!p0 $0x1082;
	s9 =	sld [smem:$0x3FAB]  }
0x2f: {  	lr =	sadd.s32 s0, s3;
	s0 =	sld [smem:$0x3FA2]  }
0x30: {  	s3 =	sld [smem:$0x3FA5]  }
0x31: {  	[smem:$0x3FAE] =	sst s10  }
0x32: {  	s10 =	sld [smem:$0x3FAC];
	_ =	sdelay $0x3  }
0x33: {  	p0 =	seq.s32 s10, $0x1;
	s10 =	sld [smem:$0x3FAE];
	_ =	sdelay $0x3  }
0x34: {  	[smem:$0x3FAE] =	sst s10  }
0x35: {  	s10 =	sld [smem:$0x3FAD];
	_ =	sdelay $0x3  }
0x36: {  	p1 =	seq.s32 s10, $0x1;
	s10 =	sld [smem:$0x3FAE];
	_ =	sdelay $0x3  }
0x37: {  	[smem:$0x3FAE] =	sst s10  }
0x38: {  	s10 =	sld [smem:$0x3FAF]  }
0x39: {  	_ = 	snop;
	(pc) =	sbr.ind lr, $3  }
0x3a: {  	_ = 	snop  }
0x3b: {  	_ = 	snop  }
0x3c: {  	p2 =	seq.s32 s10, $0x1;
	s10 =	sld [smem:$0x3FAE]  }
0x3d: {  	_ =	shalt  }
0x3e: {  	_ =	shalt  }
0x3f: {  	_ =	shalt  }
0x40: {  	_ =	shalt  }
0x41: {  	_ =	shalt  }
0x42: {  	_ =	shalt  }
0x43: {  	_ =	shalt  }
0x44: {  	_ =	shalt  }
0x45: {  	_ =	shalt  }
0x46: {  	_ =	shalt  }
0x47: {  	_ =	shalt  }
0x48: {  	_ =	shalt  }
0x49: {  	_ =	shalt  }
0x4a: {  	_ =	shalt  }
0x4b: {  	_ =	shalt  }
0x4c: {  	_ =	shalt  }
0x4d: {  	_ =	shalt  }
0x4e: {  	_ =	shalt  }
0x4f: {  	_ =	shalt  }
0x50: {  	_ =	shalt  }
0x51: {  	_ =	shalt  }
0x52: {  	_ =	shalt  }
0x53: {  	_ =	shalt  }
0x54: {  	_ =	shalt  }
0x55: {  	_ =	shalt  }
0x56: {  	_ =	shalt  }
0x57: {  	_ =	shalt  }
0x58: {  	_ =	shalt  }
0x59: {  	_ =	shalt  }
0x5a: {  	_ =	shalt  }
0x5b: {  	_ =	shalt  }
0x5c: {  	_ =	shalt  }
0x5d: {  	_ =	shalt  }
0x5e: {  	_ =	shalt  }
0x5f: {  	_ =	shalt  }
0x60: {  	_ =	shalt  }
0x61: {  	_ =	shalt  }
0x62: {  	_ =	shalt  }
0x63: {  	_ =	shalt  }
0x64: {  	_ =	shalt  }
0x65: {  	_ =	shalt  }
0x66: {  	_ =	shalt  }
0x67: {  	_ =	shalt  }
0x68: {  	_ =	shalt  }
0x69: {  	_ =	shalt  }
0x6a: {  	_ =	shalt  }
0x6b: {  	_ =	shalt  }
0x6c: {  	_ =	shalt  }
0x6d: {  	_ =	shalt  }
0x6e: {  	_ =	shalt  }
0x6f: {  	_ =	shalt  }
0x70: {  	_ =	shalt  }
0x71: {  	_ =	shalt  }
0x72: {  	_ =	shalt  }
0x73: {  	_ =	shalt  }
0x74: {  	_ =	shalt  }
0x75: {  	_ =	shalt  }
0x76: {  	_ =	shalt  }
0x77: {  	_ =	shalt  }
0x78: {  	_ =	shalt  }
0x79: {  	_ =	shalt  }
0x7a: {  	_ =	shalt  }
0x7b: {  	_ =	shalt  }
0x7c: {  	_ =	shalt  }
0x7d: {  	_ =	shalt  }
0x7e: {  	_ =	shalt  }
0x7f: {  	_ =	shalt  }
0x80: {  	_ =	shalt  }
0x81: {  	_ =	shalt  }
0x82: {  	_ =	shalt  }
0x83: {  	_ =	shalt  }
0x84: {  	_ =	shalt  }
0x85: {  	_ =	shalt  }
0x86: {  	_ =	shalt  }
0x87: {  	_ =	shalt  }
.Lfunc_end0:
.L_simem_size_0:
called_computation.2_lowered:
.L_overlay_start_0:
0x88: {  	s2 =	sld [smem:$0x3FD9]  }
0x89: {  	s3 =	sld [smem:$0x3FFE];
	_ =	sdelay $0x1  }
0x8a: {  	s1 =	srdreg.scid  }
0x8b: {  	s0 =	sand.u32 $0x1, s1  }
0x8c: {  	s14 =	sshll.u32 s0, $0xA;
	s2 =	sadd.s32 s3, s2  }
0x8d: {  	s2 =	sadd.s32 s2, s14  }
0x8e: {  	[smem:$0x3FBA] =	sst s2  }
0x8f: {  	_ = 	snop  }
0x90: {  	s2 =	sld [smem:$0x3FD0];
	_ =	sdelay $0x2  }
0x91: {  	s15 =	simm.s32 $0xA;
	s4 =	simm.s32 $0x10  }
0x92: {  	[smem:s4], [sflag:s15] =	dma.local [hbm:s2], $0x1  }
0x93: {  	_ =	swait.eq [sflag:s15], $0x1  }
0x94: {  	[sflag:s15] =	ssyncset.done $0x0  }
0x95: {  	[sflag:s15] =	ssyncadd.s32 $0xFFFFFFFF  }
0x96: {  	s16 =	sld [smem:$0x11];
	(tm) =	ssettm $0x1  }
0x97: {  	s17 =	sld [smem:$0x3FFB];
	_ =	sdelay $0x3  }
0x98: {  	_ =	strace s17  }
0x99: {  	s3 =	sld [smem:$0x3FFC];
	_ =	sdelay $0x3  }
0x9a: {  	_ =	strace s3  }
0x9b: {  	s3 =	sld [smem:$0x3FFD];
	_ =	sdelay $0x3  }
0x9c: {  	_ =	strace s3  }
0x9d: {  	_ =	strace $0x8FFFFFFF  }
0x9e: {  	s18 =	sld [smem:$0x3FDB];
	_ =	sdelay $0x1  }
0x9f: {  	s19 =	simm.s32 $_scs_section_size  }
0xa0: {  	s5 =	simm.s32 $_size__tile_overlayer_lowered;
	s6 =	simm.s32 $_tile_overlayer_lowered  }
0xa1: {  	s22 =	simm.s32 $0x1BFF;
	s21 =	sshll.u32 s6, $0x1;
	s3 =	sadd.s32 s19, s18  }
0xa2: {  	s7 =	simm.s32 $0x0;
	s20 =	sshll.u32 s5, $0x1;
	s5 =	sadd.s32 s21, s3  }
0xa3: {  	[timem:s7], [sflag:s22] =	dma.local [hbm:s5], s20  }
0xa4: {  	_ =	swait.ge [sflag:s22], s20  }
0xa5: {  	s4 =	ssub.s32 $0x0, s20;
	[sflag:s22] =	ssyncset.done $0x0  }
0xa6: {  	[sflag:s22] =	ssyncadd.s32 s4;
	_ =	sdelay $0x1  }
0xa7: {  	s23 =	simm.s32 $0x1B8B  }
0xa8: {  	_ =	swait.ge [sflag:s23], $0x1  }
0xa9: {  	[sflag:s23] =	ssyncset.done $0x0  }
0xaa: {  	s25 =	simm.s32 $0x1B8E;
	s24 =	sld [smem:$0x3FFE];
	[sflag:s23] =	ssyncadd.s32 $0xFFFFFFFF  }
0xab: {  	s26 =	simm.s32 $execute0_lowered;
	[smem:$0x3FD2] =	sst s25  }
0xac: {  	s5 =	sshll.u32 s26, $0x1;
	_ =	strace $0x8000004C;
	[dreg:$0x1] =	wrdreg $0xFFFFFFFF  }
0xad: {  	s28 =	simm.s32 $_size_execute0_lowered;
	s3 =	sadd.s32 s3, s5;
	[dreg:$0x0] =	wrdreg $0x0  }
0xae: {  	s5 =	sshll.u32 s28, $0x1;
	[dreg:$0x2] =	wrdreg s3  }
0xaf: {  	[dreg:$0x3] =	wrdreg s5  }
0xb0: {  	[dreg:$0x4] =	wrdreg $0xC0  }
0xb1: {  	_ =	task [dreg:s7], $0x5FFFF  }
0xb2: {  	[dreg:$0x1] =	wrdreg $0xFFFFFFFF  }
0xb3: {  	[dreg:$0x0] =	wrdreg $0x60  }
0xb4: {  	[dreg:$0x2] =	wrdreg s24  }
0xb5: {  	[dreg:$0x3] =	wrdreg s16  }
0xb6: {  	[dreg:$0x4] =	wrdreg $0x88000  }
0xb7: {  	[dreg:$0x5] =	wrdreg $0x9  }
0xb8: {  	_ =	task.clear_ibuf [dreg:s7], $0x6FFFF;
	_ =	strace $0x9000004C  }
0xb9: {  	s29 =	simm.s32 $0x9;
	_ =	strace $0x8000004E  }
0xba: {  	_ =	swait.ge [sflag:s29], $0x1  }
0xbb: {  	[sflag:s29] =	ssyncadd.s32 $0xFFFFFFFF  }
0xbc: {  	_ =	strace $0x9000004E  }
0xbd: {  	_ =	sfence  }
0xbe: {  	s30 =	sld [smem:$0x0];
	_ =	sdelay $0x2  }
0xbf: {  	s31 =	sshll.u32 s1, $0xD;
	s1 =	sshrl.u32 s1, $0x2  }
0xc0: {  	s3 =	sand.u32 $0x4000, s31;
	s1 =	sadd.s32 s1, s30  }
0xc1: {  	s0 =	sor.u32 s3, s0;
	s1 =	sshll.u32 s1, $0x11  }
0xc2: {  	s0 =	sor.u32 s1, s0  }
0xc3: {  	s0 =	sadd.s32 $0x8F2B, s0  }
0xc4: {  	[sflag:s0] =	ssyncadd.remote.s32 $0x1  }
0xc5: {  	_ =	sfence.sel $0xFFFF  }
0xc6: {  	[dreg:$0x0] =	wrdreg $0xFFFFFFFF;
	(pc) =	sbr.abs _section_cstart, $3  }
0xc7: {  	[dreg:$0x1] =	wrdreg $0xFFFFFFFF  }
0xc8: {  	_ =	task.clear_ibuf [dreg:s7], $0x2FFFF;
	_ =	strace $0x9FFFFFFF  }
0xc9: {  	(tm) =	ssettm $0x7FFFFFFF  }
tec
execute0_lowered:
.L_overlay_start_1:
0x0: {  	(tag) =	ssettag $0x1  }
0x1: {  	s0 =	rddreg [dreg:$0x0]  }
0x2: {  	s2 =	rddreg [dreg:$0x1]  }
0x3: {  	s1 =	rddreg [dreg:$0x2]  }
0x4: {  	s3 =	srdreg.scid;
	s12 =	stileid.u32  }
0x5: {  	s13 =	simm.s32 $0x400;
	s14 =	simm.s32 $0x80;
	s15 =	simm.s32 $0x800  }
0x6: {  	s16 =	simm.s32 $0x4800;
	s17 =	simm.s32 $0x1;
	s18 =	simm.s32 $0x100  }
0x7: {  	s19 =	simm.s32 $0x2;
	s28 =	simm.s32 $0x300;
	s29 =	simm.s32 $0x680  }
0x8: {  	s30 =	simm.s32 $0x380;
	s31 =	simm.s32 $0x700;
	s6 =	smul.u32 $0x14000, s12  }
0x9: {  	s5 =	sand.u32 $0x1, s3;
	s3 =	simm.s32 $0x0;
	s20 =	smul.u32 $0x50000, s12  }
0xa: {  	s4 =	sadd.s32 $0x85600, s0;
	s22 =	sshll.u32 s12, $0x6;
	s23 =	smul.u32 $0x500, s12  }
0xb: {  	s12 =	simm.s32 $0x3;
	s7 =	smul.u32 $0x5000, s5;
	[smem:$0x7FF] =	sst s3  }
0xc: {  	s8 =	smul.u32 $0x140000, s5;
	s5 =	ssub.s32 $0x2, s5;
	_ =	strace $0x8000004D  }
0xd: {  	s10 =	sshrl.u32 s6, $0x3;
	s11 =	sshrl.u32 s5, $0x1;
	s21 =	sshrl.u32 s20, $0x2  }
0xe: {  	s20 =	simm.s32 $0x480;
	s9 =	sadd.s32 s7, s0;
	s6 =	sadd.s32 s6, s8  }
0xf: {  	s10 =	sadd.s32 s10, s0;
	s5 =	ssub.s32 s5, s11;
	s8 =	sadd.s32 s21, s1  }
0x10: {  	s25 =	sadd.s32 s7, s2;
	s21 =	simm.s32 $0x180;
	s2 =	simm.s32 $0x0  }
0x11: {  	s6 =	sshrl.u32 s6, $0x3;
	s10 =	sadd.s32 $0xD600, s10;
	s24 =	smax.u32 s5, $0x1  }
0x12: {  	s26 =	sadd.s32 s23, s9;
	s9 =	sadd.s32 s23, s25;
	s7 =	sshrl.u32 s8, $0x3  }
0x13: {  	s23 =	simm.s32 $0x200;
	s25 =	simm.s32 $0x280;
	[dreg:$0x4] =	wrdreg s10  }
0x14: {  	s0 =	sadd.s32 s6, s0;
	s6 =	sor.u32 $0x1C03, s22;
	[dreg:$0x7] =	wrdreg s24  }
0x15: {  	s10 =	sadd.s32 $0x3600, s26;
	s22 =	simm.s32 $0x500;
	[dreg:$0x8] =	wrdreg s7  }
0x16: {  	s24 =	simm.s32 $0x580;
	s0 =	sadd.s32 $0xAD600, s0;
	[dreg:$0x5] =	wrdreg s6  }
0x17: {  	s26 =	simm.s32 $0x600;
	[dreg:$0x6] =	wrdreg s0;
	s0 =	simm.s32 $0x780  }
.LBB2_1:
0x18: {  	s5 =	rddreg [dreg:$0x4]  }
0x19: {  	[spmem:s7], [sflag:s6] =	dma.local [hbm:s5], $0x2800  }
0x1a: {  	_ =	swait.ge [sflag:s12], $0x2800  }
0x1b: {  	[sflag:s12] =	ssyncset.done $0x0  }
0x1c: {  	[sflag:s12] =	ssyncadd.s32 $0xFFFFD800  }
0x1d: {  	s8 =	sadd.s32 $0x0, s10;
	[bflag:$0x0] =	sbarrier.arrive $0xFFFF  }
0x1e: {  	[tilespmem:s3], [sflag:$0x3] =	stream.linear.gather [hbm4b:s8+s3], $0x400, $0x38;
	[tilespmem:$0x1C800] =	vst v63  }
0x1f: {  	_ =	swait.ge [sflag:s12], $0x400  }
0x20: {  	[sflag:s12] =	ssyncset.done $0x0  }
0x21: {  	s11 =	sadd.s32 $0x0, s9;
	[sflag:s12] =	ssyncadd.s32 $0xFFFFFC00  }
0x22: {  	[tilespmem:s13], [sflag:$0x3] =	stream.linear.gather [hbm4b:s11+s3], $0x400, $0x38;
	[tilespmem:$0x1C800] =	vst v63  }
0x23: {  	_ =	swait.ge [sflag:s12], $0x400  }
0x24: {  	[sflag:s12] =	ssyncset.done $0x0  }
0x25: {  	[sflag:s12] =	ssyncadd.s32 $0xFFFFFC00  }
0x26: {  	[tilespmem:s15], [sflag:$0x1] =	stream.indirect.gather [hbm4b:s4+s14], $0x80, s3, s14, $0xb8;
	[tilespmem:$0x1C800] =	vst v63  }
0x27: {  	_ = 	snop  }
0x28: {  	[tilespmem:s16], [sflag:$0x2] =	stream.indirect.gather [hbm4b:s4+s14], $0x80, s14, s14, $0xb8;
	[tilespmem:$0x1C800] =	vst v63  }
0x29: {  	_ =	swait.ge [sflag:s17], $0x4000  }
0x2a: {  	[sflag:s17] =	ssyncset.done $0x0  }
0x2b: {  	[sflag:s17] =	ssyncadd.s32 $0xFFFFC000  }
0x2c: {  	[spmem:s1] =	stream.indirect.scatter.add.f32 [tilespmem:s15], [sflag:$0x3], $0x80, s13, s14, $0xb8;
	[tilespmem:$0x1C800] =	vst v63  }
0x2d: {  	_ =	swait.ge [sflag:s12], $0x4000  }
0x2e: {  	[sflag:s12] =	ssyncset.done $0x0  }
0x2f: {  	[sflag:s12] =	ssyncadd.s32 $0xFFFFC000  }
0x30: {  	[tilespmem:s15], [sflag:$0x1] =	stream.indirect.gather [hbm4b:s4+s14], $0x80, s18, s14, $0xb8;
	[tilespmem:$0x1C800] =	vst v63  }
0x31: {  	_ =	swait.ge [sflag:s19], $0x4000  }
0x32: {  	[sflag:s19] =	ssyncset.done $0x0  }
0x33: {  	[sflag:s19] =	ssyncadd.s32 $0xFFFFC000  }
0x34: {  	[spmem:s1] =	stream.indirect.scatter.add.f32 [tilespmem:s16], [sflag:$0x3], $0x80, s20, s14, $0xb8;
	[tilespmem:$0x1C800] =	vst v63  }
0x35: {  	_ =	swait.ge [sflag:s12], $0x4000  }
0x36: {  	[sflag:s12] =	ssyncset.done $0x0  }
0x37: {  	[sflag:s12] =	ssyncadd.s32 $0xFFFFC000  }
0x38: {  	[tilespmem:s16], [sflag:$0x2] =	stream.indirect.gather [hbm4b:s4+s14], $0x80, s21, s14, $0xb8;
	[tilespmem:$0x1C800] =	vst v63  }
0x39: {  	_ =	swait.ge [sflag:s17], $0x4000  }
0x3a: {  	[sflag:s17] =	ssyncset.done $0x0  }
0x3b: {  	[sflag:s17] =	ssyncadd.s32 $0xFFFFC000  }
0x3c: {  	[spmem:s1] =	stream.indirect.scatter.add.f32 [tilespmem:s15], [sflag:$0x3], $0x80, s22, s14, $0xb8;
	[tilespmem:$0x1C800] =	vst v63  }
0x3d: {  	_ =	swait.ge [sflag:s12], $0x4000  }
0x3e: {  	[sflag:s12] =	ssyncset.done $0x0  }
0x3f: {  	[sflag:s12] =	ssyncadd.s32 $0xFFFFC000  }
0x40: {  	[tilespmem:s15], [sflag:$0x1] =	stream.indirect.gather [hbm4b:s4+s14], $0x80, s23, s14, $0xb8;
	[tilespmem:$0x1C800] =	vst v63  }
0x41: {  	_ =	swait.ge [sflag:s19], $0x4000  }
0x42: {  	[sflag:s19] =	ssyncset.done $0x0  }
0x43: {  	[sflag:s19] =	ssyncadd.s32 $0xFFFFC000  }
0x44: {  	[spmem:s1] =	stream.indirect.scatter.add.f32 [tilespmem:s16], [sflag:$0x3], $0x80, s24, s14, $0xb8;
	[tilespmem:$0x1C800] =	vst v63  }
0x45: {  	_ =	swait.ge [sflag:s12], $0x4000  }
0x46: {  	[sflag:s12] =	ssyncset.done $0x0  }
0x47: {  	[sflag:s12] =	ssyncadd.s32 $0xFFFFC000  }
0x48: {  	[tilespmem:s16], [sflag:$0x2] =	stream.indirect.gather [hbm4b:s4+s14], $0x80, s25, s14, $0xb8;
	[tilespmem:$0x1C800] =	vst v63  }
0x49: {  	_ =	swait.ge [sflag:s17], $0x4000  }
0x4a: {  	[sflag:s17] =	ssyncset.done $0x0  }
0x4b: {  	[sflag:s17] =	ssyncadd.s32 $0xFFFFC000  }
0x4c: {  	[spmem:s1] =	stream.indirect.scatter.add.f32 [tilespmem:s15], [sflag:$0x3], $0x80, s26, s14, $0xb8;
	[tilespmem:$0x1C800] =	vst v63  }
0x4d: {  	_ =	swait.ge [sflag:s12], $0x4000  }
0x4e: {  	[sflag:s12] =	ssyncset.done $0x0  }
0x4f: {  	[sflag:s12] =	ssyncadd.s32 $0xFFFFC000  }
0x50: {  	[tilespmem:s15], [sflag:$0x1] =	stream.indirect.gather [hbm4b:s4+s14], $0x80, s28, s14, $0xb8;
	[tilespmem:$0x1C800] =	vst v63  }
0x51: {  	_ =	swait.ge [sflag:s19], $0x4000  }
0x52: {  	[sflag:s19] =	ssyncset.done $0x0  }
0x53: {  	[sflag:s19] =	ssyncadd.s32 $0xFFFFC000  }
0x54: {  	[spmem:s1] =	stream.indirect.scatter.add.f32 [tilespmem:s16], [sflag:$0x3], $0x80, s29, s14, $0xb8;
	[tilespmem:$0x1C800] =	vst v63  }
0x55: {  	_ =	swait.ge [sflag:s12], $0x4000  }
0x56: {  	[sflag:s12] =	ssyncset.done $0x0  }
0x57: {  	[sflag:s12] =	ssyncadd.s32 $0xFFFFC000  }
0x58: {  	[tilespmem:s16], [sflag:$0x2] =	stream.indirect.gather [hbm4b:s4+s14], $0x80, s30, s14, $0xb8;
	[tilespmem:$0x1C800] =	vst v63  }
0x59: {  	_ =	swait.ge [sflag:s17], $0x4000  }
0x5a: {  	[sflag:s17] =	ssyncset.done $0x0  }
0x5b: {  	[sflag:s17] =	ssyncadd.s32 $0xFFFFC000  }
0x5c: {  	[spmem:s1] =	stream.indirect.scatter.add.f32 [tilespmem:s15], [sflag:$0x3], $0x80, s31, s14, $0xb8;
	[tilespmem:$0x1C800] =	vst v63  }
0x5d: {  	_ =	swait.ge [sflag:s12], $0x4000  }
0x5e: {  	[sflag:s12] =	ssyncset.done $0x0  }
0x5f: {  	[sflag:s12] =	ssyncadd.s32 $0xFFFFC000  }
0x60: {  	_ =	swait.ge [sflag:s19], $0x4000  }
0x61: {  	[sflag:s19] =	ssyncset.done $0x0  }
0x62: {  	[sflag:s19] =	ssyncadd.s32 $0xFFFFC000  }
0x63: {  	[spmem:s1] =	stream.indirect.scatter.add.f32 [tilespmem:s16], [sflag:$0x3], $0x80, s0, s14, $0xb8;
	[tilespmem:$0x1C800] =	vst v63  }
0x64: {  	_ =	swait.ge [sflag:s12], $0x4000  }
0x65: {  	s5 =	simm.s32 $0x80;
	s7 =	simm.s32 $0x100;
	[sflag:s12] =	ssyncset.done $0x0  }
.LBB2_2:
0x66: {  	s6 =	sadd.s32 s5, s10  }
0x67: {  	[sflag:s12] =	ssyncadd.s32 $0xFFFFC000;
	s11 =	smov.u32 s7;
	s8 =	sadd.s32 $0x80, s7  }
0x68: {  	[tilespmem:s3], [sflag:$0x3] =	stream.linear.gather [hbm4b:s6+s3], $0x400, $0x38;
	[tilespmem:$0x1C800] =	vst v63  }
0x69: {  	p0 =	sne.s32 s7, $0x480;
	_ =	swait.ge [sflag:s12], $0x400  }
0x6a: {  	[sflag:s12] =	ssyncset.done $0x0  }
0x6b: {  	s6 =	sadd.s32 s5, s9;
	s5 =	smov.u32 s11;
	[sflag:s12] =	ssyncadd.s32 $0xFFFFFC00  }
0x6c: {  	[tilespmem:s13], [sflag:$0x3] =	stream.linear.gather [hbm4b:s6+s3], $0x400, $0x38;
	[tilespmem:$0x1C800] =	vst v63  }
0x6d: {  	_ =	swait.ge [sflag:s12], $0x400  }
0x6e: {  	[sflag:s12] =	ssyncset.done $0x0  }
0x6f: {  	[sflag:s12] =	ssyncadd.s32 $0xFFFFFC00  }
0x70: {  	[tilespmem:s15], [sflag:$0x1] =	stream.indirect.gather [hbm4b:s4+s14], $0x80, s3, s14, $0xb8;
	[tilespmem:$0x1C800] =	vst v63  }
0x71: {  	_ = 	snop  }
0x72: {  	[tilespmem:s16], [sflag:$0x2] =	stream.indirect.gather [hbm4b:s4+s14], $0x80, s14, s14, $0xb8;
	[tilespmem:$0x1C800] =	vst v63  }
0x73: {  	_ =	swait.ge [sflag:s17], $0x4000  }
0x74: {  	[sflag:s17] =	ssyncset.done $0x0  }
0x75: {  	[sflag:s17] =	ssyncadd.s32 $0xFFFFC000  }
0x76: {  	[spmem:s1] =	stream.indirect.scatter.add.f32 [tilespmem:s15], [sflag:$0x3], $0x80, s13, s14, $0xb8;
	[tilespmem:$0x1C800] =	vst v63  }
0x77: {  	_ =	swait.ge [sflag:s12], $0x4000  }
0x78: {  	[sflag:s12] =	ssyncset.done $0x0  }
0x79: {  	[sflag:s12] =	ssyncadd.s32 $0xFFFFC000  }
0x7a: {  	[tilespmem:s15], [sflag:$0x1] =	stream.indirect.gather [hbm4b:s4+s14], $0x80, s18, s14, $0xb8;
	[tilespmem:$0x1C800] =	vst v63  }
0x7b: {  	_ =	swait.ge [sflag:s19], $0x4000  }
0x7c: {  	[sflag:s19] =	ssyncset.done $0x0  }
0x7d: {  	[sflag:s19] =	ssyncadd.s32 $0xFFFFC000  }
0x7e: {  	[spmem:s1] =	stream.indirect.scatter.add.f32 [tilespmem:s16], [sflag:$0x3], $0x80, s20, s14, $0xb8;
	[tilespmem:$0x1C800] =	vst v63  }
0x7f: {  	_ =	swait.ge [sflag:s12], $0x4000  }
0x80: {  	[sflag:s12] =	ssyncset.done $0x0  }
0x81: {  	[sflag:s12] =	ssyncadd.s32 $0xFFFFC000  }
0x82: {  	[tilespmem:s16], [sflag:$0x2] =	stream.indirect.gather [hbm4b:s4+s14], $0x80, s21, s14, $0xb8;
	[tilespmem:$0x1C800] =	vst v63  }
0x83: {  	_ =	swait.ge [sflag:s17], $0x4000  }
0x84: {  	[sflag:s17] =	ssyncset.done $0x0  }
0x85: {  	[sflag:s17] =	ssyncadd.s32 $0xFFFFC000  }
0x86: {  	[spmem:s1] =	stream.indirect.scatter.add.f32 [tilespmem:s15], [sflag:$0x3], $0x80, s22, s14, $0xb8;
	[tilespmem:$0x1C800] =	vst v63  }
0x87: {  	_ =	swait.ge [sflag:s12], $0x4000  }
0x88: {  	[sflag:s12] =	ssyncset.done $0x0  }
0x89: {  	[sflag:s12] =	ssyncadd.s32 $0xFFFFC000  }
0x8a: {  	[tilespmem:s15], [sflag:$0x1] =	stream.indirect.gather [hbm4b:s4+s14], $0x80, s23, s14, $0xb8;
	[tilespmem:$0x1C800] =	vst v63  }
0x8b: {  	_ =	swait.ge [sflag:s19], $0x4000  }
0x8c: {  	[sflag:s19] =	ssyncset.done $0x0  }
0x8d: {  	[sflag:s19] =	ssyncadd.s32 $0xFFFFC000  }
0x8e: {  	[spmem:s1] =	stream.indirect.scatter.add.f32 [tilespmem:s16], [sflag:$0x3], $0x80, s24, s14, $0xb8;
	[tilespmem:$0x1C800] =	vst v63  }
0x8f: {  	_ =	swait.ge [sflag:s12], $0x4000  }
0x90: {  	[sflag:s12] =	ssyncset.done $0x0  }
0x91: {  	[sflag:s12] =	ssyncadd.s32 $0xFFFFC000  }
0x92: {  	[tilespmem:s16], [sflag:$0x2] =	stream.indirect.gather [hbm4b:s4+s14], $0x80, s25, s14, $0xb8;
	[tilespmem:$0x1C800] =	vst v63  }
0x93: {  	_ =	swait.ge [sflag:s17], $0x4000  }
0x94: {  	[sflag:s17] =	ssyncset.done $0x0  }
0x95: {  	[sflag:s17] =	ssyncadd.s32 $0xFFFFC000  }
0x96: {  	[spmem:s1] =	stream.indirect.scatter.add.f32 [tilespmem:s15], [sflag:$0x3], $0x80, s26, s14, $0xb8;
	[tilespmem:$0x1C800] =	vst v63  }
0x97: {  	_ =	swait.ge [sflag:s12], $0x4000  }
0x98: {  	[sflag:s12] =	ssyncset.done $0x0  }
0x99: {  	[sflag:s12] =	ssyncadd.s32 $0xFFFFC000  }
0x9a: {  	[tilespmem:s15], [sflag:$0x1] =	stream.indirect.gather [hbm4b:s4+s14], $0x80, s28, s14, $0xb8;
	[tilespmem:$0x1C800] =	vst v63  }
0x9b: {  	_ =	swait.ge [sflag:s19], $0x4000  }
0x9c: {  	[sflag:s19] =	ssyncset.done $0x0  }
0x9d: {  	[sflag:s19] =	ssyncadd.s32 $0xFFFFC000  }
0x9e: {  	[spmem:s1] =	stream.indirect.scatter.add.f32 [tilespmem:s16], [sflag:$0x3], $0x80, s29, s14, $0xb8;
	[tilespmem:$0x1C800] =	vst v63  }
0x9f: {  	_ =	swait.ge [sflag:s12], $0x4000  }
0xa0: {  	[sflag:s12] =	ssyncset.done $0x0  }
0xa1: {  	[sflag:s12] =	ssyncadd.s32 $0xFFFFC000  }
0xa2: {  	[tilespmem:s16], [sflag:$0x2] =	stream.indirect.gather [hbm4b:s4+s14], $0x80, s30, s14, $0xb8;
	[tilespmem:$0x1C800] =	vst v63  }
0xa3: {  	_ =	swait.ge [sflag:s17], $0x4000  }
0xa4: {  	[sflag:s17] =	ssyncset.done $0x0  }
0xa5: {  	[sflag:s17] =	ssyncadd.s32 $0xFFFFC000  }
0xa6: {  	[spmem:s1] =	stream.indirect.scatter.add.f32 [tilespmem:s15], [sflag:$0x3], $0x80, s31, s14, $0xb8;
	[tilespmem:$0x1C800] =	vst v63  }
0xa7: {  	_ =	swait.ge [sflag:s12], $0x4000  }
0xa8: {  	[sflag:s12] =	ssyncset.done $0x0  }
0xa9: {  	[sflag:s12] =	ssyncadd.s32 $0xFFFFC000  }
0xaa: {  	_ =	swait.ge [sflag:s19], $0x4000  }
.Ltmp0:
0xab: {  	[sflag:s19] =	ssyncset.done $0x0;
	(pc) =	sbr.rel @p0 .LBB2_2-.Ltmp0, $4  }
0xac: {  	[sflag:s19] =	ssyncadd.s32 $0xFFFFC000  }
0xad: {  	[spmem:s1] =	stream.indirect.scatter.add.f32 [tilespmem:s16], [sflag:$0x3], $0x80, s0, s14, $0xb8;
	[tilespmem:$0x1C800] =	vst v63  }
0xae: {  	_ =	swait.ge [sflag:s12], $0x4000  }
0xaf: {  	s7 =	smov.u32 s8;
	[sflag:s12] =	ssyncset.done $0x0  }
0xb0: {  	s6 =	sadd.s32 s5, s10;
	[sflag:s12] =	ssyncadd.s32 $0xFFFFC000  }
0xb1: {  	[tilespmem:s3], [sflag:$0x3] =	stream.linear.gather [hbm4b:s6+s3], $0x400, $0x38;
	[tilespmem:$0x1C800] =	vst v63  }
0xb2: {  	_ =	swait.ge [sflag:s12], $0x400  }
0xb3: {  	[sflag:s12] =	ssyncset.done $0x0  }
0xb4: {  	s7 =	sadd.s32 s5, s9;
	[sflag:s12] =	ssyncadd.s32 $0xFFFFFC00  }
0xb5: {  	[tilespmem:s13], [sflag:$0x3] =	stream.linear.gather [hbm4b:s7+s3], $0x400, $0x38;
	[tilespmem:$0x1C800] =	vst v63  }
0xb6: {  	_ =	swait.ge [sflag:s12], $0x400  }
0xb7: {  	[sflag:s12] =	ssyncset.done $0x0  }
0xb8: {  	[sflag:s12] =	ssyncadd.s32 $0xFFFFFC00  }
0xb9: {  	[tilespmem:s15], [sflag:$0x1] =	stream.indirect.gather [hbm4b:s4+s14], $0x80, s3, s14, $0xb8;
	[tilespmem:$0x1C800] =	vst v63  }
0xba: {  	_ = 	snop  }
0xbb: {  	[tilespmem:s16], [sflag:$0x2] =	stream.indirect.gather [hbm4b:s4+s14], $0x80, s14, s14, $0xb8;
	[tilespmem:$0x1C800] =	vst v63  }
0xbc: {  	_ =	swait.ge [sflag:s17], $0x4000  }
0xbd: {  	[sflag:s17] =	ssyncset.done $0x0  }
0xbe: {  	[sflag:s17] =	ssyncadd.s32 $0xFFFFC000  }
0xbf: {  	[spmem:s1] =	stream.indirect.scatter.add.f32 [tilespmem:s15], [sflag:$0x3], $0x80, s13, s14, $0xb8;
	[tilespmem:$0x1C800] =	vst v63  }
0xc0: {  	_ =	swait.ge [sflag:s12], $0x4000  }
0xc1: {  	[sflag:s12] =	ssyncset.done $0x0  }
0xc2: {  	[sflag:s12] =	ssyncadd.s32 $0xFFFFC000  }
0xc3: {  	[tilespmem:s15], [sflag:$0x1] =	stream.indirect.gather [hbm4b:s4+s14], $0x80, s18, s14, $0xb8;
	[tilespmem:$0x1C800] =	vst v63  }
0xc4: {  	_ =	swait.ge [sflag:s19], $0x4000  }
0xc5: {  	[sflag:s19] =	ssyncset.done $0x0  }
0xc6: {  	[sflag:s19] =	ssyncadd.s32 $0xFFFFC000  }
0xc7: {  	[spmem:s1] =	stream.indirect.scatter.add.f32 [tilespmem:s16], [sflag:$0x3], $0x80, s20, s14, $0xb8;
	[tilespmem:$0x1C800] =	vst v63  }
0xc8: {  	_ =	swait.ge [sflag:s12], $0x4000  }
0xc9: {  	[sflag:s12] =	ssyncset.done $0x0  }
0xca: {  	[sflag:s12] =	ssyncadd.s32 $0xFFFFC000  }
0xcb: {  	[tilespmem:s16], [sflag:$0x2] =	stream.indirect.gather [hbm4b:s4+s14], $0x80, s21, s14, $0xb8;
	[tilespmem:$0x1C800] =	vst v63  }
0xcc: {  	_ =	swait.ge [sflag:s17], $0x4000  }
0xcd: {  	[sflag:s17] =	ssyncset.done $0x0  }
0xce: {  	[sflag:s17] =	ssyncadd.s32 $0xFFFFC000  }
0xcf: {  	[spmem:s1] =	stream.indirect.scatter.add.f32 [tilespmem:s15], [sflag:$0x3], $0x80, s22, s14, $0xb8;
	[tilespmem:$0x1C800] =	vst v63  }
0xd0: {  	_ =	swait.ge [sflag:s12], $0x4000  }
0xd1: {  	[sflag:s12] =	ssyncset.done $0x0  }
0xd2: {  	[sflag:s12] =	ssyncadd.s32 $0xFFFFC000  }
0xd3: {  	[tilespmem:s15], [sflag:$0x1] =	stream.indirect.gather [hbm4b:s4+s14], $0x80, s23, s14, $0xb8;
	[tilespmem:$0x1C800] =	vst v63  }
0xd4: {  	_ =	swait.ge [sflag:s19], $0x4000  }
0xd5: {  	[sflag:s19] =	ssyncset.done $0x0  }
0xd6: {  	[sflag:s19] =	ssyncadd.s32 $0xFFFFC000  }
0xd7: {  	[spmem:s1] =	stream.indirect.scatter.add.f32 [tilespmem:s16], [sflag:$0x3], $0x80, s24, s14, $0xb8;
	[tilespmem:$0x1C800] =	vst v63  }
0xd8: {  	_ =	swait.ge [sflag:s12], $0x4000  }
0xd9: {  	[sflag:s12] =	ssyncset.done $0x0  }
0xda: {  	[sflag:s12] =	ssyncadd.s32 $0xFFFFC000  }
0xdb: {  	[tilespmem:s16], [sflag:$0x2] =	stream.indirect.gather [hbm4b:s4+s14], $0x80, s25, s14, $0xb8;
	[tilespmem:$0x1C800] =	vst v63  }
0xdc: {  	_ =	swait.ge [sflag:s17], $0x4000  }
0xdd: {  	[sflag:s17] =	ssyncset.done $0x0  }
0xde: {  	[sflag:s17] =	ssyncadd.s32 $0xFFFFC000  }
0xdf: {  	[spmem:s1] =	stream.indirect.scatter.add.f32 [tilespmem:s15], [sflag:$0x3], $0x80, s26, s14, $0xb8;
	[tilespmem:$0x1C800] =	vst v63  }
0xe0: {  	_ =	swait.ge [sflag:s12], $0x4000  }
0xe1: {  	[sflag:s12] =	ssyncset.done $0x0  }
0xe2: {  	[sflag:s12] =	ssyncadd.s32 $0xFFFFC000  }
0xe3: {  	[tilespmem:s15], [sflag:$0x1] =	stream.indirect.gather [hbm4b:s4+s14], $0x80, s28, s14, $0xb8;
	[tilespmem:$0x1C800] =	vst v63  }
0xe4: {  	_ =	swait.ge [sflag:s19], $0x4000  }
0xe5: {  	[sflag:s19] =	ssyncset.done $0x0  }
0xe6: {  	[sflag:s19] =	ssyncadd.s32 $0xFFFFC000  }
0xe7: {  	[spmem:s1] =	stream.indirect.scatter.add.f32 [tilespmem:s16], [sflag:$0x3], $0x80, s29, s14, $0xb8;
	[tilespmem:$0x1C800] =	vst v63  }
0xe8: {  	_ =	swait.ge [sflag:s12], $0x4000  }
0xe9: {  	[sflag:s12] =	ssyncset.done $0x0  }
0xea: {  	[sflag:s12] =	ssyncadd.s32 $0xFFFFC000  }
0xeb: {  	[tilespmem:s16], [sflag:$0x2] =	stream.indirect.gather [hbm4b:s4+s14], $0x80, s30, s14, $0xb8;
	[tilespmem:$0x1C800] =	vst v63  }
0xec: {  	_ =	swait.ge [sflag:s17], $0x4000  }
0xed: {  	[sflag:s17] =	ssyncset.done $0x0  }
0xee: {  	[sflag:s17] =	ssyncadd.s32 $0xFFFFC000  }
0xef: {  	[spmem:s1] =	stream.indirect.scatter.add.f32 [tilespmem:s15], [sflag:$0x3], $0x80, s31, s14, $0xb8;
	[tilespmem:$0x1C800] =	vst v63  }
0xf0: {  	_ =	swait.ge [sflag:s12], $0x4000  }
0xf1: {  	[sflag:s12] =	ssyncset.done $0x0  }
0xf2: {  	[sflag:s12] =	ssyncadd.s32 $0xFFFFC000  }
0xf3: {  	_ =	swait.ge [sflag:s19], $0x4000  }
0xf4: {  	[sflag:s19] =	ssyncset.done $0x0  }
0xf5: {  	[sflag:s19] =	ssyncadd.s32 $0xFFFFC000  }
0xf6: {  	[spmem:s1] =	stream.indirect.scatter.add.f32 [tilespmem:s16], [sflag:$0x3], $0x80, s0, s14, $0xb8;
	[tilespmem:$0x1C800] =	vst v63  }
0xf7: {  	_ =	swait.ge [sflag:s12], $0x4000  }
0xf8: {  	[sflag:s12] =	ssyncset.done $0x0  }
0xf9: {  	[sflag:s12] =	ssyncadd.s32 $0xFFFFC000  }
0xfa: {  	[bflag:$0x0] =	sbarrier.arrive $0xFFFF  }
0xfb: {  	s6 =	rddreg [dreg:$0x5]  }
0xfc: {  	s8 =	rddreg [dreg:$0x6]  }
0xfd: {  	s7 =	rddreg [dreg:$0x8]  }
0xfe: {  	[hbm:s8], [sflag:s6] =	dma.local [spmem:s7], $0x2800  }
0xff: {  	_ =	swait.ge [sflag:s12], $0x2800  }
0x100: {  	s2 =	sadd.s32 $0x1, s2;
	s11 =	rddreg [dreg:$0x7]  }
0x101: {  	p0 =	sne.s32 s2, s11  }
.Ltmp1:
0x102: {  	_ = 	snop;
	(pc) =	sbr.rel @p0 .LBB2_1-.Ltmp1, $3  }
0x103: {  	_ =	sdelay $0x1  }
0x104: {  	[sflag:s12] =	ssyncset.done $0x0  }
0x105: {  	[sflag:s12] =	ssyncadd.s32 $0xFFFFD800  }
0x106: {  	_ =	sfence.sel $0x180000  }
0x107: {  	[bflag:$0x0] =	sbarrier.arrive $0xFFFF  }
0x108: {  	_ =	strace $0x9000004D  }
0x109: {  	s0 =	stileid.u32;
	[bflag:$0x2] =	sbarrier.arrive $0xFFFF  }
0x10a: {  	p0 =	sne.s32 s0, $0x0;
	s0 =	rddreg [dreg:$0x3]  }
0x10b: {  	s0 =	sadd.s32 @!p0 $0x100000, s0  }
0x10c: {  	[sflag:s0] =	ssyncadd.tile.s32 @!p0 $0x1;
	_ =	shalt  }
.Lfunc_end2:
_tile_overlayer_lowered:
.L_overlay_start_2:
0x10d: {  	(tag) =	ssettag $0x2  }
0x10e: {  	s0 =	rddreg [dreg:$0x0];
	s2 =	stileid.u32  }
0x10f: {  	s1 =	rddreg [dreg:$0x1];
	p0 =	sne.s32 s2, $0x0  }
0x110: {  	s3 =	rddreg [dreg:$0x2];
	[bflag:$0x3] =	sbarrier.arrive $0xFFFF;
	s2 =	simm.s32 @!p0 $0x1C03  }
0x111: {  	[timem:s3], [sflag:s2] =	dma.local @!p0 [hbm:s0], s1  }
0x112: {  	s0 =	simm.s32 @!p0 $0x3  }
0x113: {  	_ =	swait.ge @!p0 [sflag:s0], s1  }
0x114: {  	s1 =	ssub.s32 @!p0 $0x0, s1;
	[sflag:s0] =	ssyncset.done @!p0 $0x0  }
0x115: {  	[sflag:s0] =	ssyncadd.s32 @!p0 s1  }
0x116: {  	[bflag:$0x3] =	sbarrier.arrive $0xFFFF  }
0x117: {  	_ =	shalt  }

// kernel: kernel.9.cloned.1.call-start
scs
__scs_entry_jumppad:
0x0: {  	(pc) =	sbr.rel $0x88, $3  }
0x1: {  	(tag) =	ssettag $0x0;
	lr =	simm.s32 $0x1  }
0x2: {  	[smem:$0x3F93] =	sst lr;
	_ =	strace $0xD0000000  }
0x3: {  	_ = 	snop  }
0x4: {  	_ = 	snop  }
0x5: {  	_ = 	snop  }
0x6: {  	_ = 	snop  }
0x7: {  	_ = 	snop  }
__scs_overlays_trampoline_lowered:
0x8: {  	[smem:$0x3FA2] =	sst s0  }
0x9: {  	[smem:$0x3FA3] =	sst s1  }
0xa: {  	[smem:$0x3FA4] =	sst s2  }
0xb: {  	[smem:$0x3FA5] =	sst s3  }
0xc: {  	[smem:$0x3FA6] =	sst s4  }
0xd: {  	[smem:$0x3FA7] =	sst s5  }
0xe: {  	[smem:$0x3FA8] =	sst s6  }
0xf: {  	[smem:$0x3FA9] =	sst s7  }
0x10: {  	[smem:$0x3FAA] =	sst s8  }
0x11: {  	[smem:$0x3FAB] =	sst s9;
	s0 =	simm.s32 @!p0 $0x0  }
0x12: {  	s1 =	sld [smem:$0x3F91];
	s0 =	simm.s32 @p0 $0x1  }
0x13: {  	[smem:$0x3FAC] =	sst s0;
	s0 =	simm.s32 @!p1 $0x0  }
0x14: {  	s2 =	sld [smem:$0x3F90];
	s0 =	simm.s32 @p1 $0x1  }
0x15: {  	[smem:$0x3FAD] =	sst s0;
	s0 =	simm.s32 @!p2 $0x0  }
0x16: {  	s3 =	sld [smem:$0x3FDB];
	s0 =	simm.s32 @p2 $0x1  }
0x17: {  	s4 =	simm.s32 $0x1BF5;
	[smem:$0x3FAF] =	sst s0  }
0x18: {  	s0 =	sld [smem:$0x3F92];
	_ =	swait.ge [sflag:s4], $0x0  }
0x19: {  	s7 =	sld [smem:$0x3F93]  }
0x1a: {  	s8 =	sadd.s32 $0xFFFFE003, lr  }
0x1b: {  	s9 =	sadd.s32 $0xFFFFFEF7, lr;
	s5 =	simm.s32 $0xFFFFFFFF;
	p2 =	slt.u32 s8, $0xFFFFF086  }
0x1c: {  	p1 =	slt.u32 s9, $0xF7A;
	s5 =	simm.s32 @!p2 $0x0  }
0x1d: {  	s5 =	simm.s32 @p1 $0x1;
	p0 =	seq.s32 s7, s2  }
0x1e: {  	s7 =	smul.u32 @!p0 $0xF7A, s2;
	p2 =	seq.s32 @!p0 s5, $0x0  }
0x1f: {  	s9 =	smul.u32 $0xF7A, s1;
	s8 =	simm.s32 @!p0 $0x1BF5;
	p2 =	por !p2, p0  }
0x20: {  	[sflag:s8] =	ssyncset.s32 @!p0 $0xFFFFF086;
	s6 =	sadd.s32 @!p0 s3, s7;
	s7 =	simm.s32 @!p0 $0x108  }
0x21: {  	s3 =	sadd.s32 s3, s9;
	s6 =	sadd.s32 @!p0 $0x88, s6;
	s7 =	simm.s32 @p2 $0x1082  }
0x22: {  	[simem:s7], [sflag:s8] =	dma.local @!p0 [hbm:s6], $0xF7A  }
0x23: {  	s9 =	sor.u32 $0xD0000000, s2;
	s6 =	simm.s32 $0x108;
	_ =	swait.ge @!p0 [sflag:s8], $0x0  }
0x24: {  	s3 =	sadd.s32 $0x88, s3;
	s6 =	simm.s32 @!p1 $0x1082;
	[sflag:s4] =	ssyncset.s32 $0xFFFFF086  }
0x25: {  	[simem:s6], [sflag:s4] =	dma.local [hbm:s3], $0xF7A  }
0x26: {  	[smem:$0x3F93] =	sst s1;
	(tag) =	ssettag s2;
	_ =	strace s9  }
0x27: {  	s1 =	sld [smem:$0x3FA3]  }
0x28: {  	s2 =	sld [smem:$0x3FA4]  }
0x29: {  	s4 =	sld [smem:$0x3FA6]  }
0x2a: {  	p0 =	seq.s32 s5, $0x0;
	s5 =	sld [smem:$0x3FA7]  }
0x2b: {  	s6 =	sld [smem:$0x3FA8]  }
0x2c: {  	s7 =	sld [smem:$0x3FA9]  }
0x2d: {  	s3 =	simm.s32 $0x108;
	s8 =	sld [smem:$0x3FAA]  }
0x2e: {  	s3 =	simm.s32 @!p0 $0x1082;
	s9 =	sld [smem:$0x3FAB]  }
0x2f: {  	lr =	sadd.s32 s0, s3;
	s0 =	sld [smem:$0x3FA2]  }
0x30: {  	s3 =	sld [smem:$0x3FA5]  }
0x31: {  	[smem:$0x3FAE] =	sst s10  }
0x32: {  	s10 =	sld [smem:$0x3FAC];
	_ =	sdelay $0x3  }
0x33: {  	p0 =	seq.s32 s10, $0x1;
	s10 =	sld [smem:$0x3FAE];
	_ =	sdelay $0x3  }
0x34: {  	[smem:$0x3FAE] =	sst s10  }
0x35: {  	s10 =	sld [smem:$0x3FAD];
	_ =	sdelay $0x3  }
0x36: {  	p1 =	seq.s32 s10, $0x1;
	s10 =	sld [smem:$0x3FAE];
	_ =	sdelay $0x3  }
0x37: {  	[smem:$0x3FAE] =	sst s10  }
0x38: {  	s10 =	sld [smem:$0x3FAF]  }
0x39: {  	_ = 	snop;
	(pc) =	sbr.ind lr, $3  }
0x3a: {  	_ = 	snop  }
0x3b: {  	_ = 	snop  }
0x3c: {  	p2 =	seq.s32 s10, $0x1;
	s10 =	sld [smem:$0x3FAE]  }
0x3d: {  	_ =	shalt  }
0x3e: {  	_ =	shalt  }
0x3f: {  	_ =	shalt  }
0x40: {  	_ =	shalt  }
0x41: {  	_ =	shalt  }
0x42: {  	_ =	shalt  }
0x43: {  	_ =	shalt  }
0x44: {  	_ =	shalt  }
0x45: {  	_ =	shalt  }
0x46: {  	_ =	shalt  }
0x47: {  	_ =	shalt  }
0x48: {  	_ =	shalt  }
0x49: {  	_ =	shalt  }
0x4a: {  	_ =	shalt  }
0x4b: {  	_ =	shalt  }
0x4c: {  	_ =	shalt  }
0x4d: {  	_ =	shalt  }
0x4e: {  	_ =	shalt  }
0x4f: {  	_ =	shalt  }
0x50: {  	_ =	shalt  }
0x51: {  	_ =	shalt  }
0x52: {  	_ =	shalt  }
0x53: {  	_ =	shalt  }
0x54: {  	_ =	shalt  }
0x55: {  	_ =	shalt  }
0x56: {  	_ =	shalt  }
0x57: {  	_ =	shalt  }
0x58: {  	_ =	shalt  }
0x59: {  	_ =	shalt  }
0x5a: {  	_ =	shalt  }
0x5b: {  	_ =	shalt  }
0x5c: {  	_ =	shalt  }
0x5d: {  	_ =	shalt  }
0x5e: {  	_ =	shalt  }
0x5f: {  	_ =	shalt  }
0x60: {  	_ =	shalt  }
0x61: {  	_ =	shalt  }
0x62: {  	_ =	shalt  }
0x63: {  	_ =	shalt  }
0x64: {  	_ =	shalt  }
0x65: {  	_ =	shalt  }
0x66: {  	_ =	shalt  }
0x67: {  	_ =	shalt  }
0x68: {  	_ =	shalt  }
0x69: {  	_ =	shalt  }
0x6a: {  	_ =	shalt  }
0x6b: {  	_ =	shalt  }
0x6c: {  	_ =	shalt  }
0x6d: {  	_ =	shalt  }
0x6e: {  	_ =	shalt  }
0x6f: {  	_ =	shalt  }
0x70: {  	_ =	shalt  }
0x71: {  	_ =	shalt  }
0x72: {  	_ =	shalt  }
0x73: {  	_ =	shalt  }
0x74: {  	_ =	shalt  }
0x75: {  	_ =	shalt  }
0x76: {  	_ =	shalt  }
0x77: {  	_ =	shalt  }
0x78: {  	_ =	shalt  }
0x79: {  	_ =	shalt  }
0x7a: {  	_ =	shalt  }
0x7b: {  	_ =	shalt  }
0x7c: {  	_ =	shalt  }
0x7d: {  	_ =	shalt  }
0x7e: {  	_ =	shalt  }
0x7f: {  	_ =	shalt  }
0x80: {  	_ =	shalt  }
0x81: {  	_ =	shalt  }
0x82: {  	_ =	shalt  }
0x83: {  	_ =	shalt  }
0x84: {  	_ =	shalt  }
0x85: {  	_ =	shalt  }
0x86: {  	_ =	shalt  }
0x87: {  	_ =	shalt  }
.Lfunc_end0:
.L_simem_size_0:
called_computation_lowered:
.L_overlay_start_0:
0x88: {  	s2 =	sld [smem:$0x3FD9]  }
0x89: {  	s3 =	sld [smem:$0x3FFE];
	_ =	sdelay $0x1  }
0x8a: {  	s1 =	srdreg.scid  }
0x8b: {  	s0 =	sand.u32 $0x1, s1  }
0x8c: {  	s14 =	sshll.u32 s0, $0xA;
	s2 =	sadd.s32 s3, s2  }
0x8d: {  	s2 =	sadd.s32 s2, s14  }
0x8e: {  	[smem:$0x3FBA] =	sst s2  }
0x8f: {  	_ = 	snop  }
0x90: {  	s2 =	sld [smem:$0x3FD0];
	_ =	sdelay $0x2  }
0x91: {  	s15 =	simm.s32 $0xA;
	s4 =	simm.s32 $0x10  }
0x92: {  	[smem:s4], [sflag:s15] =	dma.local [hbm:s2], $0x1  }
0x93: {  	_ =	swait.eq [sflag:s15], $0x1  }
0x94: {  	[sflag:s15] =	ssyncset.done $0x0  }
0x95: {  	s16 =	sld [smem:$0x10];
	[sflag:s15] =	ssyncadd.s32 $0xFFFFFFFF  }
0x96: {  	s17 =	sld [smem:$0x11];
	(tm) =	ssettm $0x1  }
0x97: {  	s18 =	sld [smem:$0x3FFB];
	_ =	sdelay $0x3  }
0x98: {  	_ =	strace s18  }
0x99: {  	s4 =	sld [smem:$0x3FFC];
	_ =	sdelay $0x3  }
0x9a: {  	_ =	strace s4  }
0x9b: {  	s4 =	sld [smem:$0x3FFD];
	_ =	sdelay $0x3  }
0x9c: {  	_ =	strace s4  }
0x9d: {  	_ =	strace $0x8FFFFFFF  }
0x9e: {  	s19 =	sld [smem:$0x3FDB];
	_ =	sdelay $0x1  }
0x9f: {  	s5 =	simm.s32 $_scs_section_size  }
0xa0: {  	s6 =	simm.s32 $_size__tile_overlayer_lowered;
	s7 =	simm.s32 $_tile_overlayer_lowered  }
0xa1: {  	s22 =	simm.s32 $0x1BFF;
	s21 =	sshll.u32 s7, $0x1;
	s4 =	sadd.s32 s5, s19  }
0xa2: {  	s8 =	simm.s32 $0x0;
	s20 =	sshll.u32 s6, $0x1;
	s6 =	sadd.s32 s21, s4  }
0xa3: {  	[timem:s8], [sflag:s22] =	dma.local [hbm:s6], s20  }
0xa4: {  	_ =	swait.ge [sflag:s22], s20  }
0xa5: {  	s5 =	ssub.s32 $0x0, s20;
	[sflag:s22] =	ssyncset.done $0x0  }
0xa6: {  	[sflag:s22] =	ssyncadd.s32 s5;
	_ =	sdelay $0x1  }
0xa7: {  	s23 =	simm.s32 $0x1B8B  }
0xa8: {  	_ =	swait.ge [sflag:s23], $0x1  }
0xa9: {  	[sflag:s23] =	ssyncset.done $0x0  }
0xaa: {  	s25 =	simm.s32 $0x1B8E;
	s24 =	sld [smem:$0x3FFE];
	[sflag:s23] =	ssyncadd.s32 $0xFFFFFFFF  }
0xab: {  	s26 =	simm.s32 $execute0_lowered;
	[smem:$0x3FD2] =	sst s25  }
0xac: {  	s6 =	sshll.u32 s26, $0x1;
	_ =	strace $0x80000046;
	[dreg:$0x1] =	wrdreg $0xFFFFFFFF  }
0xad: {  	s28 =	simm.s32 $_size_execute0_lowered;
	s4 =	sadd.s32 s4, s6;
	[dreg:$0x0] =	wrdreg $0x0  }
0xae: {  	s6 =	sshll.u32 s28, $0x1;
	[dreg:$0x2] =	wrdreg s4  }
0xaf: {  	[dreg:$0x3] =	wrdreg s6  }
0xb0: {  	[dreg:$0x4] =	wrdreg $0xC0  }
0xb1: {  	_ =	task [dreg:s8], $0x5FFFF  }
0xb2: {  	[dreg:$0x1] =	wrdreg $0xFFFFFFFF  }
0xb3: {  	[dreg:$0x0] =	wrdreg $0x60  }
0xb4: {  	[dreg:$0x2] =	wrdreg s16  }
0xb5: {  	[dreg:$0x3] =	wrdreg s17  }
0xb6: {  	[dreg:$0x4] =	wrdreg s24  }
0xb7: {  	[dreg:$0x5] =	wrdreg $0x68000  }
0xb8: {  	[dreg:$0x6] =	wrdreg $0x9  }
0xb9: {  	_ =	task.clear_ibuf [dreg:s8], $0x7FFFF;
	_ =	strace $0x90000046  }
0xba: {  	s29 =	simm.s32 $0x9;
	_ =	strace $0x80000048  }
0xbb: {  	_ =	swait.ge [sflag:s29], $0x1  }
0xbc: {  	[sflag:s29] =	ssyncadd.s32 $0xFFFFFFFF  }
0xbd: {  	_ =	strace $0x90000048  }
0xbe: {  	_ =	sfence  }
0xbf: {  	s30 =	sld [smem:$0x0];
	_ =	sdelay $0x2  }
0xc0: {  	s31 =	sshll.u32 s1, $0xD;
	s1 =	sshrl.u32 s1, $0x2  }
0xc1: {  	s3 =	sand.u32 $0x4000, s31;
	s1 =	sadd.s32 s1, s30  }
0xc2: {  	s0 =	sor.u32 s3, s0;
	s1 =	sshll.u32 s1, $0x11  }
0xc3: {  	s0 =	sor.u32 s1, s0  }
0xc4: {  	s0 =	sadd.s32 $0x8F2B, s0  }
0xc5: {  	[sflag:s0] =	ssyncadd.remote.s32 $0x1  }
0xc6: {  	_ =	sfence.sel $0xFFFF  }
0xc7: {  	[dreg:$0x0] =	wrdreg $0xFFFFFFFF;
	(pc) =	sbr.abs _section_cstart, $3  }
0xc8: {  	[dreg:$0x1] =	wrdreg $0xFFFFFFFF  }
0xc9: {  	_ =	task.clear_ibuf [dreg:s8], $0x2FFFF;
	_ =	strace $0x9FFFFFFF  }
0xca: {  	(tm) =	ssettm $0x7FFFFFFF  }
0xcb: {  	_ =	shalt  }
tec
execute0_lowered:
.L_overlay_start_1:
0x0: {  	(tag) =	ssettag $0x1  }
0x1: {  	s1 =	rddreg [dreg:$0x0]  }
0x2: {  	s7 =	rddreg [dreg:$0x1];
	s0 =	stileid.u32  }
0x3: {  	s2 =	srdreg.scid;
	s5 =	rddreg [dreg:$0x2]  }
0x4: {  	s3 =	rddreg [dreg:$0x3];
	s4 =	simm.s32 $0x0;
	s13 =	simm.s32 $0x80  }
0x5: {  	s6 =	smul.u32 $0x14000, s0;
	s8 =	sand.u32 $0x1, s2;
	s2 =	rddreg [dreg:$0x4]  }
0x6: {  	s14 =	simm.s32 $0x0;
	[smem:$0x7FF] =	sst s4;
	s11 =	smul.u32 $0x50000, s0  }
0x7: {  	s31 =	sshll.u32 s0, $0x6;
	s9 =	smul.u32 $0x140000, s8;
	_ =	strace $0x80000047  }
0x8: {  	s26 =	ssub.s32 $0x2, s8;
	s8 =	sshll.u32 s8, $0x4;
	s10 =	sshrl.u32 s6, $0x3  }
0x9: {  	s28 =	sshrl.u32 s26, $0x1;
	s29 =	sor.u32 s0, s8;
	s30 =	sshrl.u32 s11, $0x2  }
0xa: {  	s6 =	sadd.s32 s6, s9;
	s25 =	sadd.s32 s10, s5;
	s10 =	ssub.s32 s26, s28  }
0xb: {  	s8 =	smul.u32 $0x500, s29;
	s11 =	sadd.s32 s30, s3;
	s6 =	sshrl.u32 s6, $0x3  }
0xc: {  	s9 =	smax.u32 s10, $0x1;
	s10 =	sshrl.u32 s11, $0x3;
	s11 =	simm.s32 $0x1  }
0xd: {  	s12 =	sadd.s32 s6, s5;
	s5 =	sadd.s32 $0xD600, s25;
	s6 =	sor.u32 $0x1C01, s31  }
0xe: {  	s7 =	sadd.s32 s7, s8;
	s8 =	sadd.s32 $0x35600, s12;
	s12 =	simm.s32 $0x2800  }
.LBB2_1:
0xf: {  	[spmem:s10], [sflag:s6] =	dma.local [hbm:s5], $0x2800  }
0x10: {  	_ =	swait.ge [sflag:s11], $0x2800  }
0x11: {  	[sflag:s11] =	ssyncset.done $0x0  }
0x12: {  	[sflag:s11] =	ssyncadd.s32 $0xFFFFD800  }
0x13: {  	[tilespmem:s4], [sflag:$0x1] =	stream.linear.gather [hbm4b:s7+s4], $0x2800, $0x38;
	[tilespmem:$0x1A800] =	vst v63  }
0x14: {  	_ =	swait.ge [sflag:s11], $0x2800  }
0x15: {  	[sflag:s11] =	ssyncset.done $0x0  }
0x16: {  	[sflag:s11] =	ssyncadd.s32 $0xFFFFD800  }
0x17: {  	[tilespmem:s12], [sflag:$0x1] =	stream.linear.gather [hbm4b:s1+s4], $0x4000, $0x38;
	[tilespmem:$0x1A800] =	vst v63  }
0x18: {  	_ =	swait.ge [sflag:s11], $0x4000  }
0x19: {  	[sflag:s11] =	ssyncset.done $0x0  }
0x1a: {  	[sflag:s11] =	ssyncadd.s32 $0xFFFFC000  }
0x1b: {  	s15 =	simm.s32 $0x0;
	[bflag:$0x0] =	sbarrier.arrive $0xFFFF  }
0x1c: {  	[spmem:s3] =	stream.indirect.scatter.add.f32 [tilespmem:s12], [sflag:$0x1], $0x80, s15, s13, $0xb8;
	[tilespmem:$0x1A800] =	vst v63  }
0x1d: {  	_ =	swait.ge [sflag:s11], $0x4000  }
0x1e: {  	s15 =	simm.s32 $0x200;
	[sflag:s11] =	ssyncset.done $0x0  }
.LBB2_2:
0x1f: {  	s16 =	sshra.s32 s15, $0x2;
	[sflag:s11] =	ssyncadd.s32 $0xFFFFC000;
	p0 =	sne.s32 s15, $0x9E00  }
0x20: {  	[spmem:s3] =	stream.indirect.scatter.add.f32 [tilespmem:s12], [sflag:$0x1], $0x80, s16, s13, $0xb8;
	[tilespmem:$0x1A800] =	vst v63  }
.Ltmp0:
0x21: {  	_ = 	snop;
	(pc) =	sbr.rel @p0 .LBB2_2-.Ltmp0, $4  }
0x22: {  	_ = 	snop  }
0x23: {  	s15 =	sadd.s32 $0x200, s15  }
0x24: {  	_ =	swait.ge [sflag:s11], $0x4000  }
0x25: {  	[sflag:s11] =	ssyncset.done $0x0  }
0x26: {  	s14 =	sadd.s32 $0x1, s14  }
0x27: {  	[sflag:s11] =	ssyncadd.s32 $0xFFFFC000;
	p0 =	sne.s32 s14, s9  }
.Ltmp1:
0x28: {  	[bflag:$0x0] =	sbarrier.arrive $0xFFFF;
	(pc) =	sbr.rel @p0 .LBB2_1-.Ltmp1, $4  }
0x29: {  	[hbm:s8], [sflag:s6] =	dma.local [spmem:s10], $0x2800  }
0x2a: {  	_ =	swait.ge [sflag:s11], $0x2800  }
0x2b: {  	[sflag:s11] =	ssyncset.done $0x0  }
0x2c: {  	[sflag:s11] =	ssyncadd.s32 $0xFFFFD800  }
0x2d: {  	_ =	sfence.sel $0x180000  }
0x2e: {  	[bflag:$0x0] =	sbarrier.arrive $0xFFFF  }
0x2f: {  	p0 =	sne.s32 s0, $0x0;
	_ =	strace $0x90000047  }
0x30: {  	s0 =	sadd.s32 @!p0 $0x100000, s2;
	[bflag:$0x2] =	sbarrier.arrive $0xFFFF  }
0x31: {  	[sflag:s0] =	ssyncadd.tile.s32 @!p0 $0x1;
	_ =	shalt  }
.Lfunc_end2:
_tile_overlayer_lowered:
.L_overlay_start_2:
0x32: {  	(tag) =	ssettag $0x2  }
0x33: {  	s0 =	rddreg [dreg:$0x0];
	s2 =	stileid.u32  }
0x34: {  	s1 =	rddreg [dreg:$0x1];
	p0 =	sne.s32 s2, $0x0  }
0x35: {  	s3 =	rddreg [dreg:$0x2];
	[bflag:$0x3] =	sbarrier.arrive $0xFFFF;
	s2 =	simm.s32 @!p0 $0x1C01  }
0x36: {  	[timem:s3], [sflag:s2] =	dma.local @!p0 [hbm:s0], s1  }
0x37: {  	s0 =	simm.s32 @!p0 $0x1  }
0x38: {  	_ =	swait.ge @!p0 [sflag:s0], s1  }
0x39: {  	s1 =	ssub.s32 @!p0 $0x0, s1;
	[sflag:s0] =	ssyncset.done @!p0 $0x0  }
0x3a: {  	[sflag:s0] =	ssyncadd.s32 @!p0 s1  }
0x3b: {  	[bflag:$0x3] =	sbarrier.arrive $0xFFFF  }
0x3c: {  	_ =	shalt  }

</sc_bundles>
